<compile_context>
chip_gen: v7x
topology: tpu7x:2x2x1
jax: 0.10.2.dev20260603
libtpu: 0.0.44.dev20260713+nightly
codegen_flags: <defaults>
</compile_context>

<pallas_src>
import jax
import jax.numpy as jnp
from jax import lax
from jax.experimental import pallas as pl
from jax.experimental.pallas import tpu as pltpu
from jax.experimental.pallas import tpu_sc as plsc

B, S, D, C = 4096, 50, 128, 1000
NC, NS = 2, 16
NW = NC * NS
BPW = B // NW
G = 2
NG = BPW // G
IDXM = G * S
NL = D // 16
NBUF = 4


def _sc_body(ids_hbm, emb_hbm, out_hbm, idx_v, *rest):
    bufs = rest[:NBUF]
    out_v, sem = rest[NBUF], rest[NBUF + 1]
    wid = lax.axis_index("s") * NC + lax.axis_index("c")
    base = wid * BPW
    pltpu.sync_copy(ids_hbm.at[wid], idx_v)

    one = jnp.ones((16,), jnp.float32)
    zero = jnp.zeros((16,), jnp.float32)
    lane = lax.iota(jnp.int32, 16)

    def nonzero_lens(j):
        offs = (0, 16, 32, 48, 64, 80, 84)
        ind = [jnp.where(idx_v[j, pl.ds(o, 16)] != 0, one, zero)
               for o in offs]
        split = jnp.where(lane < 2, ind[3], zero)
        tail = jnp.where(lane >= 12, ind[6], zero)
        cnt0 = ind[0] + ind[1] + ind[2] + split
        cnt1 = (ind[3] - split) + ind[4] + ind[5] + tail
        def lanesum(v):
            t = v[0]
            for i in range(1, 16):
                t = t + v[i]
            return t
        inv0 = one / jnp.maximum(zero + lanesum(cnt0), one)
        inv1 = one / jnp.maximum(zero + lanesum(cnt1), one)
        return inv0, inv1

    def accumulate(j, rows_v):
        def inner(r2, accs):
            accs = list(accs)
            for dr in range(2):
                r = r2 * 2 + dr
                for g in range(G):
                    for c in range(NL):
                        accs[g * NL + c] = (accs[g * NL + c]
                                            + rows_v[g * S + r,
                                                     pl.ds(c * 16, 16)])
            return tuple(accs)

        accs = lax.fori_loop(
            0, S // 2, inner,
            tuple(jnp.zeros((16,), jnp.float32) for _ in range(G * NL)))
        invs = nonzero_lens(j)
        for g in range(G):
            for c in range(NL):
                out_v[j * G + g, pl.ds(c * 16, 16)] = (accs[g * NL + c]
                                                       * invs[g])

    def wait_gather(j, rows_v):
        pltpu.make_async_copy(emb_hbm.at[idx_v.at[j]], rows_v, sem).wait()

    for b in range(NBUF - 1):
        pltpu.async_copy(emb_hbm.at[idx_v.at[b]], bufs[b], sem)

    def ring(p, carry):
        j = p * NBUF
        for b in range(NBUF):
            wait_gather(j + b, bufs[b])
            nxt = j + b + NBUF - 1

            @pl.when(nxt < NG)
            def _():
                pltpu.async_copy(
                    emb_hbm.at[idx_v.at[nxt]], bufs[(b + NBUF - 1) % NBUF],
                    sem)

            accumulate(j + b, bufs[b])
        return carry

    lax.fori_loop(0, NG // NBUF, ring, 0)
    pltpu.sync_copy(out_v, out_hbm.at[pl.ds(base, BPW)])


def _sc_avg_pool(ids_grouped, emb):
    mesh = plsc.VectorSubcoreMesh(
        core_axis_name="c", subcore_axis_name="s",
        num_cores=NC, num_subcores=NS)
    f = pl.kernel(
        _sc_body,
        out_type=jax.ShapeDtypeStruct((B, D), jnp.float32),
        mesh=mesh,
        scratch_types=(
            [pltpu.VMEM((NG, IDXM), jnp.int32)]
            + [pltpu.VMEM((IDXM, D), jnp.float32) for _ in range(NBUF)]
            + [pltpu.VMEM((BPW, D), jnp.float32),
               pltpu.SemaphoreType.DMA]),
    )
    return f(ids_grouped, emb)


def _tc_body(avg_ref, w_ref, b_ref, out_ref):
    out_ref[...] = (
        jnp.dot(avg_ref[...], w_ref[...],
                preferred_element_type=jnp.float32)
        + b_ref[...])


def _tc_classify(avg, W, b):
    bm = 512
    return pl.pallas_call(
        _tc_body,
        grid=(B // bm,),
        in_specs=[
            pl.BlockSpec((bm, D), lambda i: (i, 0)),
            pl.BlockSpec((D, C), lambda i: (0, 0)),
            pl.BlockSpec((1, C), lambda i: (0, 0)),
        ],
        out_specs=pl.BlockSpec((bm, C), lambda i: (i, 0)),
        out_shape=jax.ShapeDtypeStruct((B, C), jnp.float32),
    )(avg, W, b.reshape(1, C))


def kernel(ids, emb, W, b):
    ids = ids.astype(jnp.int32)
    ids_grouped = ids.reshape(NW, NG, IDXM)
    avg = _sc_avg_pool(ids_grouped, emb)
    return _tc_classify(avg, W, b)

# --- scband reference (transcript-rebuilt; emitter-appended) ---
"""Pipeline reference for scband-avg-pool-classifier-88648124990181 (READ-ONLY COPY).

The authoritative reference and input builder live on the scoring server;
editing this copy changes nothing except your own understanding.
"""

import jax, jax.numpy as jnp
import numpy as np

VOCAB = 100000
EMBED_DIM = 128
NUM_CLASSES = 1000
BATCH = 4096
SEQ = 50


def setup_inputs(seed: int = 0) -> dict:
    key = jax.random.key(seed)
    k_ids, k_emb, k_w, k_b = jax.random.split(key, 4)
    ids = jax.random.randint(k_ids, (BATCH, SEQ), 0, VOCAB, dtype=jnp.int64 if jax.config.jax_enable_x64 else jnp.int32)
    emb = jax.random.normal(k_emb, (VOCAB, EMBED_DIM), dtype=jnp.float32)
    # padding_idx=0 row is zero in torch nn.Embedding
    emb = emb.at[0].set(0.0)
    W = jax.random.normal(k_w, (EMBED_DIM, NUM_CLASSES), dtype=jnp.float32) * (1.0 / np.sqrt(EMBED_DIM))
    b = jnp.zeros((NUM_CLASSES,), dtype=jnp.float32)
    return {"ids": ids, "emb": emb, "W": W, "b": b}


def reference(ids, emb, W, b):
    e = jnp.take(emb, ids, axis=0)                 # [B, S, D] gather
    mask = (ids != 0)[..., None].astype(e.dtype)   # [B, S, 1]
    summed = (e * mask).sum(axis=1)                # [B, D]
    lens = jnp.clip(mask.sum(axis=1), 1.0, None)   # [B, 1]
    avg = summed / lens
    return avg @ W + b                             # [B, num_classes]

if __name__ == "__main__":
    import jax
    _d = setup_inputs()
    print(jax.jit(kernel)(*tuple(_d.values())))

</pallas_src>

<mosaic_0001>
#map = affine_map<(d0, d1) -> (0, 0, 0)>
#map1 = affine_map<(d0, d1) -> (0, 0)>
module attributes {stable_mosaic.version = 14 : i64} {
  func.func @_sc_body(%arg0: i32, %arg1: i32, %arg2: memref<32x64x100xi32, #tpu.memory_space<hbm>>, %arg3: memref<100000x128xf32, #tpu.memory_space<hbm>>, %arg4: memref<4096x128xf32, #tpu.memory_space<hbm>>, %arg5: memref<64x100xi32, #tpu.memory_space<vmem>>, %arg6: memref<100x128xf32, #tpu.memory_space<vmem>>, %arg7: memref<100x128xf32, #tpu.memory_space<vmem>>, %arg8: memref<100x128xf32, #tpu.memory_space<vmem>>, %arg9: memref<100x128xf32, #tpu.memory_space<vmem>>, %arg10: memref<128x128xf32, #tpu.memory_space<vmem>>, %arg11: memref<!tpu.dma_semaphore, #tpu.memory_space<semaphore_mem>>) attributes {dimension_semantics = [#tpu.dimension_semantics<core_parallel>, #tpu.dimension_semantics<subcore_parallel>], iteration_bounds = array<i64: 2, 16>, scalar_prefetch = 0 : i64, scratch_operands = 7 : i64, tpu.core_type = #tpu.core_type<sc_vector_subcore>, window_params = [{transform_indices = #map}, {transform_indices = #map1}, {transform_indices = #map1}]} {
    %mul3A = arith.constant 2 : i32
    %mul3A_0 = arith.muli %arg1, %mul3A : i32
    %add3A = arith.addi %mul3A_0, %arg0 : i32
    %mul3A_1 = arith.constant 128 : i32
    %mul3A_2 = arith.muli %add3A, %mul3A_1 : i32
    "tpu.region"() ({
      %run_scoped3A = tpu.sem_alloc : memref<!tpu.dma_semaphore, #tpu.memory_space<semaphore_mem>>
      %dma_start3A_31 = arith.constant 0 : i32
      %dma_start3A_32 = arith.constant 0 : i32
      %dma_start3A_33 = tpu.memref_slice %arg2[%add3A, %dma_start3A_31, %dma_start3A_32] : memref<32x64x100xi32, #tpu.memory_space<hbm>> -> memref<1x64x100xi32, #tpu.memory_space<hbm>>
      %dma_start3A_34 = tpu.memref_squeeze %dma_start3A_33 : memref<1x64x100xi32, #tpu.memory_space<hbm>> -> memref<64x100xi32, #tpu.memory_space<hbm>>
      %dma_start3A_35 = arith.constant 0 : i32
      %dma_start3A_36 = arith.constant 0 : i32
      %dma_start3A_37 = tpu.memref_slice %arg2[%add3A, %dma_start3A_35, %dma_start3A_36] : memref<32x64x100xi32, #tpu.memory_space<hbm>> -> memref<1x64x100xi32, #tpu.memory_space<hbm>>
      %dma_start3A_38 = tpu.memref_squeeze %dma_start3A_37 : memref<1x64x100xi32, #tpu.memory_space<hbm>> -> memref<64x100xi32, #tpu.memory_space<hbm>>
      tpu.enqueue_dma source(%dma_start3A_38 : memref<64x100xi32, #tpu.memory_space<hbm>>) target(%arg5 : memref<64x100xi32, #tpu.memory_space<vmem>>) target_semaphore(%run_scoped3A : memref<!tpu.dma_semaphore, #tpu.memory_space<semaphore_mem>>)
      %dma_wait3A = arith.constant 0 : i32
      %dma_wait3A_39 = arith.constant 0 : i32
      %dma_wait3A_40 = tpu.memref_slice %arg2[%add3A, %dma_wait3A, %dma_wait3A_39] : memref<32x64x100xi32, #tpu.memory_space<hbm>> -> memref<1x64x100xi32, #tpu.memory_space<hbm>>
      %dma_wait3A_41 = tpu.memref_squeeze %dma_wait3A_40 : memref<1x64x100xi32, #tpu.memory_space<hbm>> -> memref<64x100xi32, #tpu.memory_space<hbm>>
      %dma_wait3A_42 = arith.constant 0 : i32
      %dma_wait3A_43 = arith.constant 0 : i32
      %dma_wait3A_44 = tpu.memref_slice %arg2[%add3A, %dma_wait3A_42, %dma_wait3A_43] : memref<32x64x100xi32, #tpu.memory_space<hbm>> -> memref<1x64x100xi32, #tpu.memory_space<hbm>>
      %dma_wait3A_45 = tpu.memref_squeeze %dma_wait3A_44 : memref<1x64x100xi32, #tpu.memory_space<hbm>> -> memref<64x100xi32, #tpu.memory_space<hbm>>
      tpu.wait_dma2 semaphore(%run_scoped3A : memref<!tpu.dma_semaphore, #tpu.memory_space<semaphore_mem>>) src(%dma_wait3A_45 : memref<64x100xi32, #tpu.memory_space<hbm>>) dst(%arg5 : memref<64x100xi32, #tpu.memory_space<vmem>>)
      tpu.yield
    }) : () -> ()
    %broadcast_in_dim3A = arith.constant 1.000000e+00 : f32
    %broadcast_in_dim3A_3 = vector.broadcast %broadcast_in_dim3A : f32 to vector<16xf32>
    %broadcast_in_dim3A_4 = arith.constant 0.000000e+00 : f32
    %broadcast_in_dim3A_5 = vector.broadcast %broadcast_in_dim3A_4 : f32 to vector<16xf32>
    %iota3A = tpu.iota {dimensions = array<i32: 0>} : vector<16xi32>
    %dma_start3A = arith.constant 0 : i32
    %dma_start3A_6 = arith.constant 0 : i32
    %dma_start3A_7 = tpu.memref_slice %arg5[%dma_start3A, %dma_start3A_6] : memref<64x100xi32, #tpu.memory_space<vmem>> -> memref<1x100xi32, #tpu.memory_space<vmem>>
    %dma_start3A_8 = tpu.memref_squeeze %dma_start3A_7 : memref<1x100xi32, #tpu.memory_space<vmem>> -> memref<100xi32, #tpu.memory_space<vmem>>
    %dma_start3A_9 = arith.constant 0 : i32
    %dma_start3A_10 = arith.constant 0 : i32
    %dma_start3A_11 = tpu.memref_slice %arg3[%dma_start3A_9, %dma_start3A_10] : memref<100000x128xf32, #tpu.memory_space<hbm>> -> memref<100000x128xf32, #tpu.memory_space<hbm>>
    tpu.enqueue_indirect_dma source(%dma_start3A_11 : memref<100000x128xf32, #tpu.memory_space<hbm>>) target(%arg6 : memref<100x128xf32, #tpu.memory_space<vmem>>) offsets(%dma_start3A_8 : memref<100xi32, #tpu.memory_space<vmem>>) semaphore(%arg11 : memref<!tpu.dma_semaphore, #tpu.memory_space<semaphore_mem>>)
    %dma_start3A_12 = arith.constant 1 : i32
    %dma_start3A_13 = arith.constant 0 : i32
    %dma_start3A_14 = tpu.memref_slice %arg5[%dma_start3A_12, %dma_start3A_13] : memref<64x100xi32, #tpu.memory_space<vmem>> -> memref<1x100xi32, #tpu.memory_space<vmem>>
    %dma_start3A_15 = tpu.memref_squeeze %dma_start3A_14 : memref<1x100xi32, #tpu.memory_space<vmem>> -> memref<100xi32, #tpu.memory_space<vmem>>
    %dma_start3A_16 = arith.constant 0 : i32
    %dma_start3A_17 = arith.constant 0 : i32
    %dma_start3A_18 = tpu.memref_slice %arg3[%dma_start3A_16, %dma_start3A_17] : memref<100000x128xf32, #tpu.memory_space<hbm>> -> memref<100000x128xf32, #tpu.memory_space<hbm>>
    tpu.enqueue_indirect_dma source(%dma_start3A_18 : memref<100000x128xf32, #tpu.memory_space<hbm>>) target(%arg7 : memref<100x128xf32, #tpu.memory_space<vmem>>) offsets(%dma_start3A_15 : memref<100xi32, #tpu.memory_space<vmem>>) semaphore(%arg11 : memref<!tpu.dma_semaphore, #tpu.memory_space<semaphore_mem>>)
    %dma_start3A_19 = arith.constant 2 : i32
    %dma_start3A_20 = arith.constant 0 : i32
    %dma_start3A_21 = tpu.memref_slice %arg5[%dma_start3A_19, %dma_start3A_20] : memref<64x100xi32, #tpu.memory_space<vmem>> -> memref<1x100xi32, #tpu.memory_space<vmem>>
    %dma_start3A_22 = tpu.memref_squeeze %dma_start3A_21 : memref<1x100xi32, #tpu.memory_space<vmem>> -> memref<100xi32, #tpu.memory_space<vmem>>
    %dma_start3A_23 = arith.constant 0 : i32
    %dma_start3A_24 = arith.constant 0 : i32
    %dma_start3A_25 = tpu.memref_slice %arg3[%dma_start3A_23, %dma_start3A_24] : memref<100000x128xf32, #tpu.memory_space<hbm>> -> memref<100000x128xf32, #tpu.memory_space<hbm>>
    tpu.enqueue_indirect_dma source(%dma_start3A_25 : memref<100000x128xf32, #tpu.memory_space<hbm>>) target(%arg8 : memref<100x128xf32, #tpu.memory_space<vmem>>) offsets(%dma_start3A_22 : memref<100xi32, #tpu.memory_space<vmem>>) semaphore(%arg11 : memref<!tpu.dma_semaphore, #tpu.memory_space<semaphore_mem>>)
    %scan3A = arith.constant 0 : i32
    %scan3A_26 = arith.constant 0 : i32
    %scan3A_27 = arith.constant 16 : i32
    %scan3A_28 = arith.addi %scan3A_26, %scan3A_27 : i32
    %scan3A_29 = arith.constant 1 : i32
    scf.for %scan3A_31 = %scan3A_26 to %scan3A_28 step %scan3A_29  : i32 {
      %mul3A_32 = arith.constant 4 : i32
      %mul3A_33 = arith.muli %scan3A_31, %mul3A_32 : i32
      %add3A_34 = arith.constant 0 : i32
      %add3A_35 = arith.addi %mul3A_33, %add3A_34 : i32
      %dma_wait3A = arith.constant 0 : i32
      %dma_wait3A_36 = tpu.memref_slice %arg5[%add3A_35, %dma_wait3A] : memref<64x100xi32, #tpu.memory_space<vmem>> -> memref<1x100xi32, #tpu.memory_space<vmem>>
      %dma_wait3A_37 = tpu.memref_squeeze %dma_wait3A_36 : memref<1x100xi32, #tpu.memory_space<vmem>> -> memref<100xi32, #tpu.memory_space<vmem>>
      %dma_wait3A_38 = arith.constant 0 : i32
      %dma_wait3A_39 = arith.constant 0 : i32
      %dma_wait3A_40 = tpu.memref_slice %arg3[%dma_wait3A_38, %dma_wait3A_39] : memref<100000x128xf32, #tpu.memory_space<hbm>> -> memref<100000x128xf32, #tpu.memory_space<hbm>>
      tpu.wait_indirect_dma semaphore(%arg11 : memref<!tpu.dma_semaphore, #tpu.memory_space<semaphore_mem>>) src(%dma_wait3A_40 : memref<100000x128xf32, #tpu.memory_space<hbm>>) dst(%arg6 : memref<100x128xf32, #tpu.memory_space<vmem>>)
      %add3A_41 = arith.constant 0 : i32
      %add3A_42 = arith.addi %mul3A_33, %add3A_41 : i32
      %add3A_43 = arith.constant 4 : i32
      %add3A_44 = arith.addi %add3A_42, %add3A_43 : i32
      %sub3A = arith.constant 1 : i32
      %sub3A_45 = arith.subi %add3A_44, %sub3A : i32
      %lt3A = arith.constant 64 : i32
      %lt3A_46 = arith.cmpi slt, %sub3A_45, %lt3A : i32
      %convert_element_type3A = arith.extui %lt3A_46 : i1 to i32
      %cond3A = arith.constant 0 : i32
      %cond3A_47 = arith.cmpi ne, %convert_element_type3A, %cond3A : i32
      scf.if %cond3A_47 {
        %dma_start3A_1588 = arith.constant 0 : i32
        %dma_start3A_1589 = tpu.memref_slice %arg5[%sub3A_45, %dma_start3A_1588] : memref<64x100xi32, #tpu.memory_space<vmem>> -> memref<1x100xi32, #tpu.memory_space<vmem>>
        %dma_start3A_1590 = tpu.memref_squeeze %dma_start3A_1589 : memref<1x100xi32, #tpu.memory_space<vmem>> -> memref<100xi32, #tpu.memory_space<vmem>>
        %dma_start3A_1591 = arith.constant 0 : i32
        %dma_start3A_1592 = arith.constant 0 : i32
        %dma_start3A_1593 = tpu.memref_slice %arg3[%dma_start3A_1591, %dma_start3A_1592] : memref<100000x128xf32, #tpu.memory_space<hbm>> -> memref<100000x128xf32, #tpu.memory_space<hbm>>
        tpu.enqueue_indirect_dma source(%dma_start3A_1593 : memref<100000x128xf32, #tpu.memory_space<hbm>>) target(%arg9 : memref<100x128xf32, #tpu.memory_space<vmem>>) offsets(%dma_start3A_1590 : memref<100xi32, #tpu.memory_space<vmem>>) semaphore(%arg11 : memref<!tpu.dma_semaphore, #tpu.memory_space<semaphore_mem>>)
      } else {
      }
      %add3A_48 = arith.constant 0 : i32
      %add3A_49 = arith.addi %mul3A_33, %add3A_48 : i32
      %broadcast_in_dim3A_50 = arith.constant 0.000000e+00 : f32
      %broadcast_in_dim3A_51 = vector.broadcast %broadcast_in_dim3A_50 : f32 to vector<16xf32>
      %broadcast_in_dim3A_52 = arith.constant 0.000000e+00 : f32
      %broadcast_in_dim3A_53 = vector.broadcast %broadcast_in_dim3A_52 : f32 to vector<16xf32>
      %broadcast_in_dim3A_54 = arith.constant 0.000000e+00 : f32
      %broadcast_in_dim3A_55 = vector.broadcast %broadcast_in_dim3A_54 : f32 to vector<16xf32>
      %broadcast_in_dim3A_56 = arith.constant 0.000000e+00 : f32
      %broadcast_in_dim3A_57 = vector.broadcast %broadcast_in_dim3A_56 : f32 to vector<16xf32>
      %broadcast_in_dim3A_58 = arith.constant 0.000000e+00 : f32
      %broadcast_in_dim3A_59 = vector.broadcast %broadcast_in_dim3A_58 : f32 to vector<16xf32>
      %broadcast_in_dim3A_60 = arith.constant 0.000000e+00 : f32
      %broadcast_in_dim3A_61 = vector.broadcast %broadcast_in_dim3A_60 : f32 to vector<16xf32>
      %broadcast_in_dim3A_62 = arith.constant 0.000000e+00 : f32
      %broadcast_in_dim3A_63 = vector.broadcast %broadcast_in_dim3A_62 : f32 to vector<16xf32>
      %broadcast_in_dim3A_64 = arith.constant 0.000000e+00 : f32
      %broadcast_in_dim3A_65 = vector.broadcast %broadcast_in_dim3A_64 : f32 to vector<16xf32>
      %broadcast_in_dim3A_66 = arith.constant 0.000000e+00 : f32
      %broadcast_in_dim3A_67 = vector.broadcast %broadcast_in_dim3A_66 : f32 to vector<16xf32>
      %broadcast_in_dim3A_68 = arith.constant 0.000000e+00 : f32
      %broadcast_in_dim3A_69 = vector.broadcast %broadcast_in_dim3A_68 : f32 to vector<16xf32>
      %broadcast_in_dim3A_70 = arith.constant 0.000000e+00 : f32
      %broadcast_in_dim3A_71 = vector.broadcast %broadcast_in_dim3A_70 : f32 to vector<16xf32>
      %broadcast_in_dim3A_72 = arith.constant 0.000000e+00 : f32
      %broadcast_in_dim3A_73 = vector.broadcast %broadcast_in_dim3A_72 : f32 to vector<16xf32>
      %broadcast_in_dim3A_74 = arith.constant 0.000000e+00 : f32
      %broadcast_in_dim3A_75 = vector.broadcast %broadcast_in_dim3A_74 : f32 to vector<16xf32>
      %broadcast_in_dim3A_76 = arith.constant 0.000000e+00 : f32
      %broadcast_in_dim3A_77 = vector.broadcast %broadcast_in_dim3A_76 : f32 to vector<16xf32>
      %broadcast_in_dim3A_78 = arith.constant 0.000000e+00 : f32
      %broadcast_in_dim3A_79 = vector.broadcast %broadcast_in_dim3A_78 : f32 to vector<16xf32>
      %broadcast_in_dim3A_80 = arith.constant 0.000000e+00 : f32
      %broadcast_in_dim3A_81 = vector.broadcast %broadcast_in_dim3A_80 : f32 to vector<16xf32>
      %scan3A_82 = arith.constant 0 : i32
      %scan3A_83 = arith.constant 25 : i32
      %scan3A_84 = arith.addi %scan3A_82, %scan3A_83 : i32
      %scan3A_85 = arith.constant 1 : i32
      %scan3A_86:16 = scf.for %scan3A_1588 = %scan3A_82 to %scan3A_84 step %scan3A_85 iter_args(%scan3A_1589 = %broadcast_in_dim3A_51, %scan3A_1590 = %broadcast_in_dim3A_53, %scan3A_1591 = %broadcast_in_dim3A_55, %scan3A_1592 = %broadcast_in_dim3A_57, %scan3A_1593 = %broadcast_in_dim3A_59, %scan3A_1594 = %broadcast_in_dim3A_61, %scan3A_1595 = %broadcast_in_dim3A_63, %scan3A_1596 = %broadcast_in_dim3A_65, %scan3A_1597 = %broadcast_in_dim3A_67, %scan3A_1598 = %broadcast_in_dim3A_69, %scan3A_1599 = %broadcast_in_dim3A_71, %scan3A_1600 = %broadcast_in_dim3A_73, %scan3A_1601 = %broadcast_in_dim3A_75, %scan3A_1602 = %broadcast_in_dim3A_77, %scan3A_1603 = %broadcast_in_dim3A_79, %scan3A_1604 = %broadcast_in_dim3A_81) -> (vector<16xf32>, vector<16xf32>, vector<16xf32>, vector<16xf32>, vector<16xf32>, vector<16xf32>, vector<16xf32>, vector<16xf32>, vector<16xf32>, vector<16xf32>, vector<16xf32>, vector<16xf32>, vector<16xf32>, vector<16xf32>, vector<16xf32>, vector<16xf32>)  : i32 {
        %mul3A_1605 = arith.constant 2 : i32
        %mul3A_1606 = arith.muli %scan3A_1588, %mul3A_1605 : i32
        %add3A_1607 = arith.constant 0 : i32
        %add3A_1608 = arith.addi %mul3A_1606, %add3A_1607 : i32
        %add3A_1609 = arith.constant 0 : i32
        %add3A_1610 = arith.addi %add3A_1609, %add3A_1608 : i32
        %get3A_1611 = arith.index_cast %add3A_1610 : i32 to index
        %get3A_1612 = arith.constant 0 : index
        %get3A_1613 = tpu.vector_load %arg6[%get3A_1611, %get3A_1612] {strides = array<i32>} : memref<100x128xf32, #tpu.memory_space<vmem>>, vector<1x16xf32>,
        %get3A_1614 = vector.shape_cast %get3A_1613 : vector<1x16xf32> to vector<16xf32>
        %add3A_1615 = arith.addf %scan3A_1589, %get3A_1614 : vector<16xf32>
        %add3A_1616 = arith.constant 0 : i32
        %add3A_1617 = arith.addi %add3A_1616, %add3A_1608 : i32
        %get3A_1618 = arith.index_cast %add3A_1617 : i32 to index
        %get3A_1619 = arith.constant 16 : index
        %get3A_1620 = tpu.vector_load %arg6[%get3A_1618, %get3A_1619] {strides = array<i32>} : memref<100x128xf32, #tpu.memory_space<vmem>>, vector<1x16xf32>,
        %get3A_1621 = vector.shape_cast %get3A_1620 : vector<1x16xf32> to vector<16xf32>
        %add3A_1622 = arith.addf %scan3A_1590, %get3A_1621 : vector<16xf32>
        %add3A_1623 = arith.constant 0 : i32
        %add3A_1624 = arith.addi %add3A_1623, %add3A_1608 : i32
        %get3A_1625 = arith.index_cast %add3A_1624 : i32 to index
        %get3A_1626 = arith.constant 32 : index
        %get3A_1627 = tpu.vector_load %arg6[%get3A_1625, %get3A_1626] {strides = array<i32>} : memref<100x128xf32, #tpu.memory_space<vmem>>, vector<1x16xf32>,
        %get3A_1628 = vector.shape_cast %get3A_1627 : vector<1x16xf32> to vector<16xf32>
        %add3A_1629 = arith.addf %scan3A_1591, %get3A_1628 : vector<16xf32>
        %add3A_1630 = arith.constant 0 : i32
        %add3A_1631 = arith.addi %add3A_1630, %add3A_1608 : i32
        %get3A_1632 = arith.index_cast %add3A_1631 : i32 to index
        %get3A_1633 = arith.constant 48 : index
        %get3A_1634 = tpu.vector_load %arg6[%get3A_1632, %get3A_1633] {strides = array<i32>} : memref<100x128xf32, #tpu.memory_space<vmem>>, vector<1x16xf32>,
        %get3A_1635 = vector.shape_cast %get3A_1634 : vector<1x16xf32> to vector<16xf32>
        %add3A_1636 = arith.addf %scan3A_1592, %get3A_1635 : vector<16xf32>
        %add3A_1637 = arith.constant 0 : i32
        %add3A_1638 = arith.addi %add3A_1637, %add3A_1608 : i32
        %get3A_1639 = arith.index_cast %add3A_1638 : i32 to index
        %get3A_1640 = arith.constant 64 : index
        %get3A_1641 = tpu.vector_load %arg6[%get3A_1639, %get3A_1640] {strides = array<i32>} : memref<100x128xf32, #tpu.memory_space<vmem>>, vector<1x16xf32>,
        %get3A_1642 = vector.shape_cast %get3A_1641 : vector<1x16xf32> to vector<16xf32>
        %add3A_1643 = arith.addf %scan3A_1593, %get3A_1642 : vector<16xf32>
        %add3A_1644 = arith.constant 0 : i32
        %add3A_1645 = arith.addi %add3A_1644, %add3A_1608 : i32
        %get3A_1646 = arith.index_cast %add3A_1645 : i32 to index
        %get3A_1647 = arith.constant 80 : index
        %get3A_1648 = tpu.vector_load %arg6[%get3A_1646, %get3A_1647] {strides = array<i32>} : memref<100x128xf32, #tpu.memory_space<vmem>>, vector<1x16xf32>,
        %get3A_1649 = vector.shape_cast %get3A_1648 : vector<1x16xf32> to vector<16xf32>
        %add3A_1650 = arith.addf %scan3A_1594, %get3A_1649 : vector<16xf32>
        %add3A_1651 = arith.constant 0 : i32
        %add3A_1652 = arith.addi %add3A_1651, %add3A_1608 : i32
        %get3A_1653 = arith.index_cast %add3A_1652 : i32 to index
        %get3A_1654 = arith.constant 96 : index
        %get3A_1655 = tpu.vector_load %arg6[%get3A_1653, %get3A_1654] {strides = array<i32>} : memref<100x128xf32, #tpu.memory_space<vmem>>, vector<1x16xf32>,
        %get3A_1656 = vector.shape_cast %get3A_1655 : vector<1x16xf32> to vector<16xf32>
        %add3A_1657 = arith.addf %scan3A_1595, %get3A_1656 : vector<16xf32>
        %add3A_1658 = arith.constant 0 : i32
        %add3A_1659 = arith.addi %add3A_1658, %add3A_1608 : i32
        %get3A_1660 = arith.index_cast %add3A_1659 : i32 to index
        %get3A_1661 = arith.constant 112 : index
        %get3A_1662 = tpu.vector_load %arg6[%get3A_1660, %get3A_1661] {strides = array<i32>} : memref<100x128xf32, #tpu.memory_space<vmem>>, vector<1x16xf32>,
        %get3A_1663 = vector.shape_cast %get3A_1662 : vector<1x16xf32> to vector<16xf32>
        %add3A_1664 = arith.addf %scan3A_1596, %get3A_1663 : vector<16xf32>
        %add3A_1665 = arith.constant 50 : i32
        %add3A_1666 = arith.addi %add3A_1665, %add3A_1608 : i32
        %get3A_1667 = arith.index_cast %add3A_1666 : i32 to index
        %get3A_1668 = arith.constant 0 : index
        %get3A_1669 = tpu.vector_load %arg6[%get3A_1667, %get3A_1668] {strides = array<i32>} : memref<100x128xf32, #tpu.memory_space<vmem>>, vector<1x16xf32>,
        %get3A_1670 = vector.shape_cast %get3A_1669 : vector<1x16xf32> to vector<16xf32>
        %add3A_1671 = arith.addf %scan3A_1597, %get3A_1670 : vector<16xf32>
        %add3A_1672 = arith.constant 50 : i32
        %add3A_1673 = arith.addi %add3A_1672, %add3A_1608 : i32
        %get3A_1674 = arith.index_cast %add3A_1673 : i32 to index
        %get3A_1675 = arith.constant 16 : index
        %get3A_1676 = tpu.vector_load %arg6[%get3A_1674, %get3A_1675] {strides = array<i32>} : memref<100x128xf32, #tpu.memory_space<vmem>>, vector<1x16xf32>,
        %get3A_1677 = vector.shape_cast %get3A_1676 : vector<1x16xf32> to vector<16xf32>
        %add3A_1678 = arith.addf %scan3A_1598, %get3A_1677 : vector<16xf32>
        %add3A_1679 = arith.constant 50 : i32
        %add3A_1680 = arith.addi %add3A_1679, %add3A_1608 : i32
        %get3A_1681 = arith.index_cast %add3A_1680 : i32 to index
        %get3A_1682 = arith.constant 32 : index
        %get3A_1683 = tpu.vector_load %arg6[%get3A_1681, %get3A_1682] {strides = array<i32>} : memref<100x128xf32, #tpu.memory_space<vmem>>, vector<1x16xf32>,
        %get3A_1684 = vector.shape_cast %get3A_1683 : vector<1x16xf32> to vector<16xf32>
        %add3A_1685 = arith.addf %scan3A_1599, %get3A_1684 : vector<16xf32>
        %add3A_1686 = arith.constant 50 : i32
        %add3A_1687 = arith.addi %add3A_1686, %add3A_1608 : i32
        %get3A_1688 = arith.index_cast %add3A_1687 : i32 to index
        %get3A_1689 = arith.constant 48 : index
        %get3A_1690 = tpu.vector_load %arg6[%get3A_1688, %get3A_1689] {strides = array<i32>} : memref<100x128xf32, #tpu.memory_space<vmem>>, vector<1x16xf32>,
        %get3A_1691 = vector.shape_cast %get3A_1690 : vector<1x16xf32> to vector<16xf32>
        %add3A_1692 = arith.addf %scan3A_1600, %get3A_1691 : vector<16xf32>
        %add3A_1693 = arith.constant 50 : i32
        %add3A_1694 = arith.addi %add3A_1693, %add3A_1608 : i32
        %get3A_1695 = arith.index_cast %add3A_1694 : i32 to index
        %get3A_1696 = arith.constant 64 : index
        %get3A_1697 = tpu.vector_load %arg6[%get3A_1695, %get3A_1696] {strides = array<i32>} : memref<100x128xf32, #tpu.memory_space<vmem>>, vector<1x16xf32>,
        %get3A_1698 = vector.shape_cast %get3A_1697 : vector<1x16xf32> to vector<16xf32>
        %add3A_1699 = arith.addf %scan3A_1601, %get3A_1698 : vector<16xf32>
        %add3A_1700 = arith.constant 50 : i32
        %add3A_1701 = arith.addi %add3A_1700, %add3A_1608 : i32
        %get3A_1702 = arith.index_cast %add3A_1701 : i32 to index
        %get3A_1703 = arith.constant 80 : index
        %get3A_1704 = tpu.vector_load %arg6[%get3A_1702, %get3A_1703] {strides = array<i32>} : memref<100x128xf32, #tpu.memory_space<vmem>>, vector<1x16xf32>,
        %get3A_1705 = vector.shape_cast %get3A_1704 : vector<1x16xf32> to vector<16xf32>
        %add3A_1706 = arith.addf %scan3A_1602, %get3A_1705 : vector<16xf32>
        %add3A_1707 = arith.constant 50 : i32
        %add3A_1708 = arith.addi %add3A_1707, %add3A_1608 : i32
        %get3A_1709 = arith.index_cast %add3A_1708 : i32 to index
        %get3A_1710 = arith.constant 96 : index
        %get3A_1711 = tpu.vector_load %arg6[%get3A_1709, %get3A_1710] {strides = array<i32>} : memref<100x128xf32, #tpu.memory_space<vmem>>, vector<1x16xf32>,
        %get3A_1712 = vector.shape_cast %get3A_1711 : vector<1x16xf32> to vector<16xf32>
        %add3A_1713 = arith.addf %scan3A_1603, %get3A_1712 : vector<16xf32>
        %add3A_1714 = arith.constant 50 : i32
        %add3A_1715 = arith.addi %add3A_1714, %add3A_1608 : i32
        %get3A_1716 = arith.index_cast %add3A_1715 : i32 to index
        %get3A_1717 = arith.constant 112 : index
        %get3A_1718 = tpu.vector_load %arg6[%get3A_1716, %get3A_1717] {strides = array<i32>} : memref<100x128xf32, #tpu.memory_space<vmem>>, vector<1x16xf32>,
        %get3A_1719 = vector.shape_cast %get3A_1718 : vector<1x16xf32> to vector<16xf32>
        %add3A_1720 = arith.addf %scan3A_1604, %get3A_1719 : vector<16xf32>
        %mul3A_1721 = arith.constant 2 : i32
        %mul3A_1722 = arith.muli %scan3A_1588, %mul3A_1721 : i32
        %add3A_1723 = arith.constant 1 : i32
        %add3A_1724 = arith.addi %mul3A_1722, %add3A_1723 : i32
        %add3A_1725 = arith.constant 0 : i32
        %add3A_1726 = arith.addi %add3A_1725, %add3A_1724 : i32
        %get3A_1727 = arith.index_cast %add3A_1726 : i32 to index
        %get3A_1728 = arith.constant 0 : index
        %get3A_1729 = tpu.vector_load %arg6[%get3A_1727, %get3A_1728] {strides = array<i32>} : memref<100x128xf32, #tpu.memory_space<vmem>>, vector<1x16xf32>,
        %get3A_1730 = vector.shape_cast %get3A_1729 : vector<1x16xf32> to vector<16xf32>
        %add3A_1731 = arith.addf %add3A_1615, %get3A_1730 : vector<16xf32>
        %add3A_1732 = arith.constant 0 : i32
        %add3A_1733 = arith.addi %add3A_1732, %add3A_1724 : i32
        %get3A_1734 = arith.index_cast %add3A_1733 : i32 to index
        %get3A_1735 = arith.constant 16 : index
        %get3A_1736 = tpu.vector_load %arg6[%get3A_1734, %get3A_1735] {strides = array<i32>} : memref<100x128xf32, #tpu.memory_space<vmem>>, vector<1x16xf32>,
        %get3A_1737 = vector.shape_cast %get3A_1736 : vector<1x16xf32> to vector<16xf32>
        %add3A_1738 = arith.addf %add3A_1622, %get3A_1737 : vector<16xf32>
        %add3A_1739 = arith.constant 0 : i32
        %add3A_1740 = arith.addi %add3A_1739, %add3A_1724 : i32
        %get3A_1741 = arith.index_cast %add3A_1740 : i32 to index
        %get3A_1742 = arith.constant 32 : index
        %get3A_1743 = tpu.vector_load %arg6[%get3A_1741, %get3A_1742] {strides = array<i32>} : memref<100x128xf32, #tpu.memory_space<vmem>>, vector<1x16xf32>,
        %get3A_1744 = vector.shape_cast %get3A_1743 : vector<1x16xf32> to vector<16xf32>
        %add3A_1745 = arith.addf %add3A_1629, %get3A_1744 : vector<16xf32>
        %add3A_1746 = arith.constant 0 : i32
        %add3A_1747 = arith.addi %add3A_1746, %add3A_1724 : i32
        %get3A_1748 = arith.index_cast %add3A_1747 : i32 to index
        %get3A_1749 = arith.constant 48 : index
        %get3A_1750 = tpu.vector_load %arg6[%get3A_1748, %get3A_1749] {strides = array<i32>} : memref<100x128xf32, #tpu.memory_space<vmem>>, vector<1x16xf32>,
        %get3A_1751 = vector.shape_cast %get3A_1750 : vector<1x16xf32> to vector<16xf32>
        %add3A_1752 = arith.addf %add3A_1636, %get3A_1751 : vector<16xf32>
        %add3A_1753 = arith.constant 0 : i32
        %add3A_1754 = arith.addi %add3A_1753, %add3A_1724 : i32
        %get3A_1755 = arith.index_cast %add3A_1754 : i32 to index
        %get3A_1756 = arith.constant 64 : index
        %get3A_1757 = tpu.vector_load %arg6[%get3A_1755, %get3A_1756] {strides = array<i32>} : memref<100x128xf32, #tpu.memory_space<vmem>>, vector<1x16xf32>,
        %get3A_1758 = vector.shape_cast %get3A_1757 : vector<1x16xf32> to vector<16xf32>
        %add3A_1759 = arith.addf %add3A_1643, %get3A_1758 : vector<16xf32>
        %add3A_1760 = arith.constant 0 : i32
        %add3A_1761 = arith.addi %add3A_1760, %add3A_1724 : i32
        %get3A_1762 = arith.index_cast %add3A_1761 : i32 to index
        %get3A_1763 = arith.constant 80 : index
        %get3A_1764 = tpu.vector_load %arg6[%get3A_1762, %get3A_1763] {strides = array<i32>} : memref<100x128xf32, #tpu.memory_space<vmem>>, vector<1x16xf32>,
        %get3A_1765 = vector.shape_cast %get3A_1764 : vector<1x16xf32> to vector<16xf32>
        %add3A_1766 = arith.addf %add3A_1650, %get3A_1765 : vector<16xf32>
        %add3A_1767 = arith.constant 0 : i32
        %add3A_1768 = arith.addi %add3A_1767, %add3A_1724 : i32
        %get3A_1769 = arith.index_cast %add3A_1768 : i32 to index
        %get3A_1770 = arith.constant 96 : index
        %get3A_1771 = tpu.vector_load %arg6[%get3A_1769, %get3A_1770] {strides = array<i32>} : memref<100x128xf32, #tpu.memory_space<vmem>>, vector<1x16xf32>,
        %get3A_1772 = vector.shape_cast %get3A_1771 : vector<1x16xf32> to vector<16xf32>
        %add3A_1773 = arith.addf %add3A_1657, %get3A_1772 : vector<16xf32>
        %add3A_1774 = arith.constant 0 : i32
        %add3A_1775 = arith.addi %add3A_1774, %add3A_1724 : i32
        %get3A_1776 = arith.index_cast %add3A_1775 : i32 to index
        %get3A_1777 = arith.constant 112 : index
        %get3A_1778 = tpu.vector_load %arg6[%get3A_1776, %get3A_1777] {strides = array<i32>} : memref<100x128xf32, #tpu.memory_space<vmem>>, vector<1x16xf32>,
        %get3A_1779 = vector.shape_cast %get3A_1778 : vector<1x16xf32> to vector<16xf32>
        %add3A_1780 = arith.addf %add3A_1664, %get3A_1779 : vector<16xf32>
        %add3A_1781 = arith.constant 50 : i32
        %add3A_1782 = arith.addi %add3A_1781, %add3A_1724 : i32
        %get3A_1783 = arith.index_cast %add3A_1782 : i32 to index
        %get3A_1784 = arith.constant 0 : index
        %get3A_1785 = tpu.vector_load %arg6[%get3A_1783, %get3A_1784] {strides = array<i32>} : memref<100x128xf32, #tpu.memory_space<vmem>>, vector<1x16xf32>,
        %get3A_1786 = vector.shape_cast %get3A_1785 : vector<1x16xf32> to vector<16xf32>
        %add3A_1787 = arith.addf %add3A_1671, %get3A_1786 : vector<16xf32>
        %add3A_1788 = arith.constant 50 : i32
        %add3A_1789 = arith.addi %add3A_1788, %add3A_1724 : i32
        %get3A_1790 = arith.index_cast %add3A_1789 : i32 to index
        %get3A_1791 = arith.constant 16 : index
        %get3A_1792 = tpu.vector_load %arg6[%get3A_1790, %get3A_1791] {strides = array<i32>} : memref<100x128xf32, #tpu.memory_space<vmem>>, vector<1x16xf32>,
        %get3A_1793 = vector.shape_cast %get3A_1792 : vector<1x16xf32> to vector<16xf32>
        %add3A_1794 = arith.addf %add3A_1678, %get3A_1793 : vector<16xf32>
        %add3A_1795 = arith.constant 50 : i32
        %add3A_1796 = arith.addi %add3A_1795, %add3A_1724 : i32
        %get3A_1797 = arith.index_cast %add3A_1796 : i32 to index
        %get3A_1798 = arith.constant 32 : index
        %get3A_1799 = tpu.vector_load %arg6[%get3A_1797, %get3A_1798] {strides = array<i32>} : memref<100x128xf32, #tpu.memory_space<vmem>>, vector<1x16xf32>,
        %get3A_1800 = vector.shape_cast %get3A_1799 : vector<1x16xf32> to vector<16xf32>
        %add3A_1801 = arith.addf %add3A_1685, %get3A_1800 : vector<16xf32>
        %add3A_1802 = arith.constant 50 : i32
        %add3A_1803 = arith.addi %add3A_1802, %add3A_1724 : i32
        %get3A_1804 = arith.index_cast %add3A_1803 : i32 to index
        %get3A_1805 = arith.constant 48 : index
        %get3A_1806 = tpu.vector_load %arg6[%get3A_1804, %get3A_1805] {strides = array<i32>} : memref<100x128xf32, #tpu.memory_space<vmem>>, vector<1x16xf32>,
        %get3A_1807 = vector.shape_cast %get3A_1806 : vector<1x16xf32> to vector<16xf32>
        %add3A_1808 = arith.addf %add3A_1692, %get3A_1807 : vector<16xf32>
        %add3A_1809 = arith.constant 50 : i32
        %add3A_1810 = arith.addi %add3A_1809, %add3A_1724 : i32
        %get3A_1811 = arith.index_cast %add3A_1810 : i32 to index
        %get3A_1812 = arith.constant 64 : index
        %get3A_1813 = tpu.vector_load %arg6[%get3A_1811, %get3A_1812] {strides = array<i32>} : memref<100x128xf32, #tpu.memory_space<vmem>>, vector<1x16xf32>,
        %get3A_1814 = vector.shape_cast %get3A_1813 : vector<1x16xf32> to vector<16xf32>
        %add3A_1815 = arith.addf %add3A_1699, %get3A_1814 : vector<16xf32>
        %add3A_1816 = arith.constant 50 : i32
        %add3A_1817 = arith.addi %add3A_1816, %add3A_1724 : i32
        %get3A_1818 = arith.index_cast %add3A_1817 : i32 to index
        %get3A_1819 = arith.constant 80 : index
        %get3A_1820 = tpu.vector_load %arg6[%get3A_1818, %get3A_1819] {strides = array<i32>} : memref<100x128xf32, #tpu.memory_space<vmem>>, vector<1x16xf32>,
        %get3A_1821 = vector.shape_cast %get3A_1820 : vector<1x16xf32> to vector<16xf32>
        %add3A_1822 = arith.addf %add3A_1706, %get3A_1821 : vector<16xf32>
        %add3A_1823 = arith.constant 50 : i32
        %add3A_1824 = arith.addi %add3A_1823, %add3A_1724 : i32
        %get3A_1825 = arith.index_cast %add3A_1824 : i32 to index
        %get3A_1826 = arith.constant 96 : index
        %get3A_1827 = tpu.vector_load %arg6[%get3A_1825, %get3A_1826] {strides = array<i32>} : memref<100x128xf32, #tpu.memory_space<vmem>>, vector<1x16xf32>,
        %get3A_1828 = vector.shape_cast %get3A_1827 : vector<1x16xf32> to vector<16xf32>
        %add3A_1829 = arith.addf %add3A_1713, %get3A_1828 : vector<16xf32>
        %add3A_1830 = arith.constant 50 : i32
        %add3A_1831 = arith.addi %add3A_1830, %add3A_1724 : i32
        %get3A_1832 = arith.index_cast %add3A_1831 : i32 to index
        %get3A_1833 = arith.constant 112 : index
        %get3A_1834 = tpu.vector_load %arg6[%get3A_1832, %get3A_1833] {strides = array<i32>} : memref<100x128xf32, #tpu.memory_space<vmem>>, vector<1x16xf32>,
        %get3A_1835 = vector.shape_cast %get3A_1834 : vector<1x16xf32> to vector<16xf32>
        %add3A_1836 = arith.addf %add3A_1720, %get3A_1835 : vector<16xf32>
        scf.yield %add3A_1731, %add3A_1738, %add3A_1745, %add3A_1752, %add3A_1759, %add3A_1766, %add3A_1773, %add3A_1780, %add3A_1787, %add3A_1794, %add3A_1801, %add3A_1808, %add3A_1815, %add3A_1822, %add3A_1829, %add3A_1836 : vector<16xf32>, vector<16xf32>, vector<16xf32>, vector<16xf32>, vector<16xf32>, vector<16xf32>, vector<16xf32>, vector<16xf32>, vector<16xf32>, vector<16xf32>, vector<16xf32>, vector<16xf32>, vector<16xf32>, vector<16xf32>, vector<16xf32>, vector<16xf32>
      }
      %scan3A_87 = arith.constant 25 : i32
      %get3A = arith.index_cast %add3A_49 : i32 to index
      %get3A_88 = arith.constant 0 : index
      %get3A_89 = tpu.vector_load %arg5[%get3A, %get3A_88] {strides = array<i32>} : memref<64x100xi32, #tpu.memory_space<vmem>>, vector<1x16xi32>,
      %get3A_90 = vector.shape_cast %get3A_89 : vector<1x16xi32> to vector<16xi32>
      %ne3A = arith.constant 0 : i32
      %ne3A_91 = vector.broadcast %ne3A : i32 to vector<16xi32>
      %ne3A_92 = arith.cmpi ne, %get3A_90, %ne3A_91 : vector<16xi32>
      %select_n3A = arith.select %ne3A_92, %broadcast_in_dim3A_3, %broadcast_in_dim3A_5 : vector<16xi1>, vector<16xf32>
      %get3A_93 = arith.index_cast %add3A_49 : i32 to index
      %get3A_94 = arith.constant 16 : index
      %get3A_95 = tpu.vector_load %arg5[%get3A_93, %get3A_94] {strides = array<i32>} : memref<64x100xi32, #tpu.memory_space<vmem>>, vector<1x16xi32>,
      %get3A_96 = vector.shape_cast %get3A_95 : vector<1x16xi32> to vector<16xi32>
      %ne3A_97 = arith.constant 0 : i32
      %ne3A_98 = vector.broadcast %ne3A_97 : i32 to vector<16xi32>
      %ne3A_99 = arith.cmpi ne, %get3A_96, %ne3A_98 : vector<16xi32>
      %select_n3A_100 = arith.select %ne3A_99, %broadcast_in_dim3A_3, %broadcast_in_dim3A_5 : vector<16xi1>, vector<16xf32>
      %get3A_101 = arith.index_cast %add3A_49 : i32 to index
      %get3A_102 = arith.constant 32 : index
      %get3A_103 = tpu.vector_load %arg5[%get3A_101, %get3A_102] {strides = array<i32>} : memref<64x100xi32, #tpu.memory_space<vmem>>, vector<1x16xi32>,
      %get3A_104 = vector.shape_cast %get3A_103 : vector<1x16xi32> to vector<16xi32>
      %ne3A_105 = arith.constant 0 : i32
      %ne3A_106 = vector.broadcast %ne3A_105 : i32 to vector<16xi32>
      %ne3A_107 = arith.cmpi ne, %get3A_104, %ne3A_106 : vector<16xi32>
      %select_n3A_108 = arith.select %ne3A_107, %broadcast_in_dim3A_3, %broadcast_in_dim3A_5 : vector<16xi1>, vector<16xf32>
      %get3A_109 = arith.index_cast %add3A_49 : i32 to index
      %get3A_110 = arith.constant 48 : index
      %get3A_111 = tpu.vector_load %arg5[%get3A_109, %get3A_110] {strides = array<i32>} : memref<64x100xi32, #tpu.memory_space<vmem>>, vector<1x16xi32>,
      %get3A_112 = vector.shape_cast %get3A_111 : vector<1x16xi32> to vector<16xi32>
      %ne3A_113 = arith.constant 0 : i32
      %ne3A_114 = vector.broadcast %ne3A_113 : i32 to vector<16xi32>
      %ne3A_115 = arith.cmpi ne, %get3A_112, %ne3A_114 : vector<16xi32>
      %select_n3A_116 = arith.select %ne3A_115, %broadcast_in_dim3A_3, %broadcast_in_dim3A_5 : vector<16xi1>, vector<16xf32>
      %get3A_117 = arith.index_cast %add3A_49 : i32 to index
      %get3A_118 = arith.constant 64 : index
      %get3A_119 = tpu.vector_load %arg5[%get3A_117, %get3A_118] {strides = array<i32>} : memref<64x100xi32, #tpu.memory_space<vmem>>, vector<1x16xi32>,
      %get3A_120 = vector.shape_cast %get3A_119 : vector<1x16xi32> to vector<16xi32>
      %ne3A_121 = arith.constant 0 : i32
      %ne3A_122 = vector.broadcast %ne3A_121 : i32 to vector<16xi32>
      %ne3A_123 = arith.cmpi ne, %get3A_120, %ne3A_122 : vector<16xi32>
      %select_n3A_124 = arith.select %ne3A_123, %broadcast_in_dim3A_3, %broadcast_in_dim3A_5 : vector<16xi1>, vector<16xf32>
      %get3A_125 = arith.index_cast %add3A_49 : i32 to index
      %get3A_126 = arith.constant 80 : index
      %get3A_127 = tpu.vector_load %arg5[%get3A_125, %get3A_126] {strides = array<i32>} : memref<64x100xi32, #tpu.memory_space<vmem>>, vector<1x16xi32>,
      %get3A_128 = vector.shape_cast %get3A_127 : vector<1x16xi32> to vector<16xi32>
      %ne3A_129 = arith.constant 0 : i32
      %ne3A_130 = vector.broadcast %ne3A_129 : i32 to vector<16xi32>
      %ne3A_131 = arith.cmpi ne, %get3A_128, %ne3A_130 : vector<16xi32>
      %select_n3A_132 = arith.select %ne3A_131, %broadcast_in_dim3A_3, %broadcast_in_dim3A_5 : vector<16xi1>, vector<16xf32>
      %get3A_133 = arith.index_cast %add3A_49 : i32 to index
      %get3A_134 = arith.constant 84 : index
      %get3A_135 = tpu.vector_load %arg5[%get3A_133, %get3A_134] {strides = array<i32>} : memref<64x100xi32, #tpu.memory_space<vmem>>, vector<1x16xi32>,
      %get3A_136 = vector.shape_cast %get3A_135 : vector<1x16xi32> to vector<16xi32>
      %ne3A_137 = arith.constant 0 : i32
      %ne3A_138 = vector.broadcast %ne3A_137 : i32 to vector<16xi32>
      %ne3A_139 = arith.cmpi ne, %get3A_136, %ne3A_138 : vector<16xi32>
      %select_n3A_140 = arith.select %ne3A_139, %broadcast_in_dim3A_3, %broadcast_in_dim3A_5 : vector<16xi1>, vector<16xf32>
      %lt3A_141 = arith.constant 2 : i32
      %lt3A_142 = vector.broadcast %lt3A_141 : i32 to vector<16xi32>
      %lt3A_143 = arith.cmpi slt, %iota3A, %lt3A_142 : vector<16xi32>
      %select_n3A_144 = arith.select %lt3A_143, %select_n3A_116, %broadcast_in_dim3A_5 : vector<16xi1>, vector<16xf32>
      %ge3A = arith.constant 12 : i32
      %ge3A_145 = vector.broadcast %ge3A : i32 to vector<16xi32>
      %ge3A_146 = arith.cmpi sge, %iota3A, %ge3A_145 : vector<16xi32>
      %select_n3A_147 = arith.select %ge3A_146, %select_n3A_140, %broadcast_in_dim3A_5 : vector<16xi1>, vector<16xf32>
      %add3A_148 = arith.addf %select_n3A, %select_n3A_100 : vector<16xf32>
      %add3A_149 = arith.addf %add3A_148, %select_n3A_108 : vector<16xf32>
      %add3A_150 = arith.addf %add3A_149, %select_n3A_144 : vector<16xf32>
      %sub3A_151 = arith.subf %select_n3A_116, %select_n3A_144 : vector<16xf32>
      %add3A_152 = arith.addf %sub3A_151, %select_n3A_124 : vector<16xf32>
      %add3A_153 = arith.addf %add3A_152, %select_n3A_132 : vector<16xf32>
      %add3A_154 = arith.addf %add3A_153, %select_n3A_147 : vector<16xf32>
      %slice3A = vector.extract_strided_slice %add3A_150 {offsets = [0], sizes = [1], strides = [1]} : vector<16xf32> to vector<1xf32>
      %squeeze3A = vector.extract %slice3A[0] : f32 from vector<1xf32>
      %slice3A_155 = vector.extract_strided_slice %add3A_150 {offsets = [1], sizes = [1], strides = [1]} : vector<16xf32> to vector<1xf32>
      %squeeze3A_156 = vector.extract %slice3A_155[0] : f32 from vector<1xf32>
      %add3A_157 = arith.addf %squeeze3A, %squeeze3A_156 : f32
      %slice3A_158 = vector.extract_strided_slice %add3A_150 {offsets = [2], sizes = [1], strides = [1]} : vector<16xf32> to vector<1xf32>
      %squeeze3A_159 = vector.extract %slice3A_158[0] : f32 from vector<1xf32>
      %add3A_160 = arith.addf %add3A_157, %squeeze3A_159 : f32
      %slice3A_161 = vector.extract_strided_slice %add3A_150 {offsets = [3], sizes = [1], strides = [1]} : vector<16xf32> to vector<1xf32>
      %squeeze3A_162 = vector.extract %slice3A_161[0] : f32 from vector<1xf32>
      %add3A_163 = arith.addf %add3A_160, %squeeze3A_162 : f32
      %slice3A_164 = vector.extract_strided_slice %add3A_150 {offsets = [4], sizes = [1], strides = [1]} : vector<16xf32> to vector<1xf32>
      %squeeze3A_165 = vector.extract %slice3A_164[0] : f32 from vector<1xf32>
      %add3A_166 = arith.addf %add3A_163, %squeeze3A_165 : f32
      %slice3A_167 = vector.extract_strided_slice %add3A_150 {offsets = [5], sizes = [1], strides = [1]} : vector<16xf32> to vector<1xf32>
      %squeeze3A_168 = vector.extract %slice3A_167[0] : f32 from vector<1xf32>
      %add3A_169 = arith.addf %add3A_166, %squeeze3A_168 : f32
      %slice3A_170 = vector.extract_strided_slice %add3A_150 {offsets = [6], sizes = [1], strides = [1]} : vector<16xf32> to vector<1xf32>
      %squeeze3A_171 = vector.extract %slice3A_170[0] : f32 from vector<1xf32>
      %add3A_172 = arith.addf %add3A_169, %squeeze3A_171 : f32
      %slice3A_173 = vector.extract_strided_slice %add3A_150 {offsets = [7], sizes = [1], strides = [1]} : vector<16xf32> to vector<1xf32>
      %squeeze3A_174 = vector.extract %slice3A_173[0] : f32 from vector<1xf32>
      %add3A_175 = arith.addf %add3A_172, %squeeze3A_174 : f32
      %slice3A_176 = vector.extract_strided_slice %add3A_150 {offsets = [8], sizes = [1], strides = [1]} : vector<16xf32> to vector<1xf32>
      %squeeze3A_177 = vector.extract %slice3A_176[0] : f32 from vector<1xf32>
      %add3A_178 = arith.addf %add3A_175, %squeeze3A_177 : f32
      %slice3A_179 = vector.extract_strided_slice %add3A_150 {offsets = [9], sizes = [1], strides = [1]} : vector<16xf32> to vector<1xf32>
      %squeeze3A_180 = vector.extract %slice3A_179[0] : f32 from vector<1xf32>
      %add3A_181 = arith.addf %add3A_178, %squeeze3A_180 : f32
      %slice3A_182 = vector.extract_strided_slice %add3A_150 {offsets = [10], sizes = [1], strides = [1]} : vector<16xf32> to vector<1xf32>
      %squeeze3A_183 = vector.extract %slice3A_182[0] : f32 from vector<1xf32>
      %add3A_184 = arith.addf %add3A_181, %squeeze3A_183 : f32
      %slice3A_185 = vector.extract_strided_slice %add3A_150 {offsets = [11], sizes = [1], strides = [1]} : vector<16xf32> to vector<1xf32>
      %squeeze3A_186 = vector.extract %slice3A_185[0] : f32 from vector<1xf32>
      %add3A_187 = arith.addf %add3A_184, %squeeze3A_186 : f32
      %slice3A_188 = vector.extract_strided_slice %add3A_150 {offsets = [12], sizes = [1], strides = [1]} : vector<16xf32> to vector<1xf32>
      %squeeze3A_189 = vector.extract %slice3A_188[0] : f32 from vector<1xf32>
      %add3A_190 = arith.addf %add3A_187, %squeeze3A_189 : f32
      %slice3A_191 = vector.extract_strided_slice %add3A_150 {offsets = [13], sizes = [1], strides = [1]} : vector<16xf32> to vector<1xf32>
      %squeeze3A_192 = vector.extract %slice3A_191[0] : f32 from vector<1xf32>
      %add3A_193 = arith.addf %add3A_190, %squeeze3A_192 : f32
      %slice3A_194 = vector.extract_strided_slice %add3A_150 {offsets = [14], sizes = [1], strides = [1]} : vector<16xf32> to vector<1xf32>
      %squeeze3A_195 = vector.extract %slice3A_194[0] : f32 from vector<1xf32>
      %add3A_196 = arith.addf %add3A_193, %squeeze3A_195 : f32
      %slice3A_197 = vector.extract_strided_slice %add3A_150 {offsets = [15], sizes = [1], strides = [1]} : vector<16xf32> to vector<1xf32>
      %squeeze3A_198 = vector.extract %slice3A_197[0] : f32 from vector<1xf32>
      %add3A_199 = arith.addf %add3A_196, %squeeze3A_198 : f32
      %add3A_200 = vector.broadcast %add3A_199 : f32 to vector<16xf32>
      %add3A_201 = arith.addf %broadcast_in_dim3A_5, %add3A_200 : vector<16xf32>
      %max3A = arith.maximumf %add3A_201, %broadcast_in_dim3A_3 : vector<16xf32>
      %div3A = arith.divf %broadcast_in_dim3A_3, %max3A : vector<16xf32>
      %slice3A_202 = vector.extract_strided_slice %add3A_154 {offsets = [0], sizes = [1], strides = [1]} : vector<16xf32> to vector<1xf32>
      %squeeze3A_203 = vector.extract %slice3A_202[0] : f32 from vector<1xf32>
      %slice3A_204 = vector.extract_strided_slice %add3A_154 {offsets = [1], sizes = [1], strides = [1]} : vector<16xf32> to vector<1xf32>
      %squeeze3A_205 = vector.extract %slice3A_204[0] : f32 from vector<1xf32>
      %add3A_206 = arith.addf %squeeze3A_203, %squeeze3A_205 : f32
      %slice3A_207 = vector.extract_strided_slice %add3A_154 {offsets = [2], sizes = [1], strides = [1]} : vector<16xf32> to vector<1xf32>
      %squeeze3A_208 = vector.extract %slice3A_207[0] : f32 from vector<1xf32>
      %add3A_209 = arith.addf %add3A_206, %squeeze3A_208 : f32
      %slice3A_210 = vector.extract_strided_slice %add3A_154 {offsets = [3], sizes = [1], strides = [1]} : vector<16xf32> to vector<1xf32>
      %squeeze3A_211 = vector.extract %slice3A_210[0] : f32 from vector<1xf32>
      %add3A_212 = arith.addf %add3A_209, %squeeze3A_211 : f32
      %slice3A_213 = vector.extract_strided_slice %add3A_154 {offsets = [4], sizes = [1], strides = [1]} : vector<16xf32> to vector<1xf32>
      %squeeze3A_214 = vector.extract %slice3A_213[0] : f32 from vector<1xf32>
      %add3A_215 = arith.addf %add3A_212, %squeeze3A_214 : f32
      %slice3A_216 = vector.extract_strided_slice %add3A_154 {offsets = [5], sizes = [1], strides = [1]} : vector<16xf32> to vector<1xf32>
      %squeeze3A_217 = vector.extract %slice3A_216[0] : f32 from vector<1xf32>
      %add3A_218 = arith.addf %add3A_215, %squeeze3A_217 : f32
      %slice3A_219 = vector.extract_strided_slice %add3A_154 {offsets = [6], sizes = [1], strides = [1]} : vector<16xf32> to vector<1xf32>
      %squeeze3A_220 = vector.extract %slice3A_219[0] : f32 from vector<1xf32>
      %add3A_221 = arith.addf %add3A_218, %squeeze3A_220 : f32
      %slice3A_222 = vector.extract_strided_slice %add3A_154 {offsets = [7], sizes = [1], strides = [1]} : vector<16xf32> to vector<1xf32>
      %squeeze3A_223 = vector.extract %slice3A_222[0] : f32 from vector<1xf32>
      %add3A_224 = arith.addf %add3A_221, %squeeze3A_223 : f32
      %slice3A_225 = vector.extract_strided_slice %add3A_154 {offsets = [8], sizes = [1], strides = [1]} : vector<16xf32> to vector<1xf32>
      %squeeze3A_226 = vector.extract %slice3A_225[0] : f32 from vector<1xf32>
      %add3A_227 = arith.addf %add3A_224, %squeeze3A_226 : f32
      %slice3A_228 = vector.extract_strided_slice %add3A_154 {offsets = [9], sizes = [1], strides = [1]} : vector<16xf32> to vector<1xf32>
      %squeeze3A_229 = vector.extract %slice3A_228[0] : f32 from vector<1xf32>
      %add3A_230 = arith.addf %add3A_227, %squeeze3A_229 : f32
      %slice3A_231 = vector.extract_strided_slice %add3A_154 {offsets = [10], sizes = [1], strides = [1]} : vector<16xf32> to vector<1xf32>
      %squeeze3A_232 = vector.extract %slice3A_231[0] : f32 from vector<1xf32>
      %add3A_233 = arith.addf %add3A_230, %squeeze3A_232 : f32
      %slice3A_234 = vector.extract_strided_slice %add3A_154 {offsets = [11], sizes = [1], strides = [1]} : vector<16xf32> to vector<1xf32>
      %squeeze3A_235 = vector.extract %slice3A_234[0] : f32 from vector<1xf32>
      %add3A_236 = arith.addf %add3A_233, %squeeze3A_235 : f32
      %slice3A_237 = vector.extract_strided_slice %add3A_154 {offsets = [12], sizes = [1], strides = [1]} : vector<16xf32> to vector<1xf32>
      %squeeze3A_238 = vector.extract %slice3A_237[0] : f32 from vector<1xf32>
      %add3A_239 = arith.addf %add3A_236, %squeeze3A_238 : f32
      %slice3A_240 = vector.extract_strided_slice %add3A_154 {offsets = [13], sizes = [1], strides = [1]} : vector<16xf32> to vector<1xf32>
      %squeeze3A_241 = vector.extract %slice3A_240[0] : f32 from vector<1xf32>
      %add3A_242 = arith.addf %add3A_239, %squeeze3A_241 : f32
      %slice3A_243 = vector.extract_strided_slice %add3A_154 {offsets = [14], sizes = [1], strides = [1]} : vector<16xf32> to vector<1xf32>
      %squeeze3A_244 = vector.extract %slice3A_243[0] : f32 from vector<1xf32>
      %add3A_245 = arith.addf %add3A_242, %squeeze3A_244 : f32
      %slice3A_246 = vector.extract_strided_slice %add3A_154 {offsets = [15], sizes = [1], strides = [1]} : vector<16xf32> to vector<1xf32>
      %squeeze3A_247 = vector.extract %slice3A_246[0] : f32 from vector<1xf32>
      %add3A_248 = arith.addf %add3A_245, %squeeze3A_247 : f32
      %add3A_249 = vector.broadcast %add3A_248 : f32 to vector<16xf32>
      %add3A_250 = arith.addf %broadcast_in_dim3A_5, %add3A_249 : vector<16xf32>
      %max3A_251 = arith.maximumf %add3A_250, %broadcast_in_dim3A_3 : vector<16xf32>
      %div3A_252 = arith.divf %broadcast_in_dim3A_3, %max3A_251 : vector<16xf32>
      %mul3A_253 = arith.mulf %scan3A_86#0, %div3A : vector<16xf32>
      %mul3A_254 = arith.constant 2 : i32
      %mul3A_255 = arith.muli %add3A_49, %mul3A_254 : i32
      %add3A_256 = arith.constant 0 : i32
      %add3A_257 = arith.addi %mul3A_255, %add3A_256 : i32
      %swap3A = arith.index_cast %add3A_257 : i32 to index
      %swap3A_258 = arith.constant 0 : index
      %swap3A_259 = tpu.vector_load %arg10[%swap3A, %swap3A_258] {strides = array<i32>} : memref<128x128xf32, #tpu.memory_space<vmem>>, vector<1x16xf32>,
      %swap3A_260 = vector.shape_cast %swap3A_259 : vector<1x16xf32> to vector<16xf32>
      %swap3A_261 = vector.shape_cast %mul3A_253 : vector<16xf32> to vector<1x16xf32>
      tpu.vector_store %arg10[%swap3A, %swap3A_258], %swap3A_261 {strides = array<i32>} : memref<128x128xf32, #tpu.memory_space<vmem>>, vector<1x16xf32>,
      %mul3A_262 = arith.mulf %scan3A_86#1, %div3A : vector<16xf32>
      %mul3A_263 = arith.constant 2 : i32
      %mul3A_264 = arith.muli %add3A_49, %mul3A_263 : i32
      %add3A_265 = arith.constant 0 : i32
      %add3A_266 = arith.addi %mul3A_264, %add3A_265 : i32
      %swap3A_267 = arith.index_cast %add3A_266 : i32 to index
      %swap3A_268 = arith.constant 16 : index
      %swap3A_269 = tpu.vector_load %arg10[%swap3A_267, %swap3A_268] {strides = array<i32>} : memref<128x128xf32, #tpu.memory_space<vmem>>, vector<1x16xf32>,
      %swap3A_270 = vector.shape_cast %swap3A_269 : vector<1x16xf32> to vector<16xf32>
      %swap3A_271 = vector.shape_cast %mul3A_262 : vector<16xf32> to vector<1x16xf32>
      tpu.vector_store %arg10[%swap3A_267, %swap3A_268], %swap3A_271 {strides = array<i32>} : memref<128x128xf32, #tpu.memory_space<vmem>>, vector<1x16xf32>,
      %mul3A_272 = arith.mulf %scan3A_86#2, %div3A : vector<16xf32>
      %mul3A_273 = arith.constant 2 : i32
      %mul3A_274 = arith.muli %add3A_49, %mul3A_273 : i32
      %add3A_275 = arith.constant 0 : i32
      %add3A_276 = arith.addi %mul3A_274, %add3A_275 : i32
      %swap3A_277 = arith.index_cast %add3A_276 : i32 to index
      %swap3A_278 = arith.constant 32 : index
      %swap3A_279 = tpu.vector_load %arg10[%swap3A_277, %swap3A_278] {strides = array<i32>} : memref<128x128xf32, #tpu.memory_space<vmem>>, vector<1x16xf32>,
      %swap3A_280 = vector.shape_cast %swap3A_279 : vector<1x16xf32> to vector<16xf32>
      %swap3A_281 = vector.shape_cast %mul3A_272 : vector<16xf32> to vector<1x16xf32>
      tpu.vector_store %arg10[%swap3A_277, %swap3A_278], %swap3A_281 {strides = array<i32>} : memref<128x128xf32, #tpu.memory_space<vmem>>, vector<1x16xf32>,
      %mul3A_282 = arith.mulf %scan3A_86#3, %div3A : vector<16xf32>
      %mul3A_283 = arith.constant 2 : i32
      %mul3A_284 = arith.muli %add3A_49, %mul3A_283 : i32
      %add3A_285 = arith.constant 0 : i32
      %add3A_286 = arith.addi %mul3A_284, %add3A_285 : i32
      %swap3A_287 = arith.index_cast %add3A_286 : i32 to index
      %swap3A_288 = arith.constant 48 : index
      %swap3A_289 = tpu.vector_load %arg10[%swap3A_287, %swap3A_288] {strides = array<i32>} : memref<128x128xf32, #tpu.memory_space<vmem>>, vector<1x16xf32>,
      %swap3A_290 = vector.shape_cast %swap3A_289 : vector<1x16xf32> to vector<16xf32>
      %swap3A_291 = vector.shape_cast %mul3A_282 : vector<16xf32> to vector<1x16xf32>
      tpu.vector_store %arg10[%swap3A_287, %swap3A_288], %swap3A_291 {strides = array<i32>} : memref<128x128xf32, #tpu.memory_space<vmem>>, vector<1x16xf32>,
      %mul3A_292 = arith.mulf %scan3A_86#4, %div3A : vector<16xf32>
      %mul3A_293 = arith.constant 2 : i32
      %mul3A_294 = arith.muli %add3A_49, %mul3A_293 : i32
      %add3A_295 = arith.constant 0 : i32
      %add3A_296 = arith.addi %mul3A_294, %add3A_295 : i32
      %swap3A_297 = arith.index_cast %add3A_296 : i32 to index
      %swap3A_298 = arith.constant 64 : index
      %swap3A_299 = tpu.vector_load %arg10[%swap3A_297, %swap3A_298] {strides = array<i32>} : memref<128x128xf32, #tpu.memory_space<vmem>>, vector<1x16xf32>,
      %swap3A_300 = vector.shape_cast %swap3A_299 : vector<1x16xf32> to vector<16xf32>
      %swap3A_301 = vector.shape_cast %mul3A_292 : vector<16xf32> to vector<1x16xf32>
      tpu.vector_store %arg10[%swap3A_297, %swap3A_298], %swap3A_301 {strides = array<i32>} : memref<128x128xf32, #tpu.memory_space<vmem>>, vector<1x16xf32>,
      %mul3A_302 = arith.mulf %scan3A_86#5, %div3A : vector<16xf32>
      %mul3A_303 = arith.constant 2 : i32
      %mul3A_304 = arith.muli %add3A_49, %mul3A_303 : i32
      %add3A_305 = arith.constant 0 : i32
      %add3A_306 = arith.addi %mul3A_304, %add3A_305 : i32
      %swap3A_307 = arith.index_cast %add3A_306 : i32 to index
      %swap3A_308 = arith.constant 80 : index
      %swap3A_309 = tpu.vector_load %arg10[%swap3A_307, %swap3A_308] {strides = array<i32>} : memref<128x128xf32, #tpu.memory_space<vmem>>, vector<1x16xf32>,
      %swap3A_310 = vector.shape_cast %swap3A_309 : vector<1x16xf32> to vector<16xf32>
      %swap3A_311 = vector.shape_cast %mul3A_302 : vector<16xf32> to vector<1x16xf32>
      tpu.vector_store %arg10[%swap3A_307, %swap3A_308], %swap3A_311 {strides = array<i32>} : memref<128x128xf32, #tpu.memory_space<vmem>>, vector<1x16xf32>,
      %mul3A_312 = arith.mulf %scan3A_86#6, %div3A : vector<16xf32>
      %mul3A_313 = arith.constant 2 : i32
      %mul3A_314 = arith.muli %add3A_49, %mul3A_313 : i32
      %add3A_315 = arith.constant 0 : i32
      %add3A_316 = arith.addi %mul3A_314, %add3A_315 : i32
      %swap3A_317 = arith.index_cast %add3A_316 : i32 to index
      %swap3A_318 = arith.constant 96 : index
      %swap3A_319 = tpu.vector_load %arg10[%swap3A_317, %swap3A_318] {strides = array<i32>} : memref<128x128xf32, #tpu.memory_space<vmem>>, vector<1x16xf32>,
      %swap3A_320 = vector.shape_cast %swap3A_319 : vector<1x16xf32> to vector<16xf32>
      %swap3A_321 = vector.shape_cast %mul3A_312 : vector<16xf32> to vector<1x16xf32>
      tpu.vector_store %arg10[%swap3A_317, %swap3A_318], %swap3A_321 {strides = array<i32>} : memref<128x128xf32, #tpu.memory_space<vmem>>, vector<1x16xf32>,
      %mul3A_322 = arith.mulf %scan3A_86#7, %div3A : vector<16xf32>
      %mul3A_323 = arith.constant 2 : i32
      %mul3A_324 = arith.muli %add3A_49, %mul3A_323 : i32
      %add3A_325 = arith.constant 0 : i32
      %add3A_326 = arith.addi %mul3A_324, %add3A_325 : i32
      %swap3A_327 = arith.index_cast %add3A_326 : i32 to index
      %swap3A_328 = arith.constant 112 : index
      %swap3A_329 = tpu.vector_load %arg10[%swap3A_327, %swap3A_328] {strides = array<i32>} : memref<128x128xf32, #tpu.memory_space<vmem>>, vector<1x16xf32>,
      %swap3A_330 = vector.shape_cast %swap3A_329 : vector<1x16xf32> to vector<16xf32>
      %swap3A_331 = vector.shape_cast %mul3A_322 : vector<16xf32> to vector<1x16xf32>
      tpu.vector_store %arg10[%swap3A_327, %swap3A_328], %swap3A_331 {strides = array<i32>} : memref<128x128xf32, #tpu.memory_space<vmem>>, vector<1x16xf32>,
      %mul3A_332 = arith.mulf %scan3A_86#8, %div3A_252 : vector<16xf32>
      %mul3A_333 = arith.constant 2 : i32
      %mul3A_334 = arith.muli %add3A_49, %mul3A_333 : i32
      %add3A_335 = arith.constant 1 : i32
      %add3A_336 = arith.addi %mul3A_334, %add3A_335 : i32
      %swap3A_337 = arith.index_cast %add3A_336 : i32 to index
      %swap3A_338 = arith.constant 0 : index
      %swap3A_339 = tpu.vector_load %arg10[%swap3A_337, %swap3A_338] {strides = array<i32>} : memref<128x128xf32, #tpu.memory_space<vmem>>, vector<1x16xf32>,
      %swap3A_340 = vector.shape_cast %swap3A_339 : vector<1x16xf32> to vector<16xf32>
      %swap3A_341 = vector.shape_cast %mul3A_332 : vector<16xf32> to vector<1x16xf32>
      tpu.vector_store %arg10[%swap3A_337, %swap3A_338], %swap3A_341 {strides = array<i32>} : memref<128x128xf32, #tpu.memory_space<vmem>>, vector<1x16xf32>,
      %mul3A_342 = arith.mulf %scan3A_86#9, %div3A_252 : vector<16xf32>
      %mul3A_343 = arith.constant 2 : i32
      %mul3A_344 = arith.muli %add3A_49, %mul3A_343 : i32
      %add3A_345 = arith.constant 1 : i32
      %add3A_346 = arith.addi %mul3A_344, %add3A_345 : i32
      %swap3A_347 = arith.index_cast %add3A_346 : i32 to index
      %swap3A_348 = arith.constant 16 : index
      %swap3A_349 = tpu.vector_load %arg10[%swap3A_347, %swap3A_348] {strides = array<i32>} : memref<128x128xf32, #tpu.memory_space<vmem>>, vector<1x16xf32>,
      %swap3A_350 = vector.shape_cast %swap3A_349 : vector<1x16xf32> to vector<16xf32>
      %swap3A_351 = vector.shape_cast %mul3A_342 : vector<16xf32> to vector<1x16xf32>
      tpu.vector_store %arg10[%swap3A_347, %swap3A_348], %swap3A_351 {strides = array<i32>} : memref<128x128xf32, #tpu.memory_space<vmem>>, vector<1x16xf32>,
      %mul3A_352 = arith.mulf %scan3A_86#10, %div3A_252 : vector<16xf32>
      %mul3A_353 = arith.constant 2 : i32
      %mul3A_354 = arith.muli %add3A_49, %mul3A_353 : i32
      %add3A_355 = arith.constant 1 : i32
      %add3A_356 = arith.addi %mul3A_354, %add3A_355 : i32
      %swap3A_357 = arith.index_cast %add3A_356 : i32 to index
      %swap3A_358 = arith.constant 32 : index
      %swap3A_359 = tpu.vector_load %arg10[%swap3A_357, %swap3A_358] {strides = array<i32>} : memref<128x128xf32, #tpu.memory_space<vmem>>, vector<1x16xf32>,
      %swap3A_360 = vector.shape_cast %swap3A_359 : vector<1x16xf32> to vector<16xf32>
      %swap3A_361 = vector.shape_cast %mul3A_352 : vector<16xf32> to vector<1x16xf32>
      tpu.vector_store %arg10[%swap3A_357, %swap3A_358], %swap3A_361 {strides = array<i32>} : memref<128x128xf32, #tpu.memory_space<vmem>>, vector<1x16xf32>,
      %mul3A_362 = arith.mulf %scan3A_86#11, %div3A_252 : vector<16xf32>
      %mul3A_363 = arith.constant 2 : i32
      %mul3A_364 = arith.muli %add3A_49, %mul3A_363 : i32
      %add3A_365 = arith.constant 1 : i32
      %add3A_366 = arith.addi %mul3A_364, %add3A_365 : i32
      %swap3A_367 = arith.index_cast %add3A_366 : i32 to index
      %swap3A_368 = arith.constant 48 : index
      %swap3A_369 = tpu.vector_load %arg10[%swap3A_367, %swap3A_368] {strides = array<i32>} : memref<128x128xf32, #tpu.memory_space<vmem>>, vector<1x16xf32>,
      %swap3A_370 = vector.shape_cast %swap3A_369 : vector<1x16xf32> to vector<16xf32>
      %swap3A_371 = vector.shape_cast %mul3A_362 : vector<16xf32> to vector<1x16xf32>
      tpu.vector_store %arg10[%swap3A_367, %swap3A_368], %swap3A_371 {strides = array<i32>} : memref<128x128xf32, #tpu.memory_space<vmem>>, vector<1x16xf32>,
      %mul3A_372 = arith.mulf %scan3A_86#12, %div3A_252 : vector<16xf32>
      %mul3A_373 = arith.constant 2 : i32
      %mul3A_374 = arith.muli %add3A_49, %mul3A_373 : i32
      %add3A_375 = arith.constant 1 : i32
      %add3A_376 = arith.addi %mul3A_374, %add3A_375 : i32
      %swap3A_377 = arith.index_cast %add3A_376 : i32 to index
      %swap3A_378 = arith.constant 64 : index
      %swap3A_379 = tpu.vector_load %arg10[%swap3A_377, %swap3A_378] {strides = array<i32>} : memref<128x128xf32, #tpu.memory_space<vmem>>, vector<1x16xf32>,
      %swap3A_380 = vector.shape_cast %swap3A_379 : vector<1x16xf32> to vector<16xf32>
      %swap3A_381 = vector.shape_cast %mul3A_372 : vector<16xf32> to vector<1x16xf32>
      tpu.vector_store %arg10[%swap3A_377, %swap3A_378], %swap3A_381 {strides = array<i32>} : memref<128x128xf32, #tpu.memory_space<vmem>>, vector<1x16xf32>,
      %mul3A_382 = arith.mulf %scan3A_86#13, %div3A_252 : vector<16xf32>
      %mul3A_383 = arith.constant 2 : i32
      %mul3A_384 = arith.muli %add3A_49, %mul3A_383 : i32
      %add3A_385 = arith.constant 1 : i32
      %add3A_386 = arith.addi %mul3A_384, %add3A_385 : i32
      %swap3A_387 = arith.index_cast %add3A_386 : i32 to index
      %swap3A_388 = arith.constant 80 : index
      %swap3A_389 = tpu.vector_load %arg10[%swap3A_387, %swap3A_388] {strides = array<i32>} : memref<128x128xf32, #tpu.memory_space<vmem>>, vector<1x16xf32>,
      %swap3A_390 = vector.shape_cast %swap3A_389 : vector<1x16xf32> to vector<16xf32>
      %swap3A_391 = vector.shape_cast %mul3A_382 : vector<16xf32> to vector<1x16xf32>
      tpu.vector_store %arg10[%swap3A_387, %swap3A_388], %swap3A_391 {strides = array<i32>} : memref<128x128xf32, #tpu.memory_space<vmem>>, vector<1x16xf32>,
      %mul3A_392 = arith.mulf %scan3A_86#14, %div3A_252 : vector<16xf32>
      %mul3A_393 = arith.constant 2 : i32
      %mul3A_394 = arith.muli %add3A_49, %mul3A_393 : i32
      %add3A_395 = arith.constant 1 : i32
      %add3A_396 = arith.addi %mul3A_394, %add3A_395 : i32
      %swap3A_397 = arith.index_cast %add3A_396 : i32 to index
      %swap3A_398 = arith.constant 96 : index
      %swap3A_399 = tpu.vector_load %arg10[%swap3A_397, %swap3A_398] {strides = array<i32>} : memref<128x128xf32, #tpu.memory_space<vmem>>, vector<1x16xf32>,
      %swap3A_400 = vector.shape_cast %swap3A_399 : vector<1x16xf32> to vector<16xf32>
      %swap3A_401 = vector.shape_cast %mul3A_392 : vector<16xf32> to vector<1x16xf32>
      tpu.vector_store %arg10[%swap3A_397, %swap3A_398], %swap3A_401 {strides = array<i32>} : memref<128x128xf32, #tpu.memory_space<vmem>>, vector<1x16xf32>,
      %mul3A_402 = arith.mulf %scan3A_86#15, %div3A_252 : vector<16xf32>
      %mul3A_403 = arith.constant 2 : i32
      %mul3A_404 = arith.muli %add3A_49, %mul3A_403 : i32
      %add3A_405 = arith.constant 1 : i32
      %add3A_406 = arith.addi %mul3A_404, %add3A_405 : i32
      %swap3A_407 = arith.index_cast %add3A_406 : i32 to index
      %swap3A_408 = arith.constant 112 : index
      %swap3A_409 = tpu.vector_load %arg10[%swap3A_407, %swap3A_408] {strides = array<i32>} : memref<128x128xf32, #tpu.memory_space<vmem>>, vector<1x16xf32>,
      %swap3A_410 = vector.shape_cast %swap3A_409 : vector<1x16xf32> to vector<16xf32>
      %swap3A_411 = vector.shape_cast %mul3A_402 : vector<16xf32> to vector<1x16xf32>
      tpu.vector_store %arg10[%swap3A_407, %swap3A_408], %swap3A_411 {strides = array<i32>} : memref<128x128xf32, #tpu.memory_space<vmem>>, vector<1x16xf32>,
      %add3A_412 = arith.constant 1 : i32
      %add3A_413 = arith.addi %mul3A_33, %add3A_412 : i32
      %dma_wait3A_414 = arith.constant 0 : i32
      %dma_wait3A_415 = tpu.memref_slice %arg5[%add3A_413, %dma_wait3A_414] : memref<64x100xi32, #tpu.memory_space<vmem>> -> memref<1x100xi32, #tpu.memory_space<vmem>>
      %dma_wait3A_416 = tpu.memref_squeeze %dma_wait3A_415 : memref<1x100xi32, #tpu.memory_space<vmem>> -> memref<100xi32, #tpu.memory_space<vmem>>
      %dma_wait3A_417 = arith.constant 0 : i32
      %dma_wait3A_418 = arith.constant 0 : i32
      %dma_wait3A_419 = tpu.memref_slice %arg3[%dma_wait3A_417, %dma_wait3A_418] : memref<100000x128xf32, #tpu.memory_space<hbm>> -> memref<100000x128xf32, #tpu.memory_space<hbm>>
      tpu.wait_indirect_dma semaphore(%arg11 : memref<!tpu.dma_semaphore, #tpu.memory_space<semaphore_mem>>) src(%dma_wait3A_419 : memref<100000x128xf32, #tpu.memory_space<hbm>>) dst(%arg7 : memref<100x128xf32, #tpu.memory_space<vmem>>)
      %add3A_420 = arith.constant 1 : i32
      %add3A_421 = arith.addi %mul3A_33, %add3A_420 : i32
      %add3A_422 = arith.constant 4 : i32
      %add3A_423 = arith.addi %add3A_421, %add3A_422 : i32
      %sub3A_424 = arith.constant 1 : i32
      %sub3A_425 = arith.subi %add3A_423, %sub3A_424 : i32
      %lt3A_426 = arith.constant 64 : i32
      %lt3A_427 = arith.cmpi slt, %sub3A_425, %lt3A_426 : i32
      %convert_element_type3A_428 = arith.extui %lt3A_427 : i1 to i32
      %cond3A_429 = arith.constant 0 : i32
      %cond3A_430 = arith.cmpi ne, %convert_element_type3A_428, %cond3A_429 : i32
      scf.if %cond3A_430 {
        %dma_start3A_1588 = arith.constant 0 : i32
        %dma_start3A_1589 = tpu.memref_slice %arg5[%sub3A_425, %dma_start3A_1588] : memref<64x100xi32, #tpu.memory_space<vmem>> -> memref<1x100xi32, #tpu.memory_space<vmem>>
        %dma_start3A_1590 = tpu.memref_squeeze %dma_start3A_1589 : memref<1x100xi32, #tpu.memory_space<vmem>> -> memref<100xi32, #tpu.memory_space<vmem>>
        %dma_start3A_1591 = arith.constant 0 : i32
        %dma_start3A_1592 = arith.constant 0 : i32
        %dma_start3A_1593 = tpu.memref_slice %arg3[%dma_start3A_1591, %dma_start3A_1592] : memref<100000x128xf32, #tpu.memory_space<hbm>> -> memref<100000x128xf32, #tpu.memory_space<hbm>>
        tpu.enqueue_indirect_dma source(%dma_start3A_1593 : memref<100000x128xf32, #tpu.memory_space<hbm>>) target(%arg6 : memref<100x128xf32, #tpu.memory_space<vmem>>) offsets(%dma_start3A_1590 : memref<100xi32, #tpu.memory_space<vmem>>) semaphore(%arg11 : memref<!tpu.dma_semaphore, #tpu.memory_space<semaphore_mem>>)
      } else {
      }
      %add3A_431 = arith.constant 1 : i32
      %add3A_432 = arith.addi %mul3A_33, %add3A_431 : i32
      %broadcast_in_dim3A_433 = arith.constant 0.000000e+00 : f32
      %broadcast_in_dim3A_434 = vector.broadcast %broadcast_in_dim3A_433 : f32 to vector<16xf32>
      %broadcast_in_dim3A_435 = arith.constant 0.000000e+00 : f32
      %broadcast_in_dim3A_436 = vector.broadcast %broadcast_in_dim3A_435 : f32 to vector<16xf32>
      %broadcast_in_dim3A_437 = arith.constant 0.000000e+00 : f32
      %broadcast_in_dim3A_438 = vector.broadcast %broadcast_in_dim3A_437 : f32 to vector<16xf32>
      %broadcast_in_dim3A_439 = arith.constant 0.000000e+00 : f32
      %broadcast_in_dim3A_440 = vector.broadcast %broadcast_in_dim3A_439 : f32 to vector<16xf32>
      %broadcast_in_dim3A_441 = arith.constant 0.000000e+00 : f32
      %broadcast_in_dim3A_442 = vector.broadcast %broadcast_in_dim3A_441 : f32 to vector<16xf32>
      %broadcast_in_dim3A_443 = arith.constant 0.000000e+00 : f32
      %broadcast_in_dim3A_444 = vector.broadcast %broadcast_in_dim3A_443 : f32 to vector<16xf32>
      %broadcast_in_dim3A_445 = arith.constant 0.000000e+00 : f32
      %broadcast_in_dim3A_446 = vector.broadcast %broadcast_in_dim3A_445 : f32 to vector<16xf32>
      %broadcast_in_dim3A_447 = arith.constant 0.000000e+00 : f32
      %broadcast_in_dim3A_448 = vector.broadcast %broadcast_in_dim3A_447 : f32 to vector<16xf32>
      %broadcast_in_dim3A_449 = arith.constant 0.000000e+00 : f32
      %broadcast_in_dim3A_450 = vector.broadcast %broadcast_in_dim3A_449 : f32 to vector<16xf32>
      %broadcast_in_dim3A_451 = arith.constant 0.000000e+00 : f32
      %broadcast_in_dim3A_452 = vector.broadcast %broadcast_in_dim3A_451 : f32 to vector<16xf32>
      %broadcast_in_dim3A_453 = arith.constant 0.000000e+00 : f32
      %broadcast_in_dim3A_454 = vector.broadcast %broadcast_in_dim3A_453 : f32 to vector<16xf32>
      %broadcast_in_dim3A_455 = arith.constant 0.000000e+00 : f32
      %broadcast_in_dim3A_456 = vector.broadcast %broadcast_in_dim3A_455 : f32 to vector<16xf32>
      %broadcast_in_dim3A_457 = arith.constant 0.000000e+00 : f32
      %broadcast_in_dim3A_458 = vector.broadcast %broadcast_in_dim3A_457 : f32 to vector<16xf32>
      %broadcast_in_dim3A_459 = arith.constant 0.000000e+00 : f32
      %broadcast_in_dim3A_460 = vector.broadcast %broadcast_in_dim3A_459 : f32 to vector<16xf32>
      %broadcast_in_dim3A_461 = arith.constant 0.000000e+00 : f32
      %broadcast_in_dim3A_462 = vector.broadcast %broadcast_in_dim3A_461 : f32 to vector<16xf32>
      %broadcast_in_dim3A_463 = arith.constant 0.000000e+00 : f32
      %broadcast_in_dim3A_464 = vector.broadcast %broadcast_in_dim3A_463 : f32 to vector<16xf32>
      %scan3A_465 = arith.constant 0 : i32
      %scan3A_466 = arith.constant 25 : i32
      %scan3A_467 = arith.addi %scan3A_465, %scan3A_466 : i32
      %scan3A_468 = arith.constant 1 : i32
      %scan3A_469:16 = scf.for %scan3A_1588 = %scan3A_465 to %scan3A_467 step %scan3A_468 iter_args(%scan3A_1589 = %broadcast_in_dim3A_434, %scan3A_1590 = %broadcast_in_dim3A_436, %scan3A_1591 = %broadcast_in_dim3A_438, %scan3A_1592 = %broadcast_in_dim3A_440, %scan3A_1593 = %broadcast_in_dim3A_442, %scan3A_1594 = %broadcast_in_dim3A_444, %scan3A_1595 = %broadcast_in_dim3A_446, %scan3A_1596 = %broadcast_in_dim3A_448, %scan3A_1597 = %broadcast_in_dim3A_450, %scan3A_1598 = %broadcast_in_dim3A_452, %scan3A_1599 = %broadcast_in_dim3A_454, %scan3A_1600 = %broadcast_in_dim3A_456, %scan3A_1601 = %broadcast_in_dim3A_458, %scan3A_1602 = %broadcast_in_dim3A_460, %scan3A_1603 = %broadcast_in_dim3A_462, %scan3A_1604 = %broadcast_in_dim3A_464) -> (vector<16xf32>, vector<16xf32>, vector<16xf32>, vector<16xf32>, vector<16xf32>, vector<16xf32>, vector<16xf32>, vector<16xf32>, vector<16xf32>, vector<16xf32>, vector<16xf32>, vector<16xf32>, vector<16xf32>, vector<16xf32>, vector<16xf32>, vector<16xf32>)  : i32 {
        %mul3A_1605 = arith.constant 2 : i32
        %mul3A_1606 = arith.muli %scan3A_1588, %mul3A_1605 : i32
        %add3A_1607 = arith.constant 0 : i32
        %add3A_1608 = arith.addi %mul3A_1606, %add3A_1607 : i32
        %add3A_1609 = arith.constant 0 : i32
        %add3A_1610 = arith.addi %add3A_1609, %add3A_1608 : i32
        %get3A_1611 = arith.index_cast %add3A_1610 : i32 to index
        %get3A_1612 = arith.constant 0 : index
        %get3A_1613 = tpu.vector_load %arg7[%get3A_1611, %get3A_1612] {strides = array<i32>} : memref<100x128xf32, #tpu.memory_space<vmem>>, vector<1x16xf32>,
        %get3A_1614 = vector.shape_cast %get3A_1613 : vector<1x16xf32> to vector<16xf32>
        %add3A_1615 = arith.addf %scan3A_1589, %get3A_1614 : vector<16xf32>
        %add3A_1616 = arith.constant 0 : i32
        %add3A_1617 = arith.addi %add3A_1616, %add3A_1608 : i32
        %get3A_1618 = arith.index_cast %add3A_1617 : i32 to index
        %get3A_1619 = arith.constant 16 : index
        %get3A_1620 = tpu.vector_load %arg7[%get3A_1618, %get3A_1619] {strides = array<i32>} : memref<100x128xf32, #tpu.memory_space<vmem>>, vector<1x16xf32>,
        %get3A_1621 = vector.shape_cast %get3A_1620 : vector<1x16xf32> to vector<16xf32>
        %add3A_1622 = arith.addf %scan3A_1590, %get3A_1621 : vector<16xf32>
        %add3A_1623 = arith.constant 0 : i32
        %add3A_1624 = arith.addi %add3A_1623, %add3A_1608 : i32
        %get3A_1625 = arith.index_cast %add3A_1624 : i32 to index
        %get3A_1626 = arith.constant 32 : index
        %get3A_1627 = tpu.vector_load %arg7[%get3A_1625, %get3A_1626] {strides = array<i32>} : memref<100x128xf32, #tpu.memory_space<vmem>>, vector<1x16xf32>,
        %get3A_1628 = vector.shape_cast %get3A_1627 : vector<1x16xf32> to vector<16xf32>
        %add3A_1629 = arith.addf %scan3A_1591, %get3A_1628 : vector<16xf32>
        %add3A_1630 = arith.constant 0 : i32
        %add3A_1631 = arith.addi %add3A_1630, %add3A_1608 : i32
        %get3A_1632 = arith.index_cast %add3A_1631 : i32 to index
        %get3A_1633 = arith.constant 48 : index
        %get3A_1634 = tpu.vector_load %arg7[%get3A_1632, %get3A_1633] {strides = array<i32>} : memref<100x128xf32, #tpu.memory_space<vmem>>, vector<1x16xf32>,
        %get3A_1635 = vector.shape_cast %get3A_1634 : vector<1x16xf32> to vector<16xf32>
        %add3A_1636 = arith.addf %scan3A_1592, %get3A_1635 : vector<16xf32>
        %add3A_1637 = arith.constant 0 : i32
        %add3A_1638 = arith.addi %add3A_1637, %add3A_1608 : i32
        %get3A_1639 = arith.index_cast %add3A_1638 : i32 to index
        %get3A_1640 = arith.constant 64 : index
        %get3A_1641 = tpu.vector_load %arg7[%get3A_1639, %get3A_1640] {strides = array<i32>} : memref<100x128xf32, #tpu.memory_space<vmem>>, vector<1x16xf32>,
        %get3A_1642 = vector.shape_cast %get3A_1641 : vector<1x16xf32> to vector<16xf32>
        %add3A_1643 = arith.addf %scan3A_1593, %get3A_1642 : vector<16xf32>
        %add3A_1644 = arith.constant 0 : i32
        %add3A_1645 = arith.addi %add3A_1644, %add3A_1608 : i32
        %get3A_1646 = arith.index_cast %add3A_1645 : i32 to index
        %get3A_1647 = arith.constant 80 : index
        %get3A_1648 = tpu.vector_load %arg7[%get3A_1646, %get3A_1647] {strides = array<i32>} : memref<100x128xf32, #tpu.memory_space<vmem>>, vector<1x16xf32>,
        %get3A_1649 = vector.shape_cast %get3A_1648 : vector<1x16xf32> to vector<16xf32>
        %add3A_1650 = arith.addf %scan3A_1594, %get3A_1649 : vector<16xf32>
        %add3A_1651 = arith.constant 0 : i32
        %add3A_1652 = arith.addi %add3A_1651, %add3A_1608 : i32
        %get3A_1653 = arith.index_cast %add3A_1652 : i32 to index
        %get3A_1654 = arith.constant 96 : index
        %get3A_1655 = tpu.vector_load %arg7[%get3A_1653, %get3A_1654] {strides = array<i32>} : memref<100x128xf32, #tpu.memory_space<vmem>>, vector<1x16xf32>,
        %get3A_1656 = vector.shape_cast %get3A_1655 : vector<1x16xf32> to vector<16xf32>
        %add3A_1657 = arith.addf %scan3A_1595, %get3A_1656 : vector<16xf32>
        %add3A_1658 = arith.constant 0 : i32
        %add3A_1659 = arith.addi %add3A_1658, %add3A_1608 : i32
        %get3A_1660 = arith.index_cast %add3A_1659 : i32 to index
        %get3A_1661 = arith.constant 112 : index
        %get3A_1662 = tpu.vector_load %arg7[%get3A_1660, %get3A_1661] {strides = array<i32>} : memref<100x128xf32, #tpu.memory_space<vmem>>, vector<1x16xf32>,
        %get3A_1663 = vector.shape_cast %get3A_1662 : vector<1x16xf32> to vector<16xf32>
        %add3A_1664 = arith.addf %scan3A_1596, %get3A_1663 : vector<16xf32>
        %add3A_1665 = arith.constant 50 : i32
        %add3A_1666 = arith.addi %add3A_1665, %add3A_1608 : i32
        %get3A_1667 = arith.index_cast %add3A_1666 : i32 to index
        %get3A_1668 = arith.constant 0 : index
        %get3A_1669 = tpu.vector_load %arg7[%get3A_1667, %get3A_1668] {strides = array<i32>} : memref<100x128xf32, #tpu.memory_space<vmem>>, vector<1x16xf32>,
        %get3A_1670 = vector.shape_cast %get3A_1669 : vector<1x16xf32> to vector<16xf32>
        %add3A_1671 = arith.addf %scan3A_1597, %get3A_1670 : vector<16xf32>
        %add3A_1672 = arith.constant 50 : i32
        %add3A_1673 = arith.addi %add3A_1672, %add3A_1608 : i32
        %get3A_1674 = arith.index_cast %add3A_1673 : i32 to index
        %get3A_1675 = arith.constant 16 : index
        %get3A_1676 = tpu.vector_load %arg7[%get3A_1674, %get3A_1675] {strides = array<i32>} : memref<100x128xf32, #tpu.memory_space<vmem>>, vector<1x16xf32>,
        %get3A_1677 = vector.shape_cast %get3A_1676 : vector<1x16xf32> to vector<16xf32>
        %add3A_1678 = arith.addf %scan3A_1598, %get3A_1677 : vector<16xf32>
        %add3A_1679 = arith.constant 50 : i32
        %add3A_1680 = arith.addi %add3A_1679, %add3A_1608 : i32
        %get3A_1681 = arith.index_cast %add3A_1680 : i32 to index
        %get3A_1682 = arith.constant 32 : index
        %get3A_1683 = tpu.vector_load %arg7[%get3A_1681, %get3A_1682] {strides = array<i32>} : memref<100x128xf32, #tpu.memory_space<vmem>>, vector<1x16xf32>,
        %get3A_1684 = vector.shape_cast %get3A_1683 : vector<1x16xf32> to vector<16xf32>
        %add3A_1685 = arith.addf %scan3A_1599, %get3A_1684 : vector<16xf32>
        %add3A_1686 = arith.constant 50 : i32
        %add3A_1687 = arith.addi %add3A_1686, %add3A_1608 : i32
        %get3A_1688 = arith.index_cast %add3A_1687 : i32 to index
        %get3A_1689 = arith.constant 48 : index
        %get3A_1690 = tpu.vector_load %arg7[%get3A_1688, %get3A_1689] {strides = array<i32>} : memref<100x128xf32, #tpu.memory_space<vmem>>, vector<1x16xf32>,
        %get3A_1691 = vector.shape_cast %get3A_1690 : vector<1x16xf32> to vector<16xf32>
        %add3A_1692 = arith.addf %scan3A_1600, %get3A_1691 : vector<16xf32>
        %add3A_1693 = arith.constant 50 : i32
        %add3A_1694 = arith.addi %add3A_1693, %add3A_1608 : i32
        %get3A_1695 = arith.index_cast %add3A_1694 : i32 to index
        %get3A_1696 = arith.constant 64 : index
        %get3A_1697 = tpu.vector_load %arg7[%get3A_1695, %get3A_1696] {strides = array<i32>} : memref<100x128xf32, #tpu.memory_space<vmem>>, vector<1x16xf32>,
        %get3A_1698 = vector.shape_cast %get3A_1697 : vector<1x16xf32> to vector<16xf32>
        %add3A_1699 = arith.addf %scan3A_1601, %get3A_1698 : vector<16xf32>
        %add3A_1700 = arith.constant 50 : i32
        %add3A_1701 = arith.addi %add3A_1700, %add3A_1608 : i32
        %get3A_1702 = arith.index_cast %add3A_1701 : i32 to index
        %get3A_1703 = arith.constant 80 : index
        %get3A_1704 = tpu.vector_load %arg7[%get3A_1702, %get3A_1703] {strides = array<i32>} : memref<100x128xf32, #tpu.memory_space<vmem>>, vector<1x16xf32>,
        %get3A_1705 = vector.shape_cast %get3A_1704 : vector<1x16xf32> to vector<16xf32>
        %add3A_1706 = arith.addf %scan3A_1602, %get3A_1705 : vector<16xf32>
        %add3A_1707 = arith.constant 50 : i32
        %add3A_1708 = arith.addi %add3A_1707, %add3A_1608 : i32
        %get3A_1709 = arith.index_cast %add3A_1708 : i32 to index
        %get3A_1710 = arith.constant 96 : index
        %get3A_1711 = tpu.vector_load %arg7[%get3A_1709, %get3A_1710] {strides = array<i32>} : memref<100x128xf32, #tpu.memory_space<vmem>>, vector<1x16xf32>,
        %get3A_1712 = vector.shape_cast %get3A_1711 : vector<1x16xf32> to vector<16xf32>
        %add3A_1713 = arith.addf %scan3A_1603, %get3A_1712 : vector<16xf32>
        %add3A_1714 = arith.constant 50 : i32
        %add3A_1715 = arith.addi %add3A_1714, %add3A_1608 : i32
        %get3A_1716 = arith.index_cast %add3A_1715 : i32 to index
        %get3A_1717 = arith.constant 112 : index
        %get3A_1718 = tpu.vector_load %arg7[%get3A_1716, %get3A_1717] {strides = array<i32>} : memref<100x128xf32, #tpu.memory_space<vmem>>, vector<1x16xf32>,
        %get3A_1719 = vector.shape_cast %get3A_1718 : vector<1x16xf32> to vector<16xf32>
        %add3A_1720 = arith.addf %scan3A_1604, %get3A_1719 : vector<16xf32>
        %mul3A_1721 = arith.constant 2 : i32
        %mul3A_1722 = arith.muli %scan3A_1588, %mul3A_1721 : i32
        %add3A_1723 = arith.constant 1 : i32
        %add3A_1724 = arith.addi %mul3A_1722, %add3A_1723 : i32
        %add3A_1725 = arith.constant 0 : i32
        %add3A_1726 = arith.addi %add3A_1725, %add3A_1724 : i32
        %get3A_1727 = arith.index_cast %add3A_1726 : i32 to index
        %get3A_1728 = arith.constant 0 : index
        %get3A_1729 = tpu.vector_load %arg7[%get3A_1727, %get3A_1728] {strides = array<i32>} : memref<100x128xf32, #tpu.memory_space<vmem>>, vector<1x16xf32>,
        %get3A_1730 = vector.shape_cast %get3A_1729 : vector<1x16xf32> to vector<16xf32>
        %add3A_1731 = arith.addf %add3A_1615, %get3A_1730 : vector<16xf32>
        %add3A_1732 = arith.constant 0 : i32
        %add3A_1733 = arith.addi %add3A_1732, %add3A_1724 : i32
        %get3A_1734 = arith.index_cast %add3A_1733 : i32 to index
        %get3A_1735 = arith.constant 16 : index
        %get3A_1736 = tpu.vector_load %arg7[%get3A_1734, %get3A_1735] {strides = array<i32>} : memref<100x128xf32, #tpu.memory_space<vmem>>, vector<1x16xf32>,
        %get3A_1737 = vector.shape_cast %get3A_1736 : vector<1x16xf32> to vector<16xf32>
        %add3A_1738 = arith.addf %add3A_1622, %get3A_1737 : vector<16xf32>
        %add3A_1739 = arith.constant 0 : i32
        %add3A_1740 = arith.addi %add3A_1739, %add3A_1724 : i32
        %get3A_1741 = arith.index_cast %add3A_1740 : i32 to index
        %get3A_1742 = arith.constant 32 : index
        %get3A_1743 = tpu.vector_load %arg7[%get3A_1741, %get3A_1742] {strides = array<i32>} : memref<100x128xf32, #tpu.memory_space<vmem>>, vector<1x16xf32>,
        %get3A_1744 = vector.shape_cast %get3A_1743 : vector<1x16xf32> to vector<16xf32>
        %add3A_1745 = arith.addf %add3A_1629, %get3A_1744 : vector<16xf32>
        %add3A_1746 = arith.constant 0 : i32
        %add3A_1747 = arith.addi %add3A_1746, %add3A_1724 : i32
        %get3A_1748 = arith.index_cast %add3A_1747 : i32 to index
        %get3A_1749 = arith.constant 48 : index
        %get3A_1750 = tpu.vector_load %arg7[%get3A_1748, %get3A_1749] {strides = array<i32>} : memref<100x128xf32, #tpu.memory_space<vmem>>, vector<1x16xf32>,
        %get3A_1751 = vector.shape_cast %get3A_1750 : vector<1x16xf32> to vector<16xf32>
        %add3A_1752 = arith.addf %add3A_1636, %get3A_1751 : vector<16xf32>
        %add3A_1753 = arith.constant 0 : i32
        %add3A_1754 = arith.addi %add3A_1753, %add3A_1724 : i32
        %get3A_1755 = arith.index_cast %add3A_1754 : i32 to index
        %get3A_1756 = arith.constant 64 : index
        %get3A_1757 = tpu.vector_load %arg7[%get3A_1755, %get3A_1756] {strides = array<i32>} : memref<100x128xf32, #tpu.memory_space<vmem>>, vector<1x16xf32>,
        %get3A_1758 = vector.shape_cast %get3A_1757 : vector<1x16xf32> to vector<16xf32>
        %add3A_1759 = arith.addf %add3A_1643, %get3A_1758 : vector<16xf32>
        %add3A_1760 = arith.constant 0 : i32
        %add3A_1761 = arith.addi %add3A_1760, %add3A_1724 : i32
        %get3A_1762 = arith.index_cast %add3A_1761 : i32 to index
        %get3A_1763 = arith.constant 80 : index
        %get3A_1764 = tpu.vector_load %arg7[%get3A_1762, %get3A_1763] {strides = array<i32>} : memref<100x128xf32, #tpu.memory_space<vmem>>, vector<1x16xf32>,
        %get3A_1765 = vector.shape_cast %get3A_1764 : vector<1x16xf32> to vector<16xf32>
        %add3A_1766 = arith.addf %add3A_1650, %get3A_1765 : vector<16xf32>
        %add3A_1767 = arith.constant 0 : i32
        %add3A_1768 = arith.addi %add3A_1767, %add3A_1724 : i32
        %get3A_1769 = arith.index_cast %add3A_1768 : i32 to index
        %get3A_1770 = arith.constant 96 : index
        %get3A_1771 = tpu.vector_load %arg7[%get3A_1769, %get3A_1770] {strides = array<i32>} : memref<100x128xf32, #tpu.memory_space<vmem>>, vector<1x16xf32>,
        %get3A_1772 = vector.shape_cast %get3A_1771 : vector<1x16xf32> to vector<16xf32>
        %add3A_1773 = arith.addf %add3A_1657, %get3A_1772 : vector<16xf32>
        %add3A_1774 = arith.constant 0 : i32
        %add3A_1775 = arith.addi %add3A_1774, %add3A_1724 : i32
        %get3A_1776 = arith.index_cast %add3A_1775 : i32 to index
        %get3A_1777 = arith.constant 112 : index
        %get3A_1778 = tpu.vector_load %arg7[%get3A_1776, %get3A_1777] {strides = array<i32>} : memref<100x128xf32, #tpu.memory_space<vmem>>, vector<1x16xf32>,
        %get3A_1779 = vector.shape_cast %get3A_1778 : vector<1x16xf32> to vector<16xf32>
        %add3A_1780 = arith.addf %add3A_1664, %get3A_1779 : vector<16xf32>
        %add3A_1781 = arith.constant 50 : i32
        %add3A_1782 = arith.addi %add3A_1781, %add3A_1724 : i32
        %get3A_1783 = arith.index_cast %add3A_1782 : i32 to index
        %get3A_1784 = arith.constant 0 : index
        %get3A_1785 = tpu.vector_load %arg7[%get3A_1783, %get3A_1784] {strides = array<i32>} : memref<100x128xf32, #tpu.memory_space<vmem>>, vector<1x16xf32>,
        %get3A_1786 = vector.shape_cast %get3A_1785 : vector<1x16xf32> to vector<16xf32>
        %add3A_1787 = arith.addf %add3A_1671, %get3A_1786 : vector<16xf32>
        %add3A_1788 = arith.constant 50 : i32
        %add3A_1789 = arith.addi %add3A_1788, %add3A_1724 : i32
        %get3A_1790 = arith.index_cast %add3A_1789 : i32 to index
        %get3A_1791 = arith.constant 16 : index
        %get3A_1792 = tpu.vector_load %arg7[%get3A_1790, %get3A_1791] {strides = array<i32>} : memref<100x128xf32, #tpu.memory_space<vmem>>, vector<1x16xf32>,
        %get3A_1793 = vector.shape_cast %get3A_1792 : vector<1x16xf32> to vector<16xf32>
        %add3A_1794 = arith.addf %add3A_1678, %get3A_1793 : vector<16xf32>
        %add3A_1795 = arith.constant 50 : i32
        %add3A_1796 = arith.addi %add3A_1795, %add3A_1724 : i32
        %get3A_1797 = arith.index_cast %add3A_1796 : i32 to index
        %get3A_1798 = arith.constant 32 : index
        %get3A_1799 = tpu.vector_load %arg7[%get3A_1797, %get3A_1798] {strides = array<i32>} : memref<100x128xf32, #tpu.memory_space<vmem>>, vector<1x16xf32>,
        %get3A_1800 = vector.shape_cast %get3A_1799 : vector<1x16xf32> to vector<16xf32>
        %add3A_1801 = arith.addf %add3A_1685, %get3A_1800 : vector<16xf32>
        %add3A_1802 = arith.constant 50 : i32
        %add3A_1803 = arith.addi %add3A_1802, %add3A_1724 : i32
        %get3A_1804 = arith.index_cast %add3A_1803 : i32 to index
        %get3A_1805 = arith.constant 48 : index
        %get3A_1806 = tpu.vector_load %arg7[%get3A_1804, %get3A_1805] {strides = array<i32>} : memref<100x128xf32, #tpu.memory_space<vmem>>, vector<1x16xf32>,
        %get3A_1807 = vector.shape_cast %get3A_1806 : vector<1x16xf32> to vector<16xf32>
        %add3A_1808 = arith.addf %add3A_1692, %get3A_1807 : vector<16xf32>
        %add3A_1809 = arith.constant 50 : i32
        %add3A_1810 = arith.addi %add3A_1809, %add3A_1724 : i32
        %get3A_1811 = arith.index_cast %add3A_1810 : i32 to index
        %get3A_1812 = arith.constant 64 : index
        %get3A_1813 = tpu.vector_load %arg7[%get3A_1811, %get3A_1812] {strides = array<i32>} : memref<100x128xf32, #tpu.memory_space<vmem>>, vector<1x16xf32>,
        %get3A_1814 = vector.shape_cast %get3A_1813 : vector<1x16xf32> to vector<16xf32>
        %add3A_1815 = arith.addf %add3A_1699, %get3A_1814 : vector<16xf32>
        %add3A_1816 = arith.constant 50 : i32
        %add3A_1817 = arith.addi %add3A_1816, %add3A_1724 : i32
        %get3A_1818 = arith.index_cast %add3A_1817 : i32 to index
        %get3A_1819 = arith.constant 80 : index
        %get3A_1820 = tpu.vector_load %arg7[%get3A_1818, %get3A_1819] {strides = array<i32>} : memref<100x128xf32, #tpu.memory_space<vmem>>, vector<1x16xf32>,
        %get3A_1821 = vector.shape_cast %get3A_1820 : vector<1x16xf32> to vector<16xf32>
        %add3A_1822 = arith.addf %add3A_1706, %get3A_1821 : vector<16xf32>
        %add3A_1823 = arith.constant 50 : i32
        %add3A_1824 = arith.addi %add3A_1823, %add3A_1724 : i32
        %get3A_1825 = arith.index_cast %add3A_1824 : i32 to index
        %get3A_1826 = arith.constant 96 : index
        %get3A_1827 = tpu.vector_load %arg7[%get3A_1825, %get3A_1826] {strides = array<i32>} : memref<100x128xf32, #tpu.memory_space<vmem>>, vector<1x16xf32>,
        %get3A_1828 = vector.shape_cast %get3A_1827 : vector<1x16xf32> to vector<16xf32>
        %add3A_1829 = arith.addf %add3A_1713, %get3A_1828 : vector<16xf32>
        %add3A_1830 = arith.constant 50 : i32
        %add3A_1831 = arith.addi %add3A_1830, %add3A_1724 : i32
        %get3A_1832 = arith.index_cast %add3A_1831 : i32 to index
        %get3A_1833 = arith.constant 112 : index
        %get3A_1834 = tpu.vector_load %arg7[%get3A_1832, %get3A_1833] {strides = array<i32>} : memref<100x128xf32, #tpu.memory_space<vmem>>, vector<1x16xf32>,
        %get3A_1835 = vector.shape_cast %get3A_1834 : vector<1x16xf32> to vector<16xf32>
        %add3A_1836 = arith.addf %add3A_1720, %get3A_1835 : vector<16xf32>
        scf.yield %add3A_1731, %add3A_1738, %add3A_1745, %add3A_1752, %add3A_1759, %add3A_1766, %add3A_1773, %add3A_1780, %add3A_1787, %add3A_1794, %add3A_1801, %add3A_1808, %add3A_1815, %add3A_1822, %add3A_1829, %add3A_1836 : vector<16xf32>, vector<16xf32>, vector<16xf32>, vector<16xf32>, vector<16xf32>, vector<16xf32>, vector<16xf32>, vector<16xf32>, vector<16xf32>, vector<16xf32>, vector<16xf32>, vector<16xf32>, vector<16xf32>, vector<16xf32>, vector<16xf32>, vector<16xf32>
      }
      %scan3A_470 = arith.constant 25 : i32
      %get3A_471 = arith.index_cast %add3A_432 : i32 to index
      %get3A_472 = arith.constant 0 : index
      %get3A_473 = tpu.vector_load %arg5[%get3A_471, %get3A_472] {strides = array<i32>} : memref<64x100xi32, #tpu.memory_space<vmem>>, vector<1x16xi32>,
      %get3A_474 = vector.shape_cast %get3A_473 : vector<1x16xi32> to vector<16xi32>
      %ne3A_475 = arith.constant 0 : i32
      %ne3A_476 = vector.broadcast %ne3A_475 : i32 to vector<16xi32>
      %ne3A_477 = arith.cmpi ne, %get3A_474, %ne3A_476 : vector<16xi32>
      %select_n3A_478 = arith.select %ne3A_477, %broadcast_in_dim3A_3, %broadcast_in_dim3A_5 : vector<16xi1>, vector<16xf32>
      %get3A_479 = arith.index_cast %add3A_432 : i32 to index
      %get3A_480 = arith.constant 16 : index
      %get3A_481 = tpu.vector_load %arg5[%get3A_479, %get3A_480] {strides = array<i32>} : memref<64x100xi32, #tpu.memory_space<vmem>>, vector<1x16xi32>,
      %get3A_482 = vector.shape_cast %get3A_481 : vector<1x16xi32> to vector<16xi32>
      %ne3A_483 = arith.constant 0 : i32
      %ne3A_484 = vector.broadcast %ne3A_483 : i32 to vector<16xi32>
      %ne3A_485 = arith.cmpi ne, %get3A_482, %ne3A_484 : vector<16xi32>
      %select_n3A_486 = arith.select %ne3A_485, %broadcast_in_dim3A_3, %broadcast_in_dim3A_5 : vector<16xi1>, vector<16xf32>
      %get3A_487 = arith.index_cast %add3A_432 : i32 to index
      %get3A_488 = arith.constant 32 : index
      %get3A_489 = tpu.vector_load %arg5[%get3A_487, %get3A_488] {strides = array<i32>} : memref<64x100xi32, #tpu.memory_space<vmem>>, vector<1x16xi32>,
      %get3A_490 = vector.shape_cast %get3A_489 : vector<1x16xi32> to vector<16xi32>
      %ne3A_491 = arith.constant 0 : i32
      %ne3A_492 = vector.broadcast %ne3A_491 : i32 to vector<16xi32>
      %ne3A_493 = arith.cmpi ne, %get3A_490, %ne3A_492 : vector<16xi32>
      %select_n3A_494 = arith.select %ne3A_493, %broadcast_in_dim3A_3, %broadcast_in_dim3A_5 : vector<16xi1>, vector<16xf32>
      %get3A_495 = arith.index_cast %add3A_432 : i32 to index
      %get3A_496 = arith.constant 48 : index
      %get3A_497 = tpu.vector_load %arg5[%get3A_495, %get3A_496] {strides = array<i32>} : memref<64x100xi32, #tpu.memory_space<vmem>>, vector<1x16xi32>,
      %get3A_498 = vector.shape_cast %get3A_497 : vector<1x16xi32> to vector<16xi32>
      %ne3A_499 = arith.constant 0 : i32
      %ne3A_500 = vector.broadcast %ne3A_499 : i32 to vector<16xi32>
      %ne3A_501 = arith.cmpi ne, %get3A_498, %ne3A_500 : vector<16xi32>
      %select_n3A_502 = arith.select %ne3A_501, %broadcast_in_dim3A_3, %broadcast_in_dim3A_5 : vector<16xi1>, vector<16xf32>
      %get3A_503 = arith.index_cast %add3A_432 : i32 to index
      %get3A_504 = arith.constant 64 : index
      %get3A_505 = tpu.vector_load %arg5[%get3A_503, %get3A_504] {strides = array<i32>} : memref<64x100xi32, #tpu.memory_space<vmem>>, vector<1x16xi32>,
      %get3A_506 = vector.shape_cast %get3A_505 : vector<1x16xi32> to vector<16xi32>
      %ne3A_507 = arith.constant 0 : i32
      %ne3A_508 = vector.broadcast %ne3A_507 : i32 to vector<16xi32>
      %ne3A_509 = arith.cmpi ne, %get3A_506, %ne3A_508 : vector<16xi32>
      %select_n3A_510 = arith.select %ne3A_509, %broadcast_in_dim3A_3, %broadcast_in_dim3A_5 : vector<16xi1>, vector<16xf32>
      %get3A_511 = arith.index_cast %add3A_432 : i32 to index
      %get3A_512 = arith.constant 80 : index
      %get3A_513 = tpu.vector_load %arg5[%get3A_511, %get3A_512] {strides = array<i32>} : memref<64x100xi32, #tpu.memory_space<vmem>>, vector<1x16xi32>,
      %get3A_514 = vector.shape_cast %get3A_513 : vector<1x16xi32> to vector<16xi32>
      %ne3A_515 = arith.constant 0 : i32
      %ne3A_516 = vector.broadcast %ne3A_515 : i32 to vector<16xi32>
      %ne3A_517 = arith.cmpi ne, %get3A_514, %ne3A_516 : vector<16xi32>
      %select_n3A_518 = arith.select %ne3A_517, %broadcast_in_dim3A_3, %broadcast_in_dim3A_5 : vector<16xi1>, vector<16xf32>
      %get3A_519 = arith.index_cast %add3A_432 : i32 to index
      %get3A_520 = arith.constant 84 : index
      %get3A_521 = tpu.vector_load %arg5[%get3A_519, %get3A_520] {strides = array<i32>} : memref<64x100xi32, #tpu.memory_space<vmem>>, vector<1x16xi32>,
      %get3A_522 = vector.shape_cast %get3A_521 : vector<1x16xi32> to vector<16xi32>
      %ne3A_523 = arith.constant 0 : i32
      %ne3A_524 = vector.broadcast %ne3A_523 : i32 to vector<16xi32>
      %ne3A_525 = arith.cmpi ne, %get3A_522, %ne3A_524 : vector<16xi32>
      %select_n3A_526 = arith.select %ne3A_525, %broadcast_in_dim3A_3, %broadcast_in_dim3A_5 : vector<16xi1>, vector<16xf32>
      %lt3A_527 = arith.constant 2 : i32
      %lt3A_528 = vector.broadcast %lt3A_527 : i32 to vector<16xi32>
      %lt3A_529 = arith.cmpi slt, %iota3A, %lt3A_528 : vector<16xi32>
      %select_n3A_530 = arith.select %lt3A_529, %select_n3A_502, %broadcast_in_dim3A_5 : vector<16xi1>, vector<16xf32>
      %ge3A_531 = arith.constant 12 : i32
      %ge3A_532 = vector.broadcast %ge3A_531 : i32 to vector<16xi32>
      %ge3A_533 = arith.cmpi sge, %iota3A, %ge3A_532 : vector<16xi32>
      %select_n3A_534 = arith.select %ge3A_533, %select_n3A_526, %broadcast_in_dim3A_5 : vector<16xi1>, vector<16xf32>
      %add3A_535 = arith.addf %select_n3A_478, %select_n3A_486 : vector<16xf32>
      %add3A_536 = arith.addf %add3A_535, %select_n3A_494 : vector<16xf32>
      %add3A_537 = arith.addf %add3A_536, %select_n3A_530 : vector<16xf32>
      %sub3A_538 = arith.subf %select_n3A_502, %select_n3A_530 : vector<16xf32>
      %add3A_539 = arith.addf %sub3A_538, %select_n3A_510 : vector<16xf32>
      %add3A_540 = arith.addf %add3A_539, %select_n3A_518 : vector<16xf32>
      %add3A_541 = arith.addf %add3A_540, %select_n3A_534 : vector<16xf32>
      %slice3A_542 = vector.extract_strided_slice %add3A_537 {offsets = [0], sizes = [1], strides = [1]} : vector<16xf32> to vector<1xf32>
      %squeeze3A_543 = vector.extract %slice3A_542[0] : f32 from vector<1xf32>
      %slice3A_544 = vector.extract_strided_slice %add3A_537 {offsets = [1], sizes = [1], strides = [1]} : vector<16xf32> to vector<1xf32>
      %squeeze3A_545 = vector.extract %slice3A_544[0] : f32 from vector<1xf32>
      %add3A_546 = arith.addf %squeeze3A_543, %squeeze3A_545 : f32
      %slice3A_547 = vector.extract_strided_slice %add3A_537 {offsets = [2], sizes = [1], strides = [1]} : vector<16xf32> to vector<1xf32>
      %squeeze3A_548 = vector.extract %slice3A_547[0] : f32 from vector<1xf32>
      %add3A_549 = arith.addf %add3A_546, %squeeze3A_548 : f32
      %slice3A_550 = vector.extract_strided_slice %add3A_537 {offsets = [3], sizes = [1], strides = [1]} : vector<16xf32> to vector<1xf32>
      %squeeze3A_551 = vector.extract %slice3A_550[0] : f32 from vector<1xf32>
      %add3A_552 = arith.addf %add3A_549, %squeeze3A_551 : f32
      %slice3A_553 = vector.extract_strided_slice %add3A_537 {offsets = [4], sizes = [1], strides = [1]} : vector<16xf32> to vector<1xf32>
      %squeeze3A_554 = vector.extract %slice3A_553[0] : f32 from vector<1xf32>
      %add3A_555 = arith.addf %add3A_552, %squeeze3A_554 : f32
      %slice3A_556 = vector.extract_strided_slice %add3A_537 {offsets = [5], sizes = [1], strides = [1]} : vector<16xf32> to vector<1xf32>
      %squeeze3A_557 = vector.extract %slice3A_556[0] : f32 from vector<1xf32>
      %add3A_558 = arith.addf %add3A_555, %squeeze3A_557 : f32
      %slice3A_559 = vector.extract_strided_slice %add3A_537 {offsets = [6], sizes = [1], strides = [1]} : vector<16xf32> to vector<1xf32>
      %squeeze3A_560 = vector.extract %slice3A_559[0] : f32 from vector<1xf32>
      %add3A_561 = arith.addf %add3A_558, %squeeze3A_560 : f32
      %slice3A_562 = vector.extract_strided_slice %add3A_537 {offsets = [7], sizes = [1], strides = [1]} : vector<16xf32> to vector<1xf32>
      %squeeze3A_563 = vector.extract %slice3A_562[0] : f32 from vector<1xf32>
      %add3A_564 = arith.addf %add3A_561, %squeeze3A_563 : f32
      %slice3A_565 = vector.extract_strided_slice %add3A_537 {offsets = [8], sizes = [1], strides = [1]} : vector<16xf32> to vector<1xf32>
      %squeeze3A_566 = vector.extract %slice3A_565[0] : f32 from vector<1xf32>
      %add3A_567 = arith.addf %add3A_564, %squeeze3A_566 : f32
      %slice3A_568 = vector.extract_strided_slice %add3A_537 {offsets = [9], sizes = [1], strides = [1]} : vector<16xf32> to vector<1xf32>
      %squeeze3A_569 = vector.extract %slice3A_568[0] : f32 from vector<1xf32>
      %add3A_570 = arith.addf %add3A_567, %squeeze3A_569 : f32
      %slice3A_571 = vector.extract_strided_slice %add3A_537 {offsets = [10], sizes = [1], strides = [1]} : vector<16xf32> to vector<1xf32>
      %squeeze3A_572 = vector.extract %slice3A_571[0] : f32 from vector<1xf32>
      %add3A_573 = arith.addf %add3A_570, %squeeze3A_572 : f32
      %slice3A_574 = vector.extract_strided_slice %add3A_537 {offsets = [11], sizes = [1], strides = [1]} : vector<16xf32> to vector<1xf32>
      %squeeze3A_575 = vector.extract %slice3A_574[0] : f32 from vector<1xf32>
      %add3A_576 = arith.addf %add3A_573, %squeeze3A_575 : f32
      %slice3A_577 = vector.extract_strided_slice %add3A_537 {offsets = [12], sizes = [1], strides = [1]} : vector<16xf32> to vector<1xf32>
      %squeeze3A_578 = vector.extract %slice3A_577[0] : f32 from vector<1xf32>
      %add3A_579 = arith.addf %add3A_576, %squeeze3A_578 : f32
      %slice3A_580 = vector.extract_strided_slice %add3A_537 {offsets = [13], sizes = [1], strides = [1]} : vector<16xf32> to vector<1xf32>
      %squeeze3A_581 = vector.extract %slice3A_580[0] : f32 from vector<1xf32>
      %add3A_582 = arith.addf %add3A_579, %squeeze3A_581 : f32
      %slice3A_583 = vector.extract_strided_slice %add3A_537 {offsets = [14], sizes = [1], strides = [1]} : vector<16xf32> to vector<1xf32>
      %squeeze3A_584 = vector.extract %slice3A_583[0] : f32 from vector<1xf32>
      %add3A_585 = arith.addf %add3A_582, %squeeze3A_584 : f32
      %slice3A_586 = vector.extract_strided_slice %add3A_537 {offsets = [15], sizes = [1], strides = [1]} : vector<16xf32> to vector<1xf32>
      %squeeze3A_587 = vector.extract %slice3A_586[0] : f32 from vector<1xf32>
      %add3A_588 = arith.addf %add3A_585, %squeeze3A_587 : f32
      %add3A_589 = vector.broadcast %add3A_588 : f32 to vector<16xf32>
      %add3A_590 = arith.addf %broadcast_in_dim3A_5, %add3A_589 : vector<16xf32>
      %max3A_591 = arith.maximumf %add3A_590, %broadcast_in_dim3A_3 : vector<16xf32>
      %div3A_592 = arith.divf %broadcast_in_dim3A_3, %max3A_591 : vector<16xf32>
      %slice3A_593 = vector.extract_strided_slice %add3A_541 {offsets = [0], sizes = [1], strides = [1]} : vector<16xf32> to vector<1xf32>
      %squeeze3A_594 = vector.extract %slice3A_593[0] : f32 from vector<1xf32>
      %slice3A_595 = vector.extract_strided_slice %add3A_541 {offsets = [1], sizes = [1], strides = [1]} : vector<16xf32> to vector<1xf32>
      %squeeze3A_596 = vector.extract %slice3A_595[0] : f32 from vector<1xf32>
      %add3A_597 = arith.addf %squeeze3A_594, %squeeze3A_596 : f32
      %slice3A_598 = vector.extract_strided_slice %add3A_541 {offsets = [2], sizes = [1], strides = [1]} : vector<16xf32> to vector<1xf32>
      %squeeze3A_599 = vector.extract %slice3A_598[0] : f32 from vector<1xf32>
      %add3A_600 = arith.addf %add3A_597, %squeeze3A_599 : f32
      %slice3A_601 = vector.extract_strided_slice %add3A_541 {offsets = [3], sizes = [1], strides = [1]} : vector<16xf32> to vector<1xf32>
      %squeeze3A_602 = vector.extract %slice3A_601[0] : f32 from vector<1xf32>
      %add3A_603 = arith.addf %add3A_600, %squeeze3A_602 : f32
      %slice3A_604 = vector.extract_strided_slice %add3A_541 {offsets = [4], sizes = [1], strides = [1]} : vector<16xf32> to vector<1xf32>
      %squeeze3A_605 = vector.extract %slice3A_604[0] : f32 from vector<1xf32>
      %add3A_606 = arith.addf %add3A_603, %squeeze3A_605 : f32
      %slice3A_607 = vector.extract_strided_slice %add3A_541 {offsets = [5], sizes = [1], strides = [1]} : vector<16xf32> to vector<1xf32>
      %squeeze3A_608 = vector.extract %slice3A_607[0] : f32 from vector<1xf32>
      %add3A_609 = arith.addf %add3A_606, %squeeze3A_608 : f32
      %slice3A_610 = vector.extract_strided_slice %add3A_541 {offsets = [6], sizes = [1], strides = [1]} : vector<16xf32> to vector<1xf32>
      %squeeze3A_611 = vector.extract %slice3A_610[0] : f32 from vector<1xf32>
      %add3A_612 = arith.addf %add3A_609, %squeeze3A_611 : f32
      %slice3A_613 = vector.extract_strided_slice %add3A_541 {offsets = [7], sizes = [1], strides = [1]} : vector<16xf32> to vector<1xf32>
      %squeeze3A_614 = vector.extract %slice3A_613[0] : f32 from vector<1xf32>
      %add3A_615 = arith.addf %add3A_612, %squeeze3A_614 : f32
      %slice3A_616 = vector.extract_strided_slice %add3A_541 {offsets = [8], sizes = [1], strides = [1]} : vector<16xf32> to vector<1xf32>
      %squeeze3A_617 = vector.extract %slice3A_616[0] : f32 from vector<1xf32>
      %add3A_618 = arith.addf %add3A_615, %squeeze3A_617 : f32
      %slice3A_619 = vector.extract_strided_slice %add3A_541 {offsets = [9], sizes = [1], strides = [1]} : vector<16xf32> to vector<1xf32>
      %squeeze3A_620 = vector.extract %slice3A_619[0] : f32 from vector<1xf32>
      %add3A_621 = arith.addf %add3A_618, %squeeze3A_620 : f32
      %slice3A_622 = vector.extract_strided_slice %add3A_541 {offsets = [10], sizes = [1], strides = [1]} : vector<16xf32> to vector<1xf32>
      %squeeze3A_623 = vector.extract %slice3A_622[0] : f32 from vector<1xf32>
      %add3A_624 = arith.addf %add3A_621, %squeeze3A_623 : f32
      %slice3A_625 = vector.extract_strided_slice %add3A_541 {offsets = [11], sizes = [1], strides = [1]} : vector<16xf32> to vector<1xf32>
      %squeeze3A_626 = vector.extract %slice3A_625[0] : f32 from vector<1xf32>
      %add3A_627 = arith.addf %add3A_624, %squeeze3A_626 : f32
      %slice3A_628 = vector.extract_strided_slice %add3A_541 {offsets = [12], sizes = [1], strides = [1]} : vector<16xf32> to vector<1xf32>
      %squeeze3A_629 = vector.extract %slice3A_628[0] : f32 from vector<1xf32>
      %add3A_630 = arith.addf %add3A_627, %squeeze3A_629 : f32
      %slice3A_631 = vector.extract_strided_slice %add3A_541 {offsets = [13], sizes = [1], strides = [1]} : vector<16xf32> to vector<1xf32>
      %squeeze3A_632 = vector.extract %slice3A_631[0] : f32 from vector<1xf32>
      %add3A_633 = arith.addf %add3A_630, %squeeze3A_632 : f32
      %slice3A_634 = vector.extract_strided_slice %add3A_541 {offsets = [14], sizes = [1], strides = [1]} : vector<16xf32> to vector<1xf32>
      %squeeze3A_635 = vector.extract %slice3A_634[0] : f32 from vector<1xf32>
      %add3A_636 = arith.addf %add3A_633, %squeeze3A_635 : f32
      %slice3A_637 = vector.extract_strided_slice %add3A_541 {offsets = [15], sizes = [1], strides = [1]} : vector<16xf32> to vector<1xf32>
      %squeeze3A_638 = vector.extract %slice3A_637[0] : f32 from vector<1xf32>
      %add3A_639 = arith.addf %add3A_636, %squeeze3A_638 : f32
      %add3A_640 = vector.broadcast %add3A_639 : f32 to vector<16xf32>
      %add3A_641 = arith.addf %broadcast_in_dim3A_5, %add3A_640 : vector<16xf32>
      %max3A_642 = arith.maximumf %add3A_641, %broadcast_in_dim3A_3 : vector<16xf32>
      %div3A_643 = arith.divf %broadcast_in_dim3A_3, %max3A_642 : vector<16xf32>
      %mul3A_644 = arith.mulf %scan3A_469#0, %div3A_592 : vector<16xf32>
      %mul3A_645 = arith.constant 2 : i32
      %mul3A_646 = arith.muli %add3A_432, %mul3A_645 : i32
      %add3A_647 = arith.constant 0 : i32
      %add3A_648 = arith.addi %mul3A_646, %add3A_647 : i32
      %swap3A_649 = arith.index_cast %add3A_648 : i32 to index
      %swap3A_650 = arith.constant 0 : index
      %swap3A_651 = tpu.vector_load %arg10[%swap3A_649, %swap3A_650] {strides = array<i32>} : memref<128x128xf32, #tpu.memory_space<vmem>>, vector<1x16xf32>,
      %swap3A_652 = vector.shape_cast %swap3A_651 : vector<1x16xf32> to vector<16xf32>
      %swap3A_653 = vector.shape_cast %mul3A_644 : vector<16xf32> to vector<1x16xf32>
      tpu.vector_store %arg10[%swap3A_649, %swap3A_650], %swap3A_653 {strides = array<i32>} : memref<128x128xf32, #tpu.memory_space<vmem>>, vector<1x16xf32>,
      %mul3A_654 = arith.mulf %scan3A_469#1, %div3A_592 : vector<16xf32>
      %mul3A_655 = arith.constant 2 : i32
      %mul3A_656 = arith.muli %add3A_432, %mul3A_655 : i32
      %add3A_657 = arith.constant 0 : i32
      %add3A_658 = arith.addi %mul3A_656, %add3A_657 : i32
      %swap3A_659 = arith.index_cast %add3A_658 : i32 to index
      %swap3A_660 = arith.constant 16 : index
      %swap3A_661 = tpu.vector_load %arg10[%swap3A_659, %swap3A_660] {strides = array<i32>} : memref<128x128xf32, #tpu.memory_space<vmem>>, vector<1x16xf32>,
      %swap3A_662 = vector.shape_cast %swap3A_661 : vector<1x16xf32> to vector<16xf32>
      %swap3A_663 = vector.shape_cast %mul3A_654 : vector<16xf32> to vector<1x16xf32>
      tpu.vector_store %arg10[%swap3A_659, %swap3A_660], %swap3A_663 {strides = array<i32>} : memref<128x128xf32, #tpu.memory_space<vmem>>, vector<1x16xf32>,
      %mul3A_664 = arith.mulf %scan3A_469#2, %div3A_592 : vector<16xf32>
      %mul3A_665 = arith.constant 2 : i32
      %mul3A_666 = arith.muli %add3A_432, %mul3A_665 : i32
      %add3A_667 = arith.constant 0 : i32
      %add3A_668 = arith.addi %mul3A_666, %add3A_667 : i32
      %swap3A_669 = arith.index_cast %add3A_668 : i32 to index
      %swap3A_670 = arith.constant 32 : index
      %swap3A_671 = tpu.vector_load %arg10[%swap3A_669, %swap3A_670] {strides = array<i32>} : memref<128x128xf32, #tpu.memory_space<vmem>>, vector<1x16xf32>,
      %swap3A_672 = vector.shape_cast %swap3A_671 : vector<1x16xf32> to vector<16xf32>
      %swap3A_673 = vector.shape_cast %mul3A_664 : vector<16xf32> to vector<1x16xf32>
      tpu.vector_store %arg10[%swap3A_669, %swap3A_670], %swap3A_673 {strides = array<i32>} : memref<128x128xf32, #tpu.memory_space<vmem>>, vector<1x16xf32>,
      %mul3A_674 = arith.mulf %scan3A_469#3, %div3A_592 : vector<16xf32>
      %mul3A_675 = arith.constant 2 : i32
      %mul3A_676 = arith.muli %add3A_432, %mul3A_675 : i32
      %add3A_677 = arith.constant 0 : i32
      %add3A_678 = arith.addi %mul3A_676, %add3A_677 : i32
      %swap3A_679 = arith.index_cast %add3A_678 : i32 to index
      %swap3A_680 = arith.constant 48 : index
      %swap3A_681 = tpu.vector_load %arg10[%swap3A_679, %swap3A_680] {strides = array<i32>} : memref<128x128xf32, #tpu.memory_space<vmem>>, vector<1x16xf32>,
      %swap3A_682 = vector.shape_cast %swap3A_681 : vector<1x16xf32> to vector<16xf32>
      %swap3A_683 = vector.shape_cast %mul3A_674 : vector<16xf32> to vector<1x16xf32>
      tpu.vector_store %arg10[%swap3A_679, %swap3A_680], %swap3A_683 {strides = array<i32>} : memref<128x128xf32, #tpu.memory_space<vmem>>, vector<1x16xf32>,
      %mul3A_684 = arith.mulf %scan3A_469#4, %div3A_592 : vector<16xf32>
      %mul3A_685 = arith.constant 2 : i32
      %mul3A_686 = arith.muli %add3A_432, %mul3A_685 : i32
      %add3A_687 = arith.constant 0 : i32
      %add3A_688 = arith.addi %mul3A_686, %add3A_687 : i32
      %swap3A_689 = arith.index_cast %add3A_688 : i32 to index
      %swap3A_690 = arith.constant 64 : index
      %swap3A_691 = tpu.vector_load %arg10[%swap3A_689, %swap3A_690] {strides = array<i32>} : memref<128x128xf32, #tpu.memory_space<vmem>>, vector<1x16xf32>,
      %swap3A_692 = vector.shape_cast %swap3A_691 : vector<1x16xf32> to vector<16xf32>
      %swap3A_693 = vector.shape_cast %mul3A_684 : vector<16xf32> to vector<1x16xf32>
      tpu.vector_store %arg10[%swap3A_689, %swap3A_690], %swap3A_693 {strides = array<i32>} : memref<128x128xf32, #tpu.memory_space<vmem>>, vector<1x16xf32>,
      %mul3A_694 = arith.mulf %scan3A_469#5, %div3A_592 : vector<16xf32>
      %mul3A_695 = arith.constant 2 : i32
      %mul3A_696 = arith.muli %add3A_432, %mul3A_695 : i32
      %add3A_697 = arith.constant 0 : i32
      %add3A_698 = arith.addi %mul3A_696, %add3A_697 : i32
      %swap3A_699 = arith.index_cast %add3A_698 : i32 to index
      %swap3A_700 = arith.constant 80 : index
      %swap3A_701 = tpu.vector_load %arg10[%swap3A_699, %swap3A_700] {strides = array<i32>} : memref<128x128xf32, #tpu.memory_space<vmem>>, vector<1x16xf32>,
      %swap3A_702 = vector.shape_cast %swap3A_701 : vector<1x16xf32> to vector<16xf32>
      %swap3A_703 = vector.shape_cast %mul3A_694 : vector<16xf32> to vector<1x16xf32>
      tpu.vector_store %arg10[%swap3A_699, %swap3A_700], %swap3A_703 {strides = array<i32>} : memref<128x128xf32, #tpu.memory_space<vmem>>, vector<1x16xf32>,
      %mul3A_704 = arith.mulf %scan3A_469#6, %div3A_592 : vector<16xf32>
      %mul3A_705 = arith.constant 2 : i32
      %mul3A_706 = arith.muli %add3A_432, %mul3A_705 : i32
      %add3A_707 = arith.constant 0 : i32
      %add3A_708 = arith.addi %mul3A_706, %add3A_707 : i32
      %swap3A_709 = arith.index_cast %add3A_708 : i32 to index
      %swap3A_710 = arith.constant 96 : index
      %swap3A_711 = tpu.vector_load %arg10[%swap3A_709, %swap3A_710] {strides = array<i32>} : memref<128x128xf32, #tpu.memory_space<vmem>>, vector<1x16xf32>,
      %swap3A_712 = vector.shape_cast %swap3A_711 : vector<1x16xf32> to vector<16xf32>
      %swap3A_713 = vector.shape_cast %mul3A_704 : vector<16xf32> to vector<1x16xf32>
      tpu.vector_store %arg10[%swap3A_709, %swap3A_710], %swap3A_713 {strides = array<i32>} : memref<128x128xf32, #tpu.memory_space<vmem>>, vector<1x16xf32>,
      %mul3A_714 = arith.mulf %scan3A_469#7, %div3A_592 : vector<16xf32>
      %mul3A_715 = arith.constant 2 : i32
      %mul3A_716 = arith.muli %add3A_432, %mul3A_715 : i32
      %add3A_717 = arith.constant 0 : i32
      %add3A_718 = arith.addi %mul3A_716, %add3A_717 : i32
      %swap3A_719 = arith.index_cast %add3A_718 : i32 to index
      %swap3A_720 = arith.constant 112 : index
      %swap3A_721 = tpu.vector_load %arg10[%swap3A_719, %swap3A_720] {strides = array<i32>} : memref<128x128xf32, #tpu.memory_space<vmem>>, vector<1x16xf32>,
      %swap3A_722 = vector.shape_cast %swap3A_721 : vector<1x16xf32> to vector<16xf32>
      %swap3A_723 = vector.shape_cast %mul3A_714 : vector<16xf32> to vector<1x16xf32>
      tpu.vector_store %arg10[%swap3A_719, %swap3A_720], %swap3A_723 {strides = array<i32>} : memref<128x128xf32, #tpu.memory_space<vmem>>, vector<1x16xf32>,
      %mul3A_724 = arith.mulf %scan3A_469#8, %div3A_643 : vector<16xf32>
      %mul3A_725 = arith.constant 2 : i32
      %mul3A_726 = arith.muli %add3A_432, %mul3A_725 : i32
      %add3A_727 = arith.constant 1 : i32
      %add3A_728 = arith.addi %mul3A_726, %add3A_727 : i32
      %swap3A_729 = arith.index_cast %add3A_728 : i32 to index
      %swap3A_730 = arith.constant 0 : index
      %swap3A_731 = tpu.vector_load %arg10[%swap3A_729, %swap3A_730] {strides = array<i32>} : memref<128x128xf32, #tpu.memory_space<vmem>>, vector<1x16xf32>,
      %swap3A_732 = vector.shape_cast %swap3A_731 : vector<1x16xf32> to vector<16xf32>
      %swap3A_733 = vector.shape_cast %mul3A_724 : vector<16xf32> to vector<1x16xf32>
      tpu.vector_store %arg10[%swap3A_729, %swap3A_730], %swap3A_733 {strides = array<i32>} : memref<128x128xf32, #tpu.memory_space<vmem>>, vector<1x16xf32>,
      %mul3A_734 = arith.mulf %scan3A_469#9, %div3A_643 : vector<16xf32>
      %mul3A_735 = arith.constant 2 : i32
      %mul3A_736 = arith.muli %add3A_432, %mul3A_735 : i32
      %add3A_737 = arith.constant 1 : i32
      %add3A_738 = arith.addi %mul3A_736, %add3A_737 : i32
      %swap3A_739 = arith.index_cast %add3A_738 : i32 to index
      %swap3A_740 = arith.constant 16 : index
      %swap3A_741 = tpu.vector_load %arg10[%swap3A_739, %swap3A_740] {strides = array<i32>} : memref<128x128xf32, #tpu.memory_space<vmem>>, vector<1x16xf32>,
      %swap3A_742 = vector.shape_cast %swap3A_741 : vector<1x16xf32> to vector<16xf32>
      %swap3A_743 = vector.shape_cast %mul3A_734 : vector<16xf32> to vector<1x16xf32>
      tpu.vector_store %arg10[%swap3A_739, %swap3A_740], %swap3A_743 {strides = array<i32>} : memref<128x128xf32, #tpu.memory_space<vmem>>, vector<1x16xf32>,
      %mul3A_744 = arith.mulf %scan3A_469#10, %div3A_643 : vector<16xf32>
      %mul3A_745 = arith.constant 2 : i32
      %mul3A_746 = arith.muli %add3A_432, %mul3A_745 : i32
      %add3A_747 = arith.constant 1 : i32
      %add3A_748 = arith.addi %mul3A_746, %add3A_747 : i32
      %swap3A_749 = arith.index_cast %add3A_748 : i32 to index
      %swap3A_750 = arith.constant 32 : index
      %swap3A_751 = tpu.vector_load %arg10[%swap3A_749, %swap3A_750] {strides = array<i32>} : memref<128x128xf32, #tpu.memory_space<vmem>>, vector<1x16xf32>,
      %swap3A_752 = vector.shape_cast %swap3A_751 : vector<1x16xf32> to vector<16xf32>
      %swap3A_753 = vector.shape_cast %mul3A_744 : vector<16xf32> to vector<1x16xf32>
      tpu.vector_store %arg10[%swap3A_749, %swap3A_750], %swap3A_753 {strides = array<i32>} : memref<128x128xf32, #tpu.memory_space<vmem>>, vector<1x16xf32>,
      %mul3A_754 = arith.mulf %scan3A_469#11, %div3A_643 : vector<16xf32>
      %mul3A_755 = arith.constant 2 : i32
      %mul3A_756 = arith.muli %add3A_432, %mul3A_755 : i32
      %add3A_757 = arith.constant 1 : i32
      %add3A_758 = arith.addi %mul3A_756, %add3A_757 : i32
      %swap3A_759 = arith.index_cast %add3A_758 : i32 to index
      %swap3A_760 = arith.constant 48 : index
      %swap3A_761 = tpu.vector_load %arg10[%swap3A_759, %swap3A_760] {strides = array<i32>} : memref<128x128xf32, #tpu.memory_space<vmem>>, vector<1x16xf32>,
      %swap3A_762 = vector.shape_cast %swap3A_761 : vector<1x16xf32> to vector<16xf32>
      %swap3A_763 = vector.shape_cast %mul3A_754 : vector<16xf32> to vector<1x16xf32>
      tpu.vector_store %arg10[%swap3A_759, %swap3A_760], %swap3A_763 {strides = array<i32>} : memref<128x128xf32, #tpu.memory_space<vmem>>, vector<1x16xf32>,
      %mul3A_764 = arith.mulf %scan3A_469#12, %div3A_643 : vector<16xf32>
      %mul3A_765 = arith.constant 2 : i32
      %mul3A_766 = arith.muli %add3A_432, %mul3A_765 : i32
      %add3A_767 = arith.constant 1 : i32
      %add3A_768 = arith.addi %mul3A_766, %add3A_767 : i32
      %swap3A_769 = arith.index_cast %add3A_768 : i32 to index
      %swap3A_770 = arith.constant 64 : index
      %swap3A_771 = tpu.vector_load %arg10[%swap3A_769, %swap3A_770] {strides = array<i32>} : memref<128x128xf32, #tpu.memory_space<vmem>>, vector<1x16xf32>,
      %swap3A_772 = vector.shape_cast %swap3A_771 : vector<1x16xf32> to vector<16xf32>
      %swap3A_773 = vector.shape_cast %mul3A_764 : vector<16xf32> to vector<1x16xf32>
      tpu.vector_store %arg10[%swap3A_769, %swap3A_770], %swap3A_773 {strides = array<i32>} : memref<128x128xf32, #tpu.memory_space<vmem>>, vector<1x16xf32>,
      %mul3A_774 = arith.mulf %scan3A_469#13, %div3A_643 : vector<16xf32>
      %mul3A_775 = arith.constant 2 : i32
      %mul3A_776 = arith.muli %add3A_432, %mul3A_775 : i32
      %add3A_777 = arith.constant 1 : i32
      %add3A_778 = arith.addi %mul3A_776, %add3A_777 : i32
      %swap3A_779 = arith.index_cast %add3A_778 : i32 to index
      %swap3A_780 = arith.constant 80 : index
      %swap3A_781 = tpu.vector_load %arg10[%swap3A_779, %swap3A_780] {strides = array<i32>} : memref<128x128xf32, #tpu.memory_space<vmem>>, vector<1x16xf32>,
      %swap3A_782 = vector.shape_cast %swap3A_781 : vector<1x16xf32> to vector<16xf32>
      %swap3A_783 = vector.shape_cast %mul3A_774 : vector<16xf32> to vector<1x16xf32>
      tpu.vector_store %arg10[%swap3A_779, %swap3A_780], %swap3A_783 {strides = array<i32>} : memref<128x128xf32, #tpu.memory_space<vmem>>, vector<1x16xf32>,
      %mul3A_784 = arith.mulf %scan3A_469#14, %div3A_643 : vector<16xf32>
      %mul3A_785 = arith.constant 2 : i32
      %mul3A_786 = arith.muli %add3A_432, %mul3A_785 : i32
      %add3A_787 = arith.constant 1 : i32
      %add3A_788 = arith.addi %mul3A_786, %add3A_787 : i32
      %swap3A_789 = arith.index_cast %add3A_788 : i32 to index
      %swap3A_790 = arith.constant 96 : index
      %swap3A_791 = tpu.vector_load %arg10[%swap3A_789, %swap3A_790] {strides = array<i32>} : memref<128x128xf32, #tpu.memory_space<vmem>>, vector<1x16xf32>,
      %swap3A_792 = vector.shape_cast %swap3A_791 : vector<1x16xf32> to vector<16xf32>
      %swap3A_793 = vector.shape_cast %mul3A_784 : vector<16xf32> to vector<1x16xf32>
      tpu.vector_store %arg10[%swap3A_789, %swap3A_790], %swap3A_793 {strides = array<i32>} : memref<128x128xf32, #tpu.memory_space<vmem>>, vector<1x16xf32>,
      %mul3A_794 = arith.mulf %scan3A_469#15, %div3A_643 : vector<16xf32>
      %mul3A_795 = arith.constant 2 : i32
      %mul3A_796 = arith.muli %add3A_432, %mul3A_795 : i32
      %add3A_797 = arith.constant 1 : i32
      %add3A_798 = arith.addi %mul3A_796, %add3A_797 : i32
      %swap3A_799 = arith.index_cast %add3A_798 : i32 to index
      %swap3A_800 = arith.constant 112 : index
      %swap3A_801 = tpu.vector_load %arg10[%swap3A_799, %swap3A_800] {strides = array<i32>} : memref<128x128xf32, #tpu.memory_space<vmem>>, vector<1x16xf32>,
      %swap3A_802 = vector.shape_cast %swap3A_801 : vector<1x16xf32> to vector<16xf32>
      %swap3A_803 = vector.shape_cast %mul3A_794 : vector<16xf32> to vector<1x16xf32>
      tpu.vector_store %arg10[%swap3A_799, %swap3A_800], %swap3A_803 {strides = array<i32>} : memref<128x128xf32, #tpu.memory_space<vmem>>, vector<1x16xf32>,
      %add3A_804 = arith.constant 2 : i32
      %add3A_805 = arith.addi %mul3A_33, %add3A_804 : i32
      %dma_wait3A_806 = arith.constant 0 : i32
      %dma_wait3A_807 = tpu.memref_slice %arg5[%add3A_805, %dma_wait3A_806] : memref<64x100xi32, #tpu.memory_space<vmem>> -> memref<1x100xi32, #tpu.memory_space<vmem>>
      %dma_wait3A_808 = tpu.memref_squeeze %dma_wait3A_807 : memref<1x100xi32, #tpu.memory_space<vmem>> -> memref<100xi32, #tpu.memory_space<vmem>>
      %dma_wait3A_809 = arith.constant 0 : i32
      %dma_wait3A_810 = arith.constant 0 : i32
      %dma_wait3A_811 = tpu.memref_slice %arg3[%dma_wait3A_809, %dma_wait3A_810] : memref<100000x128xf32, #tpu.memory_space<hbm>> -> memref<100000x128xf32, #tpu.memory_space<hbm>>
      tpu.wait_indirect_dma semaphore(%arg11 : memref<!tpu.dma_semaphore, #tpu.memory_space<semaphore_mem>>) src(%dma_wait3A_811 : memref<100000x128xf32, #tpu.memory_space<hbm>>) dst(%arg8 : memref<100x128xf32, #tpu.memory_space<vmem>>)
      %add3A_812 = arith.constant 2 : i32
      %add3A_813 = arith.addi %mul3A_33, %add3A_812 : i32
      %add3A_814 = arith.constant 4 : i32
      %add3A_815 = arith.addi %add3A_813, %add3A_814 : i32
      %sub3A_816 = arith.constant 1 : i32
      %sub3A_817 = arith.subi %add3A_815, %sub3A_816 : i32
      %lt3A_818 = arith.constant 64 : i32
      %lt3A_819 = arith.cmpi slt, %sub3A_817, %lt3A_818 : i32
      %convert_element_type3A_820 = arith.extui %lt3A_819 : i1 to i32
      %cond3A_821 = arith.constant 0 : i32
      %cond3A_822 = arith.cmpi ne, %convert_element_type3A_820, %cond3A_821 : i32
      scf.if %cond3A_822 {
        %dma_start3A_1588 = arith.constant 0 : i32
        %dma_start3A_1589 = tpu.memref_slice %arg5[%sub3A_817, %dma_start3A_1588] : memref<64x100xi32, #tpu.memory_space<vmem>> -> memref<1x100xi32, #tpu.memory_space<vmem>>
        %dma_start3A_1590 = tpu.memref_squeeze %dma_start3A_1589 : memref<1x100xi32, #tpu.memory_space<vmem>> -> memref<100xi32, #tpu.memory_space<vmem>>
        %dma_start3A_1591 = arith.constant 0 : i32
        %dma_start3A_1592 = arith.constant 0 : i32
        %dma_start3A_1593 = tpu.memref_slice %arg3[%dma_start3A_1591, %dma_start3A_1592] : memref<100000x128xf32, #tpu.memory_space<hbm>> -> memref<100000x128xf32, #tpu.memory_space<hbm>>
        tpu.enqueue_indirect_dma source(%dma_start3A_1593 : memref<100000x128xf32, #tpu.memory_space<hbm>>) target(%arg7 : memref<100x128xf32, #tpu.memory_space<vmem>>) offsets(%dma_start3A_1590 : memref<100xi32, #tpu.memory_space<vmem>>) semaphore(%arg11 : memref<!tpu.dma_semaphore, #tpu.memory_space<semaphore_mem>>)
      } else {
      }
      %add3A_823 = arith.constant 2 : i32
      %add3A_824 = arith.addi %mul3A_33, %add3A_823 : i32
      %broadcast_in_dim3A_825 = arith.constant 0.000000e+00 : f32
      %broadcast_in_dim3A_826 = vector.broadcast %broadcast_in_dim3A_825 : f32 to vector<16xf32>
      %broadcast_in_dim3A_827 = arith.constant 0.000000e+00 : f32
      %broadcast_in_dim3A_828 = vector.broadcast %broadcast_in_dim3A_827 : f32 to vector<16xf32>
      %broadcast_in_dim3A_829 = arith.constant 0.000000e+00 : f32
      %broadcast_in_dim3A_830 = vector.broadcast %broadcast_in_dim3A_829 : f32 to vector<16xf32>
      %broadcast_in_dim3A_831 = arith.constant 0.000000e+00 : f32
      %broadcast_in_dim3A_832 = vector.broadcast %broadcast_in_dim3A_831 : f32 to vector<16xf32>
      %broadcast_in_dim3A_833 = arith.constant 0.000000e+00 : f32
      %broadcast_in_dim3A_834 = vector.broadcast %broadcast_in_dim3A_833 : f32 to vector<16xf32>
      %broadcast_in_dim3A_835 = arith.constant 0.000000e+00 : f32
      %broadcast_in_dim3A_836 = vector.broadcast %broadcast_in_dim3A_835 : f32 to vector<16xf32>
      %broadcast_in_dim3A_837 = arith.constant 0.000000e+00 : f32
      %broadcast_in_dim3A_838 = vector.broadcast %broadcast_in_dim3A_837 : f32 to vector<16xf32>
      %broadcast_in_dim3A_839 = arith.constant 0.000000e+00 : f32
      %broadcast_in_dim3A_840 = vector.broadcast %broadcast_in_dim3A_839 : f32 to vector<16xf32>
      %broadcast_in_dim3A_841 = arith.constant 0.000000e+00 : f32
      %broadcast_in_dim3A_842 = vector.broadcast %broadcast_in_dim3A_841 : f32 to vector<16xf32>
      %broadcast_in_dim3A_843 = arith.constant 0.000000e+00 : f32
      %broadcast_in_dim3A_844 = vector.broadcast %broadcast_in_dim3A_843 : f32 to vector<16xf32>
      %broadcast_in_dim3A_845 = arith.constant 0.000000e+00 : f32
      %broadcast_in_dim3A_846 = vector.broadcast %broadcast_in_dim3A_845 : f32 to vector<16xf32>
      %broadcast_in_dim3A_847 = arith.constant 0.000000e+00 : f32
      %broadcast_in_dim3A_848 = vector.broadcast %broadcast_in_dim3A_847 : f32 to vector<16xf32>
      %broadcast_in_dim3A_849 = arith.constant 0.000000e+00 : f32
      %broadcast_in_dim3A_850 = vector.broadcast %broadcast_in_dim3A_849 : f32 to vector<16xf32>
      %broadcast_in_dim3A_851 = arith.constant 0.000000e+00 : f32
      %broadcast_in_dim3A_852 = vector.broadcast %broadcast_in_dim3A_851 : f32 to vector<16xf32>
      %broadcast_in_dim3A_853 = arith.constant 0.000000e+00 : f32
      %broadcast_in_dim3A_854 = vector.broadcast %broadcast_in_dim3A_853 : f32 to vector<16xf32>
      %broadcast_in_dim3A_855 = arith.constant 0.000000e+00 : f32
      %broadcast_in_dim3A_856 = vector.broadcast %broadcast_in_dim3A_855 : f32 to vector<16xf32>
      %scan3A_857 = arith.constant 0 : i32
      %scan3A_858 = arith.constant 25 : i32
      %scan3A_859 = arith.addi %scan3A_857, %scan3A_858 : i32
      %scan3A_860 = arith.constant 1 : i32
      %scan3A_861:16 = scf.for %scan3A_1588 = %scan3A_857 to %scan3A_859 step %scan3A_860 iter_args(%scan3A_1589 = %broadcast_in_dim3A_826, %scan3A_1590 = %broadcast_in_dim3A_828, %scan3A_1591 = %broadcast_in_dim3A_830, %scan3A_1592 = %broadcast_in_dim3A_832, %scan3A_1593 = %broadcast_in_dim3A_834, %scan3A_1594 = %broadcast_in_dim3A_836, %scan3A_1595 = %broadcast_in_dim3A_838, %scan3A_1596 = %broadcast_in_dim3A_840, %scan3A_1597 = %broadcast_in_dim3A_842, %scan3A_1598 = %broadcast_in_dim3A_844, %scan3A_1599 = %broadcast_in_dim3A_846, %scan3A_1600 = %broadcast_in_dim3A_848, %scan3A_1601 = %broadcast_in_dim3A_850, %scan3A_1602 = %broadcast_in_dim3A_852, %scan3A_1603 = %broadcast_in_dim3A_854, %scan3A_1604 = %broadcast_in_dim3A_856) -> (vector<16xf32>, vector<16xf32>, vector<16xf32>, vector<16xf32>, vector<16xf32>, vector<16xf32>, vector<16xf32>, vector<16xf32>, vector<16xf32>, vector<16xf32>, vector<16xf32>, vector<16xf32>, vector<16xf32>, vector<16xf32>, vector<16xf32>, vector<16xf32>)  : i32 {
        %mul3A_1605 = arith.constant 2 : i32
        %mul3A_1606 = arith.muli %scan3A_1588, %mul3A_1605 : i32
        %add3A_1607 = arith.constant 0 : i32
        %add3A_1608 = arith.addi %mul3A_1606, %add3A_1607 : i32
        %add3A_1609 = arith.constant 0 : i32
        %add3A_1610 = arith.addi %add3A_1609, %add3A_1608 : i32
        %get3A_1611 = arith.index_cast %add3A_1610 : i32 to index
        %get3A_1612 = arith.constant 0 : index
        %get3A_1613 = tpu.vector_load %arg8[%get3A_1611, %get3A_1612] {strides = array<i32>} : memref<100x128xf32, #tpu.memory_space<vmem>>, vector<1x16xf32>,
        %get3A_1614 = vector.shape_cast %get3A_1613 : vector<1x16xf32> to vector<16xf32>
        %add3A_1615 = arith.addf %scan3A_1589, %get3A_1614 : vector<16xf32>
        %add3A_1616 = arith.constant 0 : i32
        %add3A_1617 = arith.addi %add3A_1616, %add3A_1608 : i32
        %get3A_1618 = arith.index_cast %add3A_1617 : i32 to index
        %get3A_1619 = arith.constant 16 : index
        %get3A_1620 = tpu.vector_load %arg8[%get3A_1618, %get3A_1619] {strides = array<i32>} : memref<100x128xf32, #tpu.memory_space<vmem>>, vector<1x16xf32>,
        %get3A_1621 = vector.shape_cast %get3A_1620 : vector<1x16xf32> to vector<16xf32>
        %add3A_1622 = arith.addf %scan3A_1590, %get3A_1621 : vector<16xf32>
        %add3A_1623 = arith.constant 0 : i32
        %add3A_1624 = arith.addi %add3A_1623, %add3A_1608 : i32
        %get3A_1625 = arith.index_cast %add3A_1624 : i32 to index
        %get3A_1626 = arith.constant 32 : index
        %get3A_1627 = tpu.vector_load %arg8[%get3A_1625, %get3A_1626] {strides = array<i32>} : memref<100x128xf32, #tpu.memory_space<vmem>>, vector<1x16xf32>,
        %get3A_1628 = vector.shape_cast %get3A_1627 : vector<1x16xf32> to vector<16xf32>
        %add3A_1629 = arith.addf %scan3A_1591, %get3A_1628 : vector<16xf32>
        %add3A_1630 = arith.constant 0 : i32
        %add3A_1631 = arith.addi %add3A_1630, %add3A_1608 : i32
        %get3A_1632 = arith.index_cast %add3A_1631 : i32 to index
        %get3A_1633 = arith.constant 48 : index
        %get3A_1634 = tpu.vector_load %arg8[%get3A_1632, %get3A_1633] {strides = array<i32>} : memref<100x128xf32, #tpu.memory_space<vmem>>, vector<1x16xf32>,
        %get3A_1635 = vector.shape_cast %get3A_1634 : vector<1x16xf32> to vector<16xf32>
        %add3A_1636 = arith.addf %scan3A_1592, %get3A_1635 : vector<16xf32>
        %add3A_1637 = arith.constant 0 : i32
        %add3A_1638 = arith.addi %add3A_1637, %add3A_1608 : i32
        %get3A_1639 = arith.index_cast %add3A_1638 : i32 to index
        %get3A_1640 = arith.constant 64 : index
        %get3A_1641 = tpu.vector_load %arg8[%get3A_1639, %get3A_1640] {strides = array<i32>} : memref<100x128xf32, #tpu.memory_space<vmem>>, vector<1x16xf32>,
        %get3A_1642 = vector.shape_cast %get3A_1641 : vector<1x16xf32> to vector<16xf32>
        %add3A_1643 = arith.addf %scan3A_1593, %get3A_1642 : vector<16xf32>
        %add3A_1644 = arith.constant 0 : i32
        %add3A_1645 = arith.addi %add3A_1644, %add3A_1608 : i32
        %get3A_1646 = arith.index_cast %add3A_1645 : i32 to index
        %get3A_1647 = arith.constant 80 : index
        %get3A_1648 = tpu.vector_load %arg8[%get3A_1646, %get3A_1647] {strides = array<i32>} : memref<100x128xf32, #tpu.memory_space<vmem>>, vector<1x16xf32>,
        %get3A_1649 = vector.shape_cast %get3A_1648 : vector<1x16xf32> to vector<16xf32>
        %add3A_1650 = arith.addf %scan3A_1594, %get3A_1649 : vector<16xf32>
        %add3A_1651 = arith.constant 0 : i32
        %add3A_1652 = arith.addi %add3A_1651, %add3A_1608 : i32
        %get3A_1653 = arith.index_cast %add3A_1652 : i32 to index
        %get3A_1654 = arith.constant 96 : index
        %get3A_1655 = tpu.vector_load %arg8[%get3A_1653, %get3A_1654] {strides = array<i32>} : memref<100x128xf32, #tpu.memory_space<vmem>>, vector<1x16xf32>,
        %get3A_1656 = vector.shape_cast %get3A_1655 : vector<1x16xf32> to vector<16xf32>
        %add3A_1657 = arith.addf %scan3A_1595, %get3A_1656 : vector<16xf32>
        %add3A_1658 = arith.constant 0 : i32
        %add3A_1659 = arith.addi %add3A_1658, %add3A_1608 : i32
        %get3A_1660 = arith.index_cast %add3A_1659 : i32 to index
        %get3A_1661 = arith.constant 112 : index
        %get3A_1662 = tpu.vector_load %arg8[%get3A_1660, %get3A_1661] {strides = array<i32>} : memref<100x128xf32, #tpu.memory_space<vmem>>, vector<1x16xf32>,
        %get3A_1663 = vector.shape_cast %get3A_1662 : vector<1x16xf32> to vector<16xf32>
        %add3A_1664 = arith.addf %scan3A_1596, %get3A_1663 : vector<16xf32>
        %add3A_1665 = arith.constant 50 : i32
        %add3A_1666 = arith.addi %add3A_1665, %add3A_1608 : i32
        %get3A_1667 = arith.index_cast %add3A_1666 : i32 to index
        %get3A_1668 = arith.constant 0 : index
        %get3A_1669 = tpu.vector_load %arg8[%get3A_1667, %get3A_1668] {strides = array<i32>} : memref<100x128xf32, #tpu.memory_space<vmem>>, vector<1x16xf32>,
        %get3A_1670 = vector.shape_cast %get3A_1669 : vector<1x16xf32> to vector<16xf32>
        %add3A_1671 = arith.addf %scan3A_1597, %get3A_1670 : vector<16xf32>
        %add3A_1672 = arith.constant 50 : i32
        %add3A_1673 = arith.addi %add3A_1672, %add3A_1608 : i32
        %get3A_1674 = arith.index_cast %add3A_1673 : i32 to index
        %get3A_1675 = arith.constant 16 : index
        %get3A_1676 = tpu.vector_load %arg8[%get3A_1674, %get3A_1675] {strides = array<i32>} : memref<100x128xf32, #tpu.memory_space<vmem>>, vector<1x16xf32>,
        %get3A_1677 = vector.shape_cast %get3A_1676 : vector<1x16xf32> to vector<16xf32>
        %add3A_1678 = arith.addf %scan3A_1598, %get3A_1677 : vector<16xf32>
        %add3A_1679 = arith.constant 50 : i32
        %add3A_1680 = arith.addi %add3A_1679, %add3A_1608 : i32
        %get3A_1681 = arith.index_cast %add3A_1680 : i32 to index
        %get3A_1682 = arith.constant 32 : index
        %get3A_1683 = tpu.vector_load %arg8[%get3A_1681, %get3A_1682] {strides = array<i32>} : memref<100x128xf32, #tpu.memory_space<vmem>>, vector<1x16xf32>,
        %get3A_1684 = vector.shape_cast %get3A_1683 : vector<1x16xf32> to vector<16xf32>
        %add3A_1685 = arith.addf %scan3A_1599, %get3A_1684 : vector<16xf32>
        %add3A_1686 = arith.constant 50 : i32
        %add3A_1687 = arith.addi %add3A_1686, %add3A_1608 : i32
        %get3A_1688 = arith.index_cast %add3A_1687 : i32 to index
        %get3A_1689 = arith.constant 48 : index
        %get3A_1690 = tpu.vector_load %arg8[%get3A_1688, %get3A_1689] {strides = array<i32>} : memref<100x128xf32, #tpu.memory_space<vmem>>, vector<1x16xf32>,
        %get3A_1691 = vector.shape_cast %get3A_1690 : vector<1x16xf32> to vector<16xf32>
        %add3A_1692 = arith.addf %scan3A_1600, %get3A_1691 : vector<16xf32>
        %add3A_1693 = arith.constant 50 : i32
        %add3A_1694 = arith.addi %add3A_1693, %add3A_1608 : i32
        %get3A_1695 = arith.index_cast %add3A_1694 : i32 to index
        %get3A_1696 = arith.constant 64 : index
        %get3A_1697 = tpu.vector_load %arg8[%get3A_1695, %get3A_1696] {strides = array<i32>} : memref<100x128xf32, #tpu.memory_space<vmem>>, vector<1x16xf32>,
        %get3A_1698 = vector.shape_cast %get3A_1697 : vector<1x16xf32> to vector<16xf32>
        %add3A_1699 = arith.addf %scan3A_1601, %get3A_1698 : vector<16xf32>
        %add3A_1700 = arith.constant 50 : i32
        %add3A_1701 = arith.addi %add3A_1700, %add3A_1608 : i32
        %get3A_1702 = arith.index_cast %add3A_1701 : i32 to index
        %get3A_1703 = arith.constant 80 : index
        %get3A_1704 = tpu.vector_load %arg8[%get3A_1702, %get3A_1703] {strides = array<i32>} : memref<100x128xf32, #tpu.memory_space<vmem>>, vector<1x16xf32>,
        %get3A_1705 = vector.shape_cast %get3A_1704 : vector<1x16xf32> to vector<16xf32>
        %add3A_1706 = arith.addf %scan3A_1602, %get3A_1705 : vector<16xf32>
        %add3A_1707 = arith.constant 50 : i32
        %add3A_1708 = arith.addi %add3A_1707, %add3A_1608 : i32
        %get3A_1709 = arith.index_cast %add3A_1708 : i32 to index
        %get3A_1710 = arith.constant 96 : index
        %get3A_1711 = tpu.vector_load %arg8[%get3A_1709, %get3A_1710] {strides = array<i32>} : memref<100x128xf32, #tpu.memory_space<vmem>>, vector<1x16xf32>,
        %get3A_1712 = vector.shape_cast %get3A_1711 : vector<1x16xf32> to vector<16xf32>
        %add3A_1713 = arith.addf %scan3A_1603, %get3A_1712 : vector<16xf32>
        %add3A_1714 = arith.constant 50 : i32
        %add3A_1715 = arith.addi %add3A_1714, %add3A_1608 : i32
        %get3A_1716 = arith.index_cast %add3A_1715 : i32 to index
        %get3A_1717 = arith.constant 112 : index
        %get3A_1718 = tpu.vector_load %arg8[%get3A_1716, %get3A_1717] {strides = array<i32>} : memref<100x128xf32, #tpu.memory_space<vmem>>, vector<1x16xf32>,
        %get3A_1719 = vector.shape_cast %get3A_1718 : vector<1x16xf32> to vector<16xf32>
        %add3A_1720 = arith.addf %scan3A_1604, %get3A_1719 : vector<16xf32>
        %mul3A_1721 = arith.constant 2 : i32
        %mul3A_1722 = arith.muli %scan3A_1588, %mul3A_1721 : i32
        %add3A_1723 = arith.constant 1 : i32
        %add3A_1724 = arith.addi %mul3A_1722, %add3A_1723 : i32
        %add3A_1725 = arith.constant 0 : i32
        %add3A_1726 = arith.addi %add3A_1725, %add3A_1724 : i32
        %get3A_1727 = arith.index_cast %add3A_1726 : i32 to index
        %get3A_1728 = arith.constant 0 : index
        %get3A_1729 = tpu.vector_load %arg8[%get3A_1727, %get3A_1728] {strides = array<i32>} : memref<100x128xf32, #tpu.memory_space<vmem>>, vector<1x16xf32>,
        %get3A_1730 = vector.shape_cast %get3A_1729 : vector<1x16xf32> to vector<16xf32>
        %add3A_1731 = arith.addf %add3A_1615, %get3A_1730 : vector<16xf32>
        %add3A_1732 = arith.constant 0 : i32
        %add3A_1733 = arith.addi %add3A_1732, %add3A_1724 : i32
        %get3A_1734 = arith.index_cast %add3A_1733 : i32 to index
        %get3A_1735 = arith.constant 16 : index
        %get3A_1736 = tpu.vector_load %arg8[%get3A_1734, %get3A_1735] {strides = array<i32>} : memref<100x128xf32, #tpu.memory_space<vmem>>, vector<1x16xf32>,
        %get3A_1737 = vector.shape_cast %get3A_1736 : vector<1x16xf32> to vector<16xf32>
        %add3A_1738 = arith.addf %add3A_1622, %get3A_1737 : vector<16xf32>
        %add3A_1739 = arith.constant 0 : i32
        %add3A_1740 = arith.addi %add3A_1739, %add3A_1724 : i32
        %get3A_1741 = arith.index_cast %add3A_1740 : i32 to index
        %get3A_1742 = arith.constant 32 : index
        %get3A_1743 = tpu.vector_load %arg8[%get3A_1741, %get3A_1742] {strides = array<i32>} : memref<100x128xf32, #tpu.memory_space<vmem>>, vector<1x16xf32>,
        %get3A_1744 = vector.shape_cast %get3A_1743 : vector<1x16xf32> to vector<16xf32>
        %add3A_1745 = arith.addf %add3A_1629, %get3A_1744 : vector<16xf32>
        %add3A_1746 = arith.constant 0 : i32
        %add3A_1747 = arith.addi %add3A_1746, %add3A_1724 : i32
        %get3A_1748 = arith.index_cast %add3A_1747 : i32 to index
        %get3A_1749 = arith.constant 48 : index
        %get3A_1750 = tpu.vector_load %arg8[%get3A_1748, %get3A_1749] {strides = array<i32>} : memref<100x128xf32, #tpu.memory_space<vmem>>, vector<1x16xf32>,
        %get3A_1751 = vector.shape_cast %get3A_1750 : vector<1x16xf32> to vector<16xf32>
        %add3A_1752 = arith.addf %add3A_1636, %get3A_1751 : vector<16xf32>
        %add3A_1753 = arith.constant 0 : i32
        %add3A_1754 = arith.addi %add3A_1753, %add3A_1724 : i32
        %get3A_1755 = arith.index_cast %add3A_1754 : i32 to index
        %get3A_1756 = arith.constant 64 : index
        %get3A_1757 = tpu.vector_load %arg8[%get3A_1755, %get3A_1756] {strides = array<i32>} : memref<100x128xf32, #tpu.memory_space<vmem>>, vector<1x16xf32>,
        %get3A_1758 = vector.shape_cast %get3A_1757 : vector<1x16xf32> to vector<16xf32>
        %add3A_1759 = arith.addf %add3A_1643, %get3A_1758 : vector<16xf32>
        %add3A_1760 = arith.constant 0 : i32
        %add3A_1761 = arith.addi %add3A_1760, %add3A_1724 : i32
        %get3A_1762 = arith.index_cast %add3A_1761 : i32 to index
        %get3A_1763 = arith.constant 80 : index
        %get3A_1764 = tpu.vector_load %arg8[%get3A_1762, %get3A_1763] {strides = array<i32>} : memref<100x128xf32, #tpu.memory_space<vmem>>, vector<1x16xf32>,
        %get3A_1765 = vector.shape_cast %get3A_1764 : vector<1x16xf32> to vector<16xf32>
        %add3A_1766 = arith.addf %add3A_1650, %get3A_1765 : vector<16xf32>
        %add3A_1767 = arith.constant 0 : i32
        %add3A_1768 = arith.addi %add3A_1767, %add3A_1724 : i32
        %get3A_1769 = arith.index_cast %add3A_1768 : i32 to index
        %get3A_1770 = arith.constant 96 : index
        %get3A_1771 = tpu.vector_load %arg8[%get3A_1769, %get3A_1770] {strides = array<i32>} : memref<100x128xf32, #tpu.memory_space<vmem>>, vector<1x16xf32>,
        %get3A_1772 = vector.shape_cast %get3A_1771 : vector<1x16xf32> to vector<16xf32>
        %add3A_1773 = arith.addf %add3A_1657, %get3A_1772 : vector<16xf32>
        %add3A_1774 = arith.constant 0 : i32
        %add3A_1775 = arith.addi %add3A_1774, %add3A_1724 : i32
        %get3A_1776 = arith.index_cast %add3A_1775 : i32 to index
        %get3A_1777 = arith.constant 112 : index
        %get3A_1778 = tpu.vector_load %arg8[%get3A_1776, %get3A_1777] {strides = array<i32>} : memref<100x128xf32, #tpu.memory_space<vmem>>, vector<1x16xf32>,
        %get3A_1779 = vector.shape_cast %get3A_1778 : vector<1x16xf32> to vector<16xf32>
        %add3A_1780 = arith.addf %add3A_1664, %get3A_1779 : vector<16xf32>
        %add3A_1781 = arith.constant 50 : i32
        %add3A_1782 = arith.addi %add3A_1781, %add3A_1724 : i32
        %get3A_1783 = arith.index_cast %add3A_1782 : i32 to index
        %get3A_1784 = arith.constant 0 : index
        %get3A_1785 = tpu.vector_load %arg8[%get3A_1783, %get3A_1784] {strides = array<i32>} : memref<100x128xf32, #tpu.memory_space<vmem>>, vector<1x16xf32>,
        %get3A_1786 = vector.shape_cast %get3A_1785 : vector<1x16xf32> to vector<16xf32>
        %add3A_1787 = arith.addf %add3A_1671, %get3A_1786 : vector<16xf32>
        %add3A_1788 = arith.constant 50 : i32
        %add3A_1789 = arith.addi %add3A_1788, %add3A_1724 : i32
        %get3A_1790 = arith.index_cast %add3A_1789 : i32 to index
        %get3A_1791 = arith.constant 16 : index
        %get3A_1792 = tpu.vector_load %arg8[%get3A_1790, %get3A_1791] {strides = array<i32>} : memref<100x128xf32, #tpu.memory_space<vmem>>, vector<1x16xf32>,
        %get3A_1793 = vector.shape_cast %get3A_1792 : vector<1x16xf32> to vector<16xf32>
        %add3A_1794 = arith.addf %add3A_1678, %get3A_1793 : vector<16xf32>
        %add3A_1795 = arith.constant 50 : i32
        %add3A_1796 = arith.addi %add3A_1795, %add3A_1724 : i32
        %get3A_1797 = arith.index_cast %add3A_1796 : i32 to index
        %get3A_1798 = arith.constant 32 : index
        %get3A_1799 = tpu.vector_load %arg8[%get3A_1797, %get3A_1798] {strides = array<i32>} : memref<100x128xf32, #tpu.memory_space<vmem>>, vector<1x16xf32>,
        %get3A_1800 = vector.shape_cast %get3A_1799 : vector<1x16xf32> to vector<16xf32>
        %add3A_1801 = arith.addf %add3A_1685, %get3A_1800 : vector<16xf32>
        %add3A_1802 = arith.constant 50 : i32
        %add3A_1803 = arith.addi %add3A_1802, %add3A_1724 : i32
        %get3A_1804 = arith.index_cast %add3A_1803 : i32 to index
        %get3A_1805 = arith.constant 48 : index
        %get3A_1806 = tpu.vector_load %arg8[%get3A_1804, %get3A_1805] {strides = array<i32>} : memref<100x128xf32, #tpu.memory_space<vmem>>, vector<1x16xf32>,
        %get3A_1807 = vector.shape_cast %get3A_1806 : vector<1x16xf32> to vector<16xf32>
        %add3A_1808 = arith.addf %add3A_1692, %get3A_1807 : vector<16xf32>
        %add3A_1809 = arith.constant 50 : i32
        %add3A_1810 = arith.addi %add3A_1809, %add3A_1724 : i32
        %get3A_1811 = arith.index_cast %add3A_1810 : i32 to index
        %get3A_1812 = arith.constant 64 : index
        %get3A_1813 = tpu.vector_load %arg8[%get3A_1811, %get3A_1812] {strides = array<i32>} : memref<100x128xf32, #tpu.memory_space<vmem>>, vector<1x16xf32>,
        %get3A_1814 = vector.shape_cast %get3A_1813 : vector<1x16xf32> to vector<16xf32>
        %add3A_1815 = arith.addf %add3A_1699, %get3A_1814 : vector<16xf32>
        %add3A_1816 = arith.constant 50 : i32
        %add3A_1817 = arith.addi %add3A_1816, %add3A_1724 : i32
        %get3A_1818 = arith.index_cast %add3A_1817 : i32 to index
        %get3A_1819 = arith.constant 80 : index
        %get3A_1820 = tpu.vector_load %arg8[%get3A_1818, %get3A_1819] {strides = array<i32>} : memref<100x128xf32, #tpu.memory_space<vmem>>, vector<1x16xf32>,
        %get3A_1821 = vector.shape_cast %get3A_1820 : vector<1x16xf32> to vector<16xf32>
        %add3A_1822 = arith.addf %add3A_1706, %get3A_1821 : vector<16xf32>
        %add3A_1823 = arith.constant 50 : i32
        %add3A_1824 = arith.addi %add3A_1823, %add3A_1724 : i32
        %get3A_1825 = arith.index_cast %add3A_1824 : i32 to index
        %get3A_1826 = arith.constant 96 : index
        %get3A_1827 = tpu.vector_load %arg8[%get3A_1825, %get3A_1826] {strides = array<i32>} : memref<100x128xf32, #tpu.memory_space<vmem>>, vector<1x16xf32>,
        %get3A_1828 = vector.shape_cast %get3A_1827 : vector<1x16xf32> to vector<16xf32>
        %add3A_1829 = arith.addf %add3A_1713, %get3A_1828 : vector<16xf32>
        %add3A_1830 = arith.constant 50 : i32
        %add3A_1831 = arith.addi %add3A_1830, %add3A_1724 : i32
        %get3A_1832 = arith.index_cast %add3A_1831 : i32 to index
        %get3A_1833 = arith.constant 112 : index
        %get3A_1834 = tpu.vector_load %arg8[%get3A_1832, %get3A_1833] {strides = array<i32>} : memref<100x128xf32, #tpu.memory_space<vmem>>, vector<1x16xf32>,
        %get3A_1835 = vector.shape_cast %get3A_1834 : vector<1x16xf32> to vector<16xf32>
        %add3A_1836 = arith.addf %add3A_1720, %get3A_1835 : vector<16xf32>
        scf.yield %add3A_1731, %add3A_1738, %add3A_1745, %add3A_1752, %add3A_1759, %add3A_1766, %add3A_1773, %add3A_1780, %add3A_1787, %add3A_1794, %add3A_1801, %add3A_1808, %add3A_1815, %add3A_1822, %add3A_1829, %add3A_1836 : vector<16xf32>, vector<16xf32>, vector<16xf32>, vector<16xf32>, vector<16xf32>, vector<16xf32>, vector<16xf32>, vector<16xf32>, vector<16xf32>, vector<16xf32>, vector<16xf32>, vector<16xf32>, vector<16xf32>, vector<16xf32>, vector<16xf32>, vector<16xf32>
      }
      %scan3A_862 = arith.constant 25 : i32
      %get3A_863 = arith.index_cast %add3A_824 : i32 to index
      %get3A_864 = arith.constant 0 : index
      %get3A_865 = tpu.vector_load %arg5[%get3A_863, %get3A_864] {strides = array<i32>} : memref<64x100xi32, #tpu.memory_space<vmem>>, vector<1x16xi32>,
      %get3A_866 = vector.shape_cast %get3A_865 : vector<1x16xi32> to vector<16xi32>
      %ne3A_867 = arith.constant 0 : i32
      %ne3A_868 = vector.broadcast %ne3A_867 : i32 to vector<16xi32>
      %ne3A_869 = arith.cmpi ne, %get3A_866, %ne3A_868 : vector<16xi32>
      %select_n3A_870 = arith.select %ne3A_869, %broadcast_in_dim3A_3, %broadcast_in_dim3A_5 : vector<16xi1>, vector<16xf32>
      %get3A_871 = arith.index_cast %add3A_824 : i32 to index
      %get3A_872 = arith.constant 16 : index
      %get3A_873 = tpu.vector_load %arg5[%get3A_871, %get3A_872] {strides = array<i32>} : memref<64x100xi32, #tpu.memory_space<vmem>>, vector<1x16xi32>,
      %get3A_874 = vector.shape_cast %get3A_873 : vector<1x16xi32> to vector<16xi32>
      %ne3A_875 = arith.constant 0 : i32
      %ne3A_876 = vector.broadcast %ne3A_875 : i32 to vector<16xi32>
      %ne3A_877 = arith.cmpi ne, %get3A_874, %ne3A_876 : vector<16xi32>
      %select_n3A_878 = arith.select %ne3A_877, %broadcast_in_dim3A_3, %broadcast_in_dim3A_5 : vector<16xi1>, vector<16xf32>
      %get3A_879 = arith.index_cast %add3A_824 : i32 to index
      %get3A_880 = arith.constant 32 : index
      %get3A_881 = tpu.vector_load %arg5[%get3A_879, %get3A_880] {strides = array<i32>} : memref<64x100xi32, #tpu.memory_space<vmem>>, vector<1x16xi32>,
      %get3A_882 = vector.shape_cast %get3A_881 : vector<1x16xi32> to vector<16xi32>
      %ne3A_883 = arith.constant 0 : i32
      %ne3A_884 = vector.broadcast %ne3A_883 : i32 to vector<16xi32>
      %ne3A_885 = arith.cmpi ne, %get3A_882, %ne3A_884 : vector<16xi32>
      %select_n3A_886 = arith.select %ne3A_885, %broadcast_in_dim3A_3, %broadcast_in_dim3A_5 : vector<16xi1>, vector<16xf32>
      %get3A_887 = arith.index_cast %add3A_824 : i32 to index
      %get3A_888 = arith.constant 48 : index
      %get3A_889 = tpu.vector_load %arg5[%get3A_887, %get3A_888] {strides = array<i32>} : memref<64x100xi32, #tpu.memory_space<vmem>>, vector<1x16xi32>,
      %get3A_890 = vector.shape_cast %get3A_889 : vector<1x16xi32> to vector<16xi32>
      %ne3A_891 = arith.constant 0 : i32
      %ne3A_892 = vector.broadcast %ne3A_891 : i32 to vector<16xi32>
      %ne3A_893 = arith.cmpi ne, %get3A_890, %ne3A_892 : vector<16xi32>
      %select_n3A_894 = arith.select %ne3A_893, %broadcast_in_dim3A_3, %broadcast_in_dim3A_5 : vector<16xi1>, vector<16xf32>
      %get3A_895 = arith.index_cast %add3A_824 : i32 to index
      %get3A_896 = arith.constant 64 : index
      %get3A_897 = tpu.vector_load %arg5[%get3A_895, %get3A_896] {strides = array<i32>} : memref<64x100xi32, #tpu.memory_space<vmem>>, vector<1x16xi32>,
      %get3A_898 = vector.shape_cast %get3A_897 : vector<1x16xi32> to vector<16xi32>
      %ne3A_899 = arith.constant 0 : i32
      %ne3A_900 = vector.broadcast %ne3A_899 : i32 to vector<16xi32>
      %ne3A_901 = arith.cmpi ne, %get3A_898, %ne3A_900 : vector<16xi32>
      %select_n3A_902 = arith.select %ne3A_901, %broadcast_in_dim3A_3, %broadcast_in_dim3A_5 : vector<16xi1>, vector<16xf32>
      %get3A_903 = arith.index_cast %add3A_824 : i32 to index
      %get3A_904 = arith.constant 80 : index
      %get3A_905 = tpu.vector_load %arg5[%get3A_903, %get3A_904] {strides = array<i32>} : memref<64x100xi32, #tpu.memory_space<vmem>>, vector<1x16xi32>,
      %get3A_906 = vector.shape_cast %get3A_905 : vector<1x16xi32> to vector<16xi32>
      %ne3A_907 = arith.constant 0 : i32
      %ne3A_908 = vector.broadcast %ne3A_907 : i32 to vector<16xi32>
      %ne3A_909 = arith.cmpi ne, %get3A_906, %ne3A_908 : vector<16xi32>
      %select_n3A_910 = arith.select %ne3A_909, %broadcast_in_dim3A_3, %broadcast_in_dim3A_5 : vector<16xi1>, vector<16xf32>
      %get3A_911 = arith.index_cast %add3A_824 : i32 to index
      %get3A_912 = arith.constant 84 : index
      %get3A_913 = tpu.vector_load %arg5[%get3A_911, %get3A_912] {strides = array<i32>} : memref<64x100xi32, #tpu.memory_space<vmem>>, vector<1x16xi32>,
      %get3A_914 = vector.shape_cast %get3A_913 : vector<1x16xi32> to vector<16xi32>
      %ne3A_915 = arith.constant 0 : i32
      %ne3A_916 = vector.broadcast %ne3A_915 : i32 to vector<16xi32>
      %ne3A_917 = arith.cmpi ne, %get3A_914, %ne3A_916 : vector<16xi32>
      %select_n3A_918 = arith.select %ne3A_917, %broadcast_in_dim3A_3, %broadcast_in_dim3A_5 : vector<16xi1>, vector<16xf32>
      %lt3A_919 = arith.constant 2 : i32
      %lt3A_920 = vector.broadcast %lt3A_919 : i32 to vector<16xi32>
      %lt3A_921 = arith.cmpi slt, %iota3A, %lt3A_920 : vector<16xi32>
      %select_n3A_922 = arith.select %lt3A_921, %select_n3A_894, %broadcast_in_dim3A_5 : vector<16xi1>, vector<16xf32>
      %ge3A_923 = arith.constant 12 : i32
      %ge3A_924 = vector.broadcast %ge3A_923 : i32 to vector<16xi32>
      %ge3A_925 = arith.cmpi sge, %iota3A, %ge3A_924 : vector<16xi32>
      %select_n3A_926 = arith.select %ge3A_925, %select_n3A_918, %broadcast_in_dim3A_5 : vector<16xi1>, vector<16xf32>
      %add3A_927 = arith.addf %select_n3A_870, %select_n3A_878 : vector<16xf32>
      %add3A_928 = arith.addf %add3A_927, %select_n3A_886 : vector<16xf32>
      %add3A_929 = arith.addf %add3A_928, %select_n3A_922 : vector<16xf32>
      %sub3A_930 = arith.subf %select_n3A_894, %select_n3A_922 : vector<16xf32>
      %add3A_931 = arith.addf %sub3A_930, %select_n3A_902 : vector<16xf32>
      %add3A_932 = arith.addf %add3A_931, %select_n3A_910 : vector<16xf32>
      %add3A_933 = arith.addf %add3A_932, %select_n3A_926 : vector<16xf32>
      %slice3A_934 = vector.extract_strided_slice %add3A_929 {offsets = [0], sizes = [1], strides = [1]} : vector<16xf32> to vector<1xf32>
      %squeeze3A_935 = vector.extract %slice3A_934[0] : f32 from vector<1xf32>
      %slice3A_936 = vector.extract_strided_slice %add3A_929 {offsets = [1], sizes = [1], strides = [1]} : vector<16xf32> to vector<1xf32>
      %squeeze3A_937 = vector.extract %slice3A_936[0] : f32 from vector<1xf32>
      %add3A_938 = arith.addf %squeeze3A_935, %squeeze3A_937 : f32
      %slice3A_939 = vector.extract_strided_slice %add3A_929 {offsets = [2], sizes = [1], strides = [1]} : vector<16xf32> to vector<1xf32>
      %squeeze3A_940 = vector.extract %slice3A_939[0] : f32 from vector<1xf32>
      %add3A_941 = arith.addf %add3A_938, %squeeze3A_940 : f32
      %slice3A_942 = vector.extract_strided_slice %add3A_929 {offsets = [3], sizes = [1], strides = [1]} : vector<16xf32> to vector<1xf32>
      %squeeze3A_943 = vector.extract %slice3A_942[0] : f32 from vector<1xf32>
      %add3A_944 = arith.addf %add3A_941, %squeeze3A_943 : f32
      %slice3A_945 = vector.extract_strided_slice %add3A_929 {offsets = [4], sizes = [1], strides = [1]} : vector<16xf32> to vector<1xf32>
      %squeeze3A_946 = vector.extract %slice3A_945[0] : f32 from vector<1xf32>
      %add3A_947 = arith.addf %add3A_944, %squeeze3A_946 : f32
      %slice3A_948 = vector.extract_strided_slice %add3A_929 {offsets = [5], sizes = [1], strides = [1]} : vector<16xf32> to vector<1xf32>
      %squeeze3A_949 = vector.extract %slice3A_948[0] : f32 from vector<1xf32>
      %add3A_950 = arith.addf %add3A_947, %squeeze3A_949 : f32
      %slice3A_951 = vector.extract_strided_slice %add3A_929 {offsets = [6], sizes = [1], strides = [1]} : vector<16xf32> to vector<1xf32>
      %squeeze3A_952 = vector.extract %slice3A_951[0] : f32 from vector<1xf32>
      %add3A_953 = arith.addf %add3A_950, %squeeze3A_952 : f32
      %slice3A_954 = vector.extract_strided_slice %add3A_929 {offsets = [7], sizes = [1], strides = [1]} : vector<16xf32> to vector<1xf32>
      %squeeze3A_955 = vector.extract %slice3A_954[0] : f32 from vector<1xf32>
      %add3A_956 = arith.addf %add3A_953, %squeeze3A_955 : f32
      %slice3A_957 = vector.extract_strided_slice %add3A_929 {offsets = [8], sizes = [1], strides = [1]} : vector<16xf32> to vector<1xf32>
      %squeeze3A_958 = vector.extract %slice3A_957[0] : f32 from vector<1xf32>
      %add3A_959 = arith.addf %add3A_956, %squeeze3A_958 : f32
      %slice3A_960 = vector.extract_strided_slice %add3A_929 {offsets = [9], sizes = [1], strides = [1]} : vector<16xf32> to vector<1xf32>
      %squeeze3A_961 = vector.extract %slice3A_960[0] : f32 from vector<1xf32>
      %add3A_962 = arith.addf %add3A_959, %squeeze3A_961 : f32
      %slice3A_963 = vector.extract_strided_slice %add3A_929 {offsets = [10], sizes = [1], strides = [1]} : vector<16xf32> to vector<1xf32>
      %squeeze3A_964 = vector.extract %slice3A_963[0] : f32 from vector<1xf32>
      %add3A_965 = arith.addf %add3A_962, %squeeze3A_964 : f32
      %slice3A_966 = vector.extract_strided_slice %add3A_929 {offsets = [11], sizes = [1], strides = [1]} : vector<16xf32> to vector<1xf32>
      %squeeze3A_967 = vector.extract %slice3A_966[0] : f32 from vector<1xf32>
      %add3A_968 = arith.addf %add3A_965, %squeeze3A_967 : f32
      %slice3A_969 = vector.extract_strided_slice %add3A_929 {offsets = [12], sizes = [1], strides = [1]} : vector<16xf32> to vector<1xf32>
      %squeeze3A_970 = vector.extract %slice3A_969[0] : f32 from vector<1xf32>
      %add3A_971 = arith.addf %add3A_968, %squeeze3A_970 : f32
      %slice3A_972 = vector.extract_strided_slice %add3A_929 {offsets = [13], sizes = [1], strides = [1]} : vector<16xf32> to vector<1xf32>
      %squeeze3A_973 = vector.extract %slice3A_972[0] : f32 from vector<1xf32>
      %add3A_974 = arith.addf %add3A_971, %squeeze3A_973 : f32
      %slice3A_975 = vector.extract_strided_slice %add3A_929 {offsets = [14], sizes = [1], strides = [1]} : vector<16xf32> to vector<1xf32>
      %squeeze3A_976 = vector.extract %slice3A_975[0] : f32 from vector<1xf32>
      %add3A_977 = arith.addf %add3A_974, %squeeze3A_976 : f32
      %slice3A_978 = vector.extract_strided_slice %add3A_929 {offsets = [15], sizes = [1], strides = [1]} : vector<16xf32> to vector<1xf32>
      %squeeze3A_979 = vector.extract %slice3A_978[0] : f32 from vector<1xf32>
      %add3A_980 = arith.addf %add3A_977, %squeeze3A_979 : f32
      %add3A_981 = vector.broadcast %add3A_980 : f32 to vector<16xf32>
      %add3A_982 = arith.addf %broadcast_in_dim3A_5, %add3A_981 : vector<16xf32>
      %max3A_983 = arith.maximumf %add3A_982, %broadcast_in_dim3A_3 : vector<16xf32>
      %div3A_984 = arith.divf %broadcast_in_dim3A_3, %max3A_983 : vector<16xf32>
      %slice3A_985 = vector.extract_strided_slice %add3A_933 {offsets = [0], sizes = [1], strides = [1]} : vector<16xf32> to vector<1xf32>
      %squeeze3A_986 = vector.extract %slice3A_985[0] : f32 from vector<1xf32>
      %slice3A_987 = vector.extract_strided_slice %add3A_933 {offsets = [1], sizes = [1], strides = [1]} : vector<16xf32> to vector<1xf32>
      %squeeze3A_988 = vector.extract %slice3A_987[0] : f32 from vector<1xf32>
      %add3A_989 = arith.addf %squeeze3A_986, %squeeze3A_988 : f32
      %slice3A_990 = vector.extract_strided_slice %add3A_933 {offsets = [2], sizes = [1], strides = [1]} : vector<16xf32> to vector<1xf32>
      %squeeze3A_991 = vector.extract %slice3A_990[0] : f32 from vector<1xf32>
      %add3A_992 = arith.addf %add3A_989, %squeeze3A_991 : f32
      %slice3A_993 = vector.extract_strided_slice %add3A_933 {offsets = [3], sizes = [1], strides = [1]} : vector<16xf32> to vector<1xf32>
      %squeeze3A_994 = vector.extract %slice3A_993[0] : f32 from vector<1xf32>
      %add3A_995 = arith.addf %add3A_992, %squeeze3A_994 : f32
      %slice3A_996 = vector.extract_strided_slice %add3A_933 {offsets = [4], sizes = [1], strides = [1]} : vector<16xf32> to vector<1xf32>
      %squeeze3A_997 = vector.extract %slice3A_996[0] : f32 from vector<1xf32>
      %add3A_998 = arith.addf %add3A_995, %squeeze3A_997 : f32
      %slice3A_999 = vector.extract_strided_slice %add3A_933 {offsets = [5], sizes = [1], strides = [1]} : vector<16xf32> to vector<1xf32>
      %squeeze3A_1000 = vector.extract %slice3A_999[0] : f32 from vector<1xf32>
      %add3A_1001 = arith.addf %add3A_998, %squeeze3A_1000 : f32
      %slice3A_1002 = vector.extract_strided_slice %add3A_933 {offsets = [6], sizes = [1], strides = [1]} : vector<16xf32> to vector<1xf32>
      %squeeze3A_1003 = vector.extract %slice3A_1002[0] : f32 from vector<1xf32>
      %add3A_1004 = arith.addf %add3A_1001, %squeeze3A_1003 : f32
      %slice3A_1005 = vector.extract_strided_slice %add3A_933 {offsets = [7], sizes = [1], strides = [1]} : vector<16xf32> to vector<1xf32>
      %squeeze3A_1006 = vector.extract %slice3A_1005[0] : f32 from vector<1xf32>
      %add3A_1007 = arith.addf %add3A_1004, %squeeze3A_1006 : f32
      %slice3A_1008 = vector.extract_strided_slice %add3A_933 {offsets = [8], sizes = [1], strides = [1]} : vector<16xf32> to vector<1xf32>
      %squeeze3A_1009 = vector.extract %slice3A_1008[0] : f32 from vector<1xf32>
      %add3A_1010 = arith.addf %add3A_1007, %squeeze3A_1009 : f32
      %slice3A_1011 = vector.extract_strided_slice %add3A_933 {offsets = [9], sizes = [1], strides = [1]} : vector<16xf32> to vector<1xf32>
      %squeeze3A_1012 = vector.extract %slice3A_1011[0] : f32 from vector<1xf32>
      %add3A_1013 = arith.addf %add3A_1010, %squeeze3A_1012 : f32
      %slice3A_1014 = vector.extract_strided_slice %add3A_933 {offsets = [10], sizes = [1], strides = [1]} : vector<16xf32> to vector<1xf32>
      %squeeze3A_1015 = vector.extract %slice3A_1014[0] : f32 from vector<1xf32>
      %add3A_1016 = arith.addf %add3A_1013, %squeeze3A_1015 : f32
      %slice3A_1017 = vector.extract_strided_slice %add3A_933 {offsets = [11], sizes = [1], strides = [1]} : vector<16xf32> to vector<1xf32>
      %squeeze3A_1018 = vector.extract %slice3A_1017[0] : f32 from vector<1xf32>
      %add3A_1019 = arith.addf %add3A_1016, %squeeze3A_1018 : f32
      %slice3A_1020 = vector.extract_strided_slice %add3A_933 {offsets = [12], sizes = [1], strides = [1]} : vector<16xf32> to vector<1xf32>
      %squeeze3A_1021 = vector.extract %slice3A_1020[0] : f32 from vector<1xf32>
      %add3A_1022 = arith.addf %add3A_1019, %squeeze3A_1021 : f32
      %slice3A_1023 = vector.extract_strided_slice %add3A_933 {offsets = [13], sizes = [1], strides = [1]} : vector<16xf32> to vector<1xf32>
      %squeeze3A_1024 = vector.extract %slice3A_1023[0] : f32 from vector<1xf32>
      %add3A_1025 = arith.addf %add3A_1022, %squeeze3A_1024 : f32
      %slice3A_1026 = vector.extract_strided_slice %add3A_933 {offsets = [14], sizes = [1], strides = [1]} : vector<16xf32> to vector<1xf32>
      %squeeze3A_1027 = vector.extract %slice3A_1026[0] : f32 from vector<1xf32>
      %add3A_1028 = arith.addf %add3A_1025, %squeeze3A_1027 : f32
      %slice3A_1029 = vector.extract_strided_slice %add3A_933 {offsets = [15], sizes = [1], strides = [1]} : vector<16xf32> to vector<1xf32>
      %squeeze3A_1030 = vector.extract %slice3A_1029[0] : f32 from vector<1xf32>
      %add3A_1031 = arith.addf %add3A_1028, %squeeze3A_1030 : f32
      %add3A_1032 = vector.broadcast %add3A_1031 : f32 to vector<16xf32>
      %add3A_1033 = arith.addf %broadcast_in_dim3A_5, %add3A_1032 : vector<16xf32>
      %max3A_1034 = arith.maximumf %add3A_1033, %broadcast_in_dim3A_3 : vector<16xf32>
      %div3A_1035 = arith.divf %broadcast_in_dim3A_3, %max3A_1034 : vector<16xf32>
      %mul3A_1036 = arith.mulf %scan3A_861#0, %div3A_984 : vector<16xf32>
      %mul3A_1037 = arith.constant 2 : i32
      %mul3A_1038 = arith.muli %add3A_824, %mul3A_1037 : i32
      %add3A_1039 = arith.constant 0 : i32
      %add3A_1040 = arith.addi %mul3A_1038, %add3A_1039 : i32
      %swap3A_1041 = arith.index_cast %add3A_1040 : i32 to index
      %swap3A_1042 = arith.constant 0 : index
      %swap3A_1043 = tpu.vector_load %arg10[%swap3A_1041, %swap3A_1042] {strides = array<i32>} : memref<128x128xf32, #tpu.memory_space<vmem>>, vector<1x16xf32>,
      %swap3A_1044 = vector.shape_cast %swap3A_1043 : vector<1x16xf32> to vector<16xf32>
      %swap3A_1045 = vector.shape_cast %mul3A_1036 : vector<16xf32> to vector<1x16xf32>
      tpu.vector_store %arg10[%swap3A_1041, %swap3A_1042], %swap3A_1045 {strides = array<i32>} : memref<128x128xf32, #tpu.memory_space<vmem>>, vector<1x16xf32>,
      %mul3A_1046 = arith.mulf %scan3A_861#1, %div3A_984 : vector<16xf32>
      %mul3A_1047 = arith.constant 2 : i32
      %mul3A_1048 = arith.muli %add3A_824, %mul3A_1047 : i32
      %add3A_1049 = arith.constant 0 : i32
      %add3A_1050 = arith.addi %mul3A_1048, %add3A_1049 : i32
      %swap3A_1051 = arith.index_cast %add3A_1050 : i32 to index
      %swap3A_1052 = arith.constant 16 : index
      %swap3A_1053 = tpu.vector_load %arg10[%swap3A_1051, %swap3A_1052] {strides = array<i32>} : memref<128x128xf32, #tpu.memory_space<vmem>>, vector<1x16xf32>,
      %swap3A_1054 = vector.shape_cast %swap3A_1053 : vector<1x16xf32> to vector<16xf32>
      %swap3A_1055 = vector.shape_cast %mul3A_1046 : vector<16xf32> to vector<1x16xf32>
      tpu.vector_store %arg10[%swap3A_1051, %swap3A_1052], %swap3A_1055 {strides = array<i32>} : memref<128x128xf32, #tpu.memory_space<vmem>>, vector<1x16xf32>,
      %mul3A_1056 = arith.mulf %scan3A_861#2, %div3A_984 : vector<16xf32>
      %mul3A_1057 = arith.constant 2 : i32
      %mul3A_1058 = arith.muli %add3A_824, %mul3A_1057 : i32
      %add3A_1059 = arith.constant 0 : i32
      %add3A_1060 = arith.addi %mul3A_1058, %add3A_1059 : i32
      %swap3A_1061 = arith.index_cast %add3A_1060 : i32 to index
      %swap3A_1062 = arith.constant 32 : index
      %swap3A_1063 = tpu.vector_load %arg10[%swap3A_1061, %swap3A_1062] {strides = array<i32>} : memref<128x128xf32, #tpu.memory_space<vmem>>, vector<1x16xf32>,
      %swap3A_1064 = vector.shape_cast %swap3A_1063 : vector<1x16xf32> to vector<16xf32>
      %swap3A_1065 = vector.shape_cast %mul3A_1056 : vector<16xf32> to vector<1x16xf32>
      tpu.vector_store %arg10[%swap3A_1061, %swap3A_1062], %swap3A_1065 {strides = array<i32>} : memref<128x128xf32, #tpu.memory_space<vmem>>, vector<1x16xf32>,
      %mul3A_1066 = arith.mulf %scan3A_861#3, %div3A_984 : vector<16xf32>
      %mul3A_1067 = arith.constant 2 : i32
      %mul3A_1068 = arith.muli %add3A_824, %mul3A_1067 : i32
      %add3A_1069 = arith.constant 0 : i32
      %add3A_1070 = arith.addi %mul3A_1068, %add3A_1069 : i32
      %swap3A_1071 = arith.index_cast %add3A_1070 : i32 to index
      %swap3A_1072 = arith.constant 48 : index
      %swap3A_1073 = tpu.vector_load %arg10[%swap3A_1071, %swap3A_1072] {strides = array<i32>} : memref<128x128xf32, #tpu.memory_space<vmem>>, vector<1x16xf32>,
      %swap3A_1074 = vector.shape_cast %swap3A_1073 : vector<1x16xf32> to vector<16xf32>
      %swap3A_1075 = vector.shape_cast %mul3A_1066 : vector<16xf32> to vector<1x16xf32>
      tpu.vector_store %arg10[%swap3A_1071, %swap3A_1072], %swap3A_1075 {strides = array<i32>} : memref<128x128xf32, #tpu.memory_space<vmem>>, vector<1x16xf32>,
      %mul3A_1076 = arith.mulf %scan3A_861#4, %div3A_984 : vector<16xf32>
      %mul3A_1077 = arith.constant 2 : i32
      %mul3A_1078 = arith.muli %add3A_824, %mul3A_1077 : i32
      %add3A_1079 = arith.constant 0 : i32
      %add3A_1080 = arith.addi %mul3A_1078, %add3A_1079 : i32
      %swap3A_1081 = arith.index_cast %add3A_1080 : i32 to index
      %swap3A_1082 = arith.constant 64 : index
      %swap3A_1083 = tpu.vector_load %arg10[%swap3A_1081, %swap3A_1082] {strides = array<i32>} : memref<128x128xf32, #tpu.memory_space<vmem>>, vector<1x16xf32>,
      %swap3A_1084 = vector.shape_cast %swap3A_1083 : vector<1x16xf32> to vector<16xf32>
      %swap3A_1085 = vector.shape_cast %mul3A_1076 : vector<16xf32> to vector<1x16xf32>
      tpu.vector_store %arg10[%swap3A_1081, %swap3A_1082], %swap3A_1085 {strides = array<i32>} : memref<128x128xf32, #tpu.memory_space<vmem>>, vector<1x16xf32>,
      %mul3A_1086 = arith.mulf %scan3A_861#5, %div3A_984 : vector<16xf32>
      %mul3A_1087 = arith.constant 2 : i32
      %mul3A_1088 = arith.muli %add3A_824, %mul3A_1087 : i32
      %add3A_1089 = arith.constant 0 : i32
      %add3A_1090 = arith.addi %mul3A_1088, %add3A_1089 : i32
      %swap3A_1091 = arith.index_cast %add3A_1090 : i32 to index
      %swap3A_1092 = arith.constant 80 : index
      %swap3A_1093 = tpu.vector_load %arg10[%swap3A_1091, %swap3A_1092] {strides = array<i32>} : memref<128x128xf32, #tpu.memory_space<vmem>>, vector<1x16xf32>,
      %swap3A_1094 = vector.shape_cast %swap3A_1093 : vector<1x16xf32> to vector<16xf32>
      %swap3A_1095 = vector.shape_cast %mul3A_1086 : vector<16xf32> to vector<1x16xf32>
      tpu.vector_store %arg10[%swap3A_1091, %swap3A_1092], %swap3A_1095 {strides = array<i32>} : memref<128x128xf32, #tpu.memory_space<vmem>>, vector<1x16xf32>,
      %mul3A_1096 = arith.mulf %scan3A_861#6, %div3A_984 : vector<16xf32>
      %mul3A_1097 = arith.constant 2 : i32
      %mul3A_1098 = arith.muli %add3A_824, %mul3A_1097 : i32
      %add3A_1099 = arith.constant 0 : i32
      %add3A_1100 = arith.addi %mul3A_1098, %add3A_1099 : i32
      %swap3A_1101 = arith.index_cast %add3A_1100 : i32 to index
      %swap3A_1102 = arith.constant 96 : index
      %swap3A_1103 = tpu.vector_load %arg10[%swap3A_1101, %swap3A_1102] {strides = array<i32>} : memref<128x128xf32, #tpu.memory_space<vmem>>, vector<1x16xf32>,
      %swap3A_1104 = vector.shape_cast %swap3A_1103 : vector<1x16xf32> to vector<16xf32>
      %swap3A_1105 = vector.shape_cast %mul3A_1096 : vector<16xf32> to vector<1x16xf32>
      tpu.vector_store %arg10[%swap3A_1101, %swap3A_1102], %swap3A_1105 {strides = array<i32>} : memref<128x128xf32, #tpu.memory_space<vmem>>, vector<1x16xf32>,
      %mul3A_1106 = arith.mulf %scan3A_861#7, %div3A_984 : vector<16xf32>
      %mul3A_1107 = arith.constant 2 : i32
      %mul3A_1108 = arith.muli %add3A_824, %mul3A_1107 : i32
      %add3A_1109 = arith.constant 0 : i32
      %add3A_1110 = arith.addi %mul3A_1108, %add3A_1109 : i32
      %swap3A_1111 = arith.index_cast %add3A_1110 : i32 to index
      %swap3A_1112 = arith.constant 112 : index
      %swap3A_1113 = tpu.vector_load %arg10[%swap3A_1111, %swap3A_1112] {strides = array<i32>} : memref<128x128xf32, #tpu.memory_space<vmem>>, vector<1x16xf32>,
      %swap3A_1114 = vector.shape_cast %swap3A_1113 : vector<1x16xf32> to vector<16xf32>
      %swap3A_1115 = vector.shape_cast %mul3A_1106 : vector<16xf32> to vector<1x16xf32>
      tpu.vector_store %arg10[%swap3A_1111, %swap3A_1112], %swap3A_1115 {strides = array<i32>} : memref<128x128xf32, #tpu.memory_space<vmem>>, vector<1x16xf32>,
      %mul3A_1116 = arith.mulf %scan3A_861#8, %div3A_1035 : vector<16xf32>
      %mul3A_1117 = arith.constant 2 : i32
      %mul3A_1118 = arith.muli %add3A_824, %mul3A_1117 : i32
      %add3A_1119 = arith.constant 1 : i32
      %add3A_1120 = arith.addi %mul3A_1118, %add3A_1119 : i32
      %swap3A_1121 = arith.index_cast %add3A_1120 : i32 to index
      %swap3A_1122 = arith.constant 0 : index
      %swap3A_1123 = tpu.vector_load %arg10[%swap3A_1121, %swap3A_1122] {strides = array<i32>} : memref<128x128xf32, #tpu.memory_space<vmem>>, vector<1x16xf32>,
      %swap3A_1124 = vector.shape_cast %swap3A_1123 : vector<1x16xf32> to vector<16xf32>
      %swap3A_1125 = vector.shape_cast %mul3A_1116 : vector<16xf32> to vector<1x16xf32>
      tpu.vector_store %arg10[%swap3A_1121, %swap3A_1122], %swap3A_1125 {strides = array<i32>} : memref<128x128xf32, #tpu.memory_space<vmem>>, vector<1x16xf32>,
      %mul3A_1126 = arith.mulf %scan3A_861#9, %div3A_1035 : vector<16xf32>
      %mul3A_1127 = arith.constant 2 : i32
      %mul3A_1128 = arith.muli %add3A_824, %mul3A_1127 : i32
      %add3A_1129 = arith.constant 1 : i32
      %add3A_1130 = arith.addi %mul3A_1128, %add3A_1129 : i32
      %swap3A_1131 = arith.index_cast %add3A_1130 : i32 to index
      %swap3A_1132 = arith.constant 16 : index
      %swap3A_1133 = tpu.vector_load %arg10[%swap3A_1131, %swap3A_1132] {strides = array<i32>} : memref<128x128xf32, #tpu.memory_space<vmem>>, vector<1x16xf32>,
      %swap3A_1134 = vector.shape_cast %swap3A_1133 : vector<1x16xf32> to vector<16xf32>
      %swap3A_1135 = vector.shape_cast %mul3A_1126 : vector<16xf32> to vector<1x16xf32>
      tpu.vector_store %arg10[%swap3A_1131, %swap3A_1132], %swap3A_1135 {strides = array<i32>} : memref<128x128xf32, #tpu.memory_space<vmem>>, vector<1x16xf32>,
      %mul3A_1136 = arith.mulf %scan3A_861#10, %div3A_1035 : vector<16xf32>
      %mul3A_1137 = arith.constant 2 : i32
      %mul3A_1138 = arith.muli %add3A_824, %mul3A_1137 : i32
      %add3A_1139 = arith.constant 1 : i32
      %add3A_1140 = arith.addi %mul3A_1138, %add3A_1139 : i32
      %swap3A_1141 = arith.index_cast %add3A_1140 : i32 to index
      %swap3A_1142 = arith.constant 32 : index
      %swap3A_1143 = tpu.vector_load %arg10[%swap3A_1141, %swap3A_1142] {strides = array<i32>} : memref<128x128xf32, #tpu.memory_space<vmem>>, vector<1x16xf32>,
      %swap3A_1144 = vector.shape_cast %swap3A_1143 : vector<1x16xf32> to vector<16xf32>
      %swap3A_1145 = vector.shape_cast %mul3A_1136 : vector<16xf32> to vector<1x16xf32>
      tpu.vector_store %arg10[%swap3A_1141, %swap3A_1142], %swap3A_1145 {strides = array<i32>} : memref<128x128xf32, #tpu.memory_space<vmem>>, vector<1x16xf32>,
      %mul3A_1146 = arith.mulf %scan3A_861#11, %div3A_1035 : vector<16xf32>
      %mul3A_1147 = arith.constant 2 : i32
      %mul3A_1148 = arith.muli %add3A_824, %mul3A_1147 : i32
      %add3A_1149 = arith.constant 1 : i32
      %add3A_1150 = arith.addi %mul3A_1148, %add3A_1149 : i32
      %swap3A_1151 = arith.index_cast %add3A_1150 : i32 to index
      %swap3A_1152 = arith.constant 48 : index
      %swap3A_1153 = tpu.vector_load %arg10[%swap3A_1151, %swap3A_1152] {strides = array<i32>} : memref<128x128xf32, #tpu.memory_space<vmem>>, vector<1x16xf32>,
      %swap3A_1154 = vector.shape_cast %swap3A_1153 : vector<1x16xf32> to vector<16xf32>
      %swap3A_1155 = vector.shape_cast %mul3A_1146 : vector<16xf32> to vector<1x16xf32>
      tpu.vector_store %arg10[%swap3A_1151, %swap3A_1152], %swap3A_1155 {strides = array<i32>} : memref<128x128xf32, #tpu.memory_space<vmem>>, vector<1x16xf32>,
      %mul3A_1156 = arith.mulf %scan3A_861#12, %div3A_1035 : vector<16xf32>
      %mul3A_1157 = arith.constant 2 : i32
      %mul3A_1158 = arith.muli %add3A_824, %mul3A_1157 : i32
      %add3A_1159 = arith.constant 1 : i32
      %add3A_1160 = arith.addi %mul3A_1158, %add3A_1159 : i32
      %swap3A_1161 = arith.index_cast %add3A_1160 : i32 to index
      %swap3A_1162 = arith.constant 64 : index
      %swap3A_1163 = tpu.vector_load %arg10[%swap3A_1161, %swap3A_1162] {strides = array<i32>} : memref<128x128xf32, #tpu.memory_space<vmem>>, vector<1x16xf32>,
      %swap3A_1164 = vector.shape_cast %swap3A_1163 : vector<1x16xf32> to vector<16xf32>
      %swap3A_1165 = vector.shape_cast %mul3A_1156 : vector<16xf32> to vector<1x16xf32>
      tpu.vector_store %arg10[%swap3A_1161, %swap3A_1162], %swap3A_1165 {strides = array<i32>} : memref<128x128xf32, #tpu.memory_space<vmem>>, vector<1x16xf32>,
      %mul3A_1166 = arith.mulf %scan3A_861#13, %div3A_1035 : vector<16xf32>
      %mul3A_1167 = arith.constant 2 : i32
      %mul3A_1168 = arith.muli %add3A_824, %mul3A_1167 : i32
      %add3A_1169 = arith.constant 1 : i32
      %add3A_1170 = arith.addi %mul3A_1168, %add3A_1169 : i32
      %swap3A_1171 = arith.index_cast %add3A_1170 : i32 to index
      %swap3A_1172 = arith.constant 80 : index
      %swap3A_1173 = tpu.vector_load %arg10[%swap3A_1171, %swap3A_1172] {strides = array<i32>} : memref<128x128xf32, #tpu.memory_space<vmem>>, vector<1x16xf32>,
      %swap3A_1174 = vector.shape_cast %swap3A_1173 : vector<1x16xf32> to vector<16xf32>
      %swap3A_1175 = vector.shape_cast %mul3A_1166 : vector<16xf32> to vector<1x16xf32>
      tpu.vector_store %arg10[%swap3A_1171, %swap3A_1172], %swap3A_1175 {strides = array<i32>} : memref<128x128xf32, #tpu.memory_space<vmem>>, vector<1x16xf32>,
      %mul3A_1176 = arith.mulf %scan3A_861#14, %div3A_1035 : vector<16xf32>
      %mul3A_1177 = arith.constant 2 : i32
      %mul3A_1178 = arith.muli %add3A_824, %mul3A_1177 : i32
      %add3A_1179 = arith.constant 1 : i32
      %add3A_1180 = arith.addi %mul3A_1178, %add3A_1179 : i32
      %swap3A_1181 = arith.index_cast %add3A_1180 : i32 to index
      %swap3A_1182 = arith.constant 96 : index
      %swap3A_1183 = tpu.vector_load %arg10[%swap3A_1181, %swap3A_1182] {strides = array<i32>} : memref<128x128xf32, #tpu.memory_space<vmem>>, vector<1x16xf32>,
      %swap3A_1184 = vector.shape_cast %swap3A_1183 : vector<1x16xf32> to vector<16xf32>
      %swap3A_1185 = vector.shape_cast %mul3A_1176 : vector<16xf32> to vector<1x16xf32>
      tpu.vector_store %arg10[%swap3A_1181, %swap3A_1182], %swap3A_1185 {strides = array<i32>} : memref<128x128xf32, #tpu.memory_space<vmem>>, vector<1x16xf32>,
      %mul3A_1186 = arith.mulf %scan3A_861#15, %div3A_1035 : vector<16xf32>
      %mul3A_1187 = arith.constant 2 : i32
      %mul3A_1188 = arith.muli %add3A_824, %mul3A_1187 : i32
      %add3A_1189 = arith.constant 1 : i32
      %add3A_1190 = arith.addi %mul3A_1188, %add3A_1189 : i32
      %swap3A_1191 = arith.index_cast %add3A_1190 : i32 to index
      %swap3A_1192 = arith.constant 112 : index
      %swap3A_1193 = tpu.vector_load %arg10[%swap3A_1191, %swap3A_1192] {strides = array<i32>} : memref<128x128xf32, #tpu.memory_space<vmem>>, vector<1x16xf32>,
      %swap3A_1194 = vector.shape_cast %swap3A_1193 : vector<1x16xf32> to vector<16xf32>
      %swap3A_1195 = vector.shape_cast %mul3A_1186 : vector<16xf32> to vector<1x16xf32>
      tpu.vector_store %arg10[%swap3A_1191, %swap3A_1192], %swap3A_1195 {strides = array<i32>} : memref<128x128xf32, #tpu.memory_space<vmem>>, vector<1x16xf32>,
      %add3A_1196 = arith.constant 3 : i32
      %add3A_1197 = arith.addi %mul3A_33, %add3A_1196 : i32
      %dma_wait3A_1198 = arith.constant 0 : i32
      %dma_wait3A_1199 = tpu.memref_slice %arg5[%add3A_1197, %dma_wait3A_1198] : memref<64x100xi32, #tpu.memory_space<vmem>> -> memref<1x100xi32, #tpu.memory_space<vmem>>
      %dma_wait3A_1200 = tpu.memref_squeeze %dma_wait3A_1199 : memref<1x100xi32, #tpu.memory_space<vmem>> -> memref<100xi32, #tpu.memory_space<vmem>>
      %dma_wait3A_1201 = arith.constant 0 : i32
      %dma_wait3A_1202 = arith.constant 0 : i32
      %dma_wait3A_1203 = tpu.memref_slice %arg3[%dma_wait3A_1201, %dma_wait3A_1202] : memref<100000x128xf32, #tpu.memory_space<hbm>> -> memref<100000x128xf32, #tpu.memory_space<hbm>>
      tpu.wait_indirect_dma semaphore(%arg11 : memref<!tpu.dma_semaphore, #tpu.memory_space<semaphore_mem>>) src(%dma_wait3A_1203 : memref<100000x128xf32, #tpu.memory_space<hbm>>) dst(%arg9 : memref<100x128xf32, #tpu.memory_space<vmem>>)
      %add3A_1204 = arith.constant 3 : i32
      %add3A_1205 = arith.addi %mul3A_33, %add3A_1204 : i32
      %add3A_1206 = arith.constant 4 : i32
      %add3A_1207 = arith.addi %add3A_1205, %add3A_1206 : i32
      %sub3A_1208 = arith.constant 1 : i32
      %sub3A_1209 = arith.subi %add3A_1207, %sub3A_1208 : i32
      %lt3A_1210 = arith.constant 64 : i32
      %lt3A_1211 = arith.cmpi slt, %sub3A_1209, %lt3A_1210 : i32
      %convert_element_type3A_1212 = arith.extui %lt3A_1211 : i1 to i32
      %cond3A_1213 = arith.constant 0 : i32
      %cond3A_1214 = arith.cmpi ne, %convert_element_type3A_1212, %cond3A_1213 : i32
      scf.if %cond3A_1214 {
        %dma_start3A_1588 = arith.constant 0 : i32
        %dma_start3A_1589 = tpu.memref_slice %arg5[%sub3A_1209, %dma_start3A_1588] : memref<64x100xi32, #tpu.memory_space<vmem>> -> memref<1x100xi32, #tpu.memory_space<vmem>>
        %dma_start3A_1590 = tpu.memref_squeeze %dma_start3A_1589 : memref<1x100xi32, #tpu.memory_space<vmem>> -> memref<100xi32, #tpu.memory_space<vmem>>
        %dma_start3A_1591 = arith.constant 0 : i32
        %dma_start3A_1592 = arith.constant 0 : i32
        %dma_start3A_1593 = tpu.memref_slice %arg3[%dma_start3A_1591, %dma_start3A_1592] : memref<100000x128xf32, #tpu.memory_space<hbm>> -> memref<100000x128xf32, #tpu.memory_space<hbm>>
        tpu.enqueue_indirect_dma source(%dma_start3A_1593 : memref<100000x128xf32, #tpu.memory_space<hbm>>) target(%arg8 : memref<100x128xf32, #tpu.memory_space<vmem>>) offsets(%dma_start3A_1590 : memref<100xi32, #tpu.memory_space<vmem>>) semaphore(%arg11 : memref<!tpu.dma_semaphore, #tpu.memory_space<semaphore_mem>>)
      } else {
      }
      %add3A_1215 = arith.constant 3 : i32
      %add3A_1216 = arith.addi %mul3A_33, %add3A_1215 : i32
      %broadcast_in_dim3A_1217 = arith.constant 0.000000e+00 : f32
      %broadcast_in_dim3A_1218 = vector.broadcast %broadcast_in_dim3A_1217 : f32 to vector<16xf32>
      %broadcast_in_dim3A_1219 = arith.constant 0.000000e+00 : f32
      %broadcast_in_dim3A_1220 = vector.broadcast %broadcast_in_dim3A_1219 : f32 to vector<16xf32>
      %broadcast_in_dim3A_1221 = arith.constant 0.000000e+00 : f32
      %broadcast_in_dim3A_1222 = vector.broadcast %broadcast_in_dim3A_1221 : f32 to vector<16xf32>
      %broadcast_in_dim3A_1223 = arith.constant 0.000000e+00 : f32
      %broadcast_in_dim3A_1224 = vector.broadcast %broadcast_in_dim3A_1223 : f32 to vector<16xf32>
      %broadcast_in_dim3A_1225 = arith.constant 0.000000e+00 : f32
      %broadcast_in_dim3A_1226 = vector.broadcast %broadcast_in_dim3A_1225 : f32 to vector<16xf32>
      %broadcast_in_dim3A_1227 = arith.constant 0.000000e+00 : f32
      %broadcast_in_dim3A_1228 = vector.broadcast %broadcast_in_dim3A_1227 : f32 to vector<16xf32>
      %broadcast_in_dim3A_1229 = arith.constant 0.000000e+00 : f32
      %broadcast_in_dim3A_1230 = vector.broadcast %broadcast_in_dim3A_1229 : f32 to vector<16xf32>
      %broadcast_in_dim3A_1231 = arith.constant 0.000000e+00 : f32
      %broadcast_in_dim3A_1232 = vector.broadcast %broadcast_in_dim3A_1231 : f32 to vector<16xf32>
      %broadcast_in_dim3A_1233 = arith.constant 0.000000e+00 : f32
      %broadcast_in_dim3A_1234 = vector.broadcast %broadcast_in_dim3A_1233 : f32 to vector<16xf32>
      %broadcast_in_dim3A_1235 = arith.constant 0.000000e+00 : f32
      %broadcast_in_dim3A_1236 = vector.broadcast %broadcast_in_dim3A_1235 : f32 to vector<16xf32>
      %broadcast_in_dim3A_1237 = arith.constant 0.000000e+00 : f32
      %broadcast_in_dim3A_1238 = vector.broadcast %broadcast_in_dim3A_1237 : f32 to vector<16xf32>
      %broadcast_in_dim3A_1239 = arith.constant 0.000000e+00 : f32
      %broadcast_in_dim3A_1240 = vector.broadcast %broadcast_in_dim3A_1239 : f32 to vector<16xf32>
      %broadcast_in_dim3A_1241 = arith.constant 0.000000e+00 : f32
      %broadcast_in_dim3A_1242 = vector.broadcast %broadcast_in_dim3A_1241 : f32 to vector<16xf32>
      %broadcast_in_dim3A_1243 = arith.constant 0.000000e+00 : f32
      %broadcast_in_dim3A_1244 = vector.broadcast %broadcast_in_dim3A_1243 : f32 to vector<16xf32>
      %broadcast_in_dim3A_1245 = arith.constant 0.000000e+00 : f32
      %broadcast_in_dim3A_1246 = vector.broadcast %broadcast_in_dim3A_1245 : f32 to vector<16xf32>
      %broadcast_in_dim3A_1247 = arith.constant 0.000000e+00 : f32
      %broadcast_in_dim3A_1248 = vector.broadcast %broadcast_in_dim3A_1247 : f32 to vector<16xf32>
      %scan3A_1249 = arith.constant 0 : i32
      %scan3A_1250 = arith.constant 25 : i32
      %scan3A_1251 = arith.addi %scan3A_1249, %scan3A_1250 : i32
      %scan3A_1252 = arith.constant 1 : i32
      %scan3A_1253:16 = scf.for %scan3A_1588 = %scan3A_1249 to %scan3A_1251 step %scan3A_1252 iter_args(%scan3A_1589 = %broadcast_in_dim3A_1218, %scan3A_1590 = %broadcast_in_dim3A_1220, %scan3A_1591 = %broadcast_in_dim3A_1222, %scan3A_1592 = %broadcast_in_dim3A_1224, %scan3A_1593 = %broadcast_in_dim3A_1226, %scan3A_1594 = %broadcast_in_dim3A_1228, %scan3A_1595 = %broadcast_in_dim3A_1230, %scan3A_1596 = %broadcast_in_dim3A_1232, %scan3A_1597 = %broadcast_in_dim3A_1234, %scan3A_1598 = %broadcast_in_dim3A_1236, %scan3A_1599 = %broadcast_in_dim3A_1238, %scan3A_1600 = %broadcast_in_dim3A_1240, %scan3A_1601 = %broadcast_in_dim3A_1242, %scan3A_1602 = %broadcast_in_dim3A_1244, %scan3A_1603 = %broadcast_in_dim3A_1246, %scan3A_1604 = %broadcast_in_dim3A_1248) -> (vector<16xf32>, vector<16xf32>, vector<16xf32>, vector<16xf32>, vector<16xf32>, vector<16xf32>, vector<16xf32>, vector<16xf32>, vector<16xf32>, vector<16xf32>, vector<16xf32>, vector<16xf32>, vector<16xf32>, vector<16xf32>, vector<16xf32>, vector<16xf32>)  : i32 {
        %mul3A_1605 = arith.constant 2 : i32
        %mul3A_1606 = arith.muli %scan3A_1588, %mul3A_1605 : i32
        %add3A_1607 = arith.constant 0 : i32
        %add3A_1608 = arith.addi %mul3A_1606, %add3A_1607 : i32
        %add3A_1609 = arith.constant 0 : i32
        %add3A_1610 = arith.addi %add3A_1609, %add3A_1608 : i32
        %get3A_1611 = arith.index_cast %add3A_1610 : i32 to index
        %get3A_1612 = arith.constant 0 : index
        %get3A_1613 = tpu.vector_load %arg9[%get3A_1611, %get3A_1612] {strides = array<i32>} : memref<100x128xf32, #tpu.memory_space<vmem>>, vector<1x16xf32>,
        %get3A_1614 = vector.shape_cast %get3A_1613 : vector<1x16xf32> to vector<16xf32>
        %add3A_1615 = arith.addf %scan3A_1589, %get3A_1614 : vector<16xf32>
        %add3A_1616 = arith.constant 0 : i32
        %add3A_1617 = arith.addi %add3A_1616, %add3A_1608 : i32
        %get3A_1618 = arith.index_cast %add3A_1617 : i32 to index
        %get3A_1619 = arith.constant 16 : index
        %get3A_1620 = tpu.vector_load %arg9[%get3A_1618, %get3A_1619] {strides = array<i32>} : memref<100x128xf32, #tpu.memory_space<vmem>>, vector<1x16xf32>,
        %get3A_1621 = vector.shape_cast %get3A_1620 : vector<1x16xf32> to vector<16xf32>
        %add3A_1622 = arith.addf %scan3A_1590, %get3A_1621 : vector<16xf32>
        %add3A_1623 = arith.constant 0 : i32
        %add3A_1624 = arith.addi %add3A_1623, %add3A_1608 : i32
        %get3A_1625 = arith.index_cast %add3A_1624 : i32 to index
        %get3A_1626 = arith.constant 32 : index
        %get3A_1627 = tpu.vector_load %arg9[%get3A_1625, %get3A_1626] {strides = array<i32>} : memref<100x128xf32, #tpu.memory_space<vmem>>, vector<1x16xf32>,
        %get3A_1628 = vector.shape_cast %get3A_1627 : vector<1x16xf32> to vector<16xf32>
        %add3A_1629 = arith.addf %scan3A_1591, %get3A_1628 : vector<16xf32>
        %add3A_1630 = arith.constant 0 : i32
        %add3A_1631 = arith.addi %add3A_1630, %add3A_1608 : i32
        %get3A_1632 = arith.index_cast %add3A_1631 : i32 to index
        %get3A_1633 = arith.constant 48 : index
        %get3A_1634 = tpu.vector_load %arg9[%get3A_1632, %get3A_1633] {strides = array<i32>} : memref<100x128xf32, #tpu.memory_space<vmem>>, vector<1x16xf32>,
        %get3A_1635 = vector.shape_cast %get3A_1634 : vector<1x16xf32> to vector<16xf32>
        %add3A_1636 = arith.addf %scan3A_1592, %get3A_1635 : vector<16xf32>
        %add3A_1637 = arith.constant 0 : i32
        %add3A_1638 = arith.addi %add3A_1637, %add3A_1608 : i32
        %get3A_1639 = arith.index_cast %add3A_1638 : i32 to index
        %get3A_1640 = arith.constant 64 : index
        %get3A_1641 = tpu.vector_load %arg9[%get3A_1639, %get3A_1640] {strides = array<i32>} : memref<100x128xf32, #tpu.memory_space<vmem>>, vector<1x16xf32>,
        %get3A_1642 = vector.shape_cast %get3A_1641 : vector<1x16xf32> to vector<16xf32>
        %add3A_1643 = arith.addf %scan3A_1593, %get3A_1642 : vector<16xf32>
        %add3A_1644 = arith.constant 0 : i32
        %add3A_1645 = arith.addi %add3A_1644, %add3A_1608 : i32
        %get3A_1646 = arith.index_cast %add3A_1645 : i32 to index
        %get3A_1647 = arith.constant 80 : index
        %get3A_1648 = tpu.vector_load %arg9[%get3A_1646, %get3A_1647] {strides = array<i32>} : memref<100x128xf32, #tpu.memory_space<vmem>>, vector<1x16xf32>,
        %get3A_1649 = vector.shape_cast %get3A_1648 : vector<1x16xf32> to vector<16xf32>
        %add3A_1650 = arith.addf %scan3A_1594, %get3A_1649 : vector<16xf32>
        %add3A_1651 = arith.constant 0 : i32
        %add3A_1652 = arith.addi %add3A_1651, %add3A_1608 : i32
        %get3A_1653 = arith.index_cast %add3A_1652 : i32 to index
        %get3A_1654 = arith.constant 96 : index
        %get3A_1655 = tpu.vector_load %arg9[%get3A_1653, %get3A_1654] {strides = array<i32>} : memref<100x128xf32, #tpu.memory_space<vmem>>, vector<1x16xf32>,
        %get3A_1656 = vector.shape_cast %get3A_1655 : vector<1x16xf32> to vector<16xf32>
        %add3A_1657 = arith.addf %scan3A_1595, %get3A_1656 : vector<16xf32>
        %add3A_1658 = arith.constant 0 : i32
        %add3A_1659 = arith.addi %add3A_1658, %add3A_1608 : i32
        %get3A_1660 = arith.index_cast %add3A_1659 : i32 to index
        %get3A_1661 = arith.constant 112 : index
        %get3A_1662 = tpu.vector_load %arg9[%get3A_1660, %get3A_1661] {strides = array<i32>} : memref<100x128xf32, #tpu.memory_space<vmem>>, vector<1x16xf32>,
        %get3A_1663 = vector.shape_cast %get3A_1662 : vector<1x16xf32> to vector<16xf32>
        %add3A_1664 = arith.addf %scan3A_1596, %get3A_1663 : vector<16xf32>
        %add3A_1665 = arith.constant 50 : i32
        %add3A_1666 = arith.addi %add3A_1665, %add3A_1608 : i32
        %get3A_1667 = arith.index_cast %add3A_1666 : i32 to index
        %get3A_1668 = arith.constant 0 : index
        %get3A_1669 = tpu.vector_load %arg9[%get3A_1667, %get3A_1668] {strides = array<i32>} : memref<100x128xf32, #tpu.memory_space<vmem>>, vector<1x16xf32>,
        %get3A_1670 = vector.shape_cast %get3A_1669 : vector<1x16xf32> to vector<16xf32>
        %add3A_1671 = arith.addf %scan3A_1597, %get3A_1670 : vector<16xf32>
        %add3A_1672 = arith.constant 50 : i32
        %add3A_1673 = arith.addi %add3A_1672, %add3A_1608 : i32
        %get3A_1674 = arith.index_cast %add3A_1673 : i32 to index
        %get3A_1675 = arith.constant 16 : index
        %get3A_1676 = tpu.vector_load %arg9[%get3A_1674, %get3A_1675] {strides = array<i32>} : memref<100x128xf32, #tpu.memory_space<vmem>>, vector<1x16xf32>,
        %get3A_1677 = vector.shape_cast %get3A_1676 : vector<1x16xf32> to vector<16xf32>
        %add3A_1678 = arith.addf %scan3A_1598, %get3A_1677 : vector<16xf32>
        %add3A_1679 = arith.constant 50 : i32
        %add3A_1680 = arith.addi %add3A_1679, %add3A_1608 : i32
        %get3A_1681 = arith.index_cast %add3A_1680 : i32 to index
        %get3A_1682 = arith.constant 32 : index
        %get3A_1683 = tpu.vector_load %arg9[%get3A_1681, %get3A_1682] {strides = array<i32>} : memref<100x128xf32, #tpu.memory_space<vmem>>, vector<1x16xf32>,
        %get3A_1684 = vector.shape_cast %get3A_1683 : vector<1x16xf32> to vector<16xf32>
        %add3A_1685 = arith.addf %scan3A_1599, %get3A_1684 : vector<16xf32>
        %add3A_1686 = arith.constant 50 : i32
        %add3A_1687 = arith.addi %add3A_1686, %add3A_1608 : i32
        %get3A_1688 = arith.index_cast %add3A_1687 : i32 to index
        %get3A_1689 = arith.constant 48 : index
        %get3A_1690 = tpu.vector_load %arg9[%get3A_1688, %get3A_1689] {strides = array<i32>} : memref<100x128xf32, #tpu.memory_space<vmem>>, vector<1x16xf32>,
        %get3A_1691 = vector.shape_cast %get3A_1690 : vector<1x16xf32> to vector<16xf32>
        %add3A_1692 = arith.addf %scan3A_1600, %get3A_1691 : vector<16xf32>
        %add3A_1693 = arith.constant 50 : i32
        %add3A_1694 = arith.addi %add3A_1693, %add3A_1608 : i32
        %get3A_1695 = arith.index_cast %add3A_1694 : i32 to index
        %get3A_1696 = arith.constant 64 : index
        %get3A_1697 = tpu.vector_load %arg9[%get3A_1695, %get3A_1696] {strides = array<i32>} : memref<100x128xf32, #tpu.memory_space<vmem>>, vector<1x16xf32>,
        %get3A_1698 = vector.shape_cast %get3A_1697 : vector<1x16xf32> to vector<16xf32>
        %add3A_1699 = arith.addf %scan3A_1601, %get3A_1698 : vector<16xf32>
        %add3A_1700 = arith.constant 50 : i32
        %add3A_1701 = arith.addi %add3A_1700, %add3A_1608 : i32
        %get3A_1702 = arith.index_cast %add3A_1701 : i32 to index
        %get3A_1703 = arith.constant 80 : index
        %get3A_1704 = tpu.vector_load %arg9[%get3A_1702, %get3A_1703] {strides = array<i32>} : memref<100x128xf32, #tpu.memory_space<vmem>>, vector<1x16xf32>,
        %get3A_1705 = vector.shape_cast %get3A_1704 : vector<1x16xf32> to vector<16xf32>
        %add3A_1706 = arith.addf %scan3A_1602, %get3A_1705 : vector<16xf32>
        %add3A_1707 = arith.constant 50 : i32
        %add3A_1708 = arith.addi %add3A_1707, %add3A_1608 : i32
        %get3A_1709 = arith.index_cast %add3A_1708 : i32 to index
        %get3A_1710 = arith.constant 96 : index
        %get3A_1711 = tpu.vector_load %arg9[%get3A_1709, %get3A_1710] {strides = array<i32>} : memref<100x128xf32, #tpu.memory_space<vmem>>, vector<1x16xf32>,
        %get3A_1712 = vector.shape_cast %get3A_1711 : vector<1x16xf32> to vector<16xf32>
        %add3A_1713 = arith.addf %scan3A_1603, %get3A_1712 : vector<16xf32>
        %add3A_1714 = arith.constant 50 : i32
        %add3A_1715 = arith.addi %add3A_1714, %add3A_1608 : i32
        %get3A_1716 = arith.index_cast %add3A_1715 : i32 to index
        %get3A_1717 = arith.constant 112 : index
        %get3A_1718 = tpu.vector_load %arg9[%get3A_1716, %get3A_1717] {strides = array<i32>} : memref<100x128xf32, #tpu.memory_space<vmem>>, vector<1x16xf32>,
        %get3A_1719 = vector.shape_cast %get3A_1718 : vector<1x16xf32> to vector<16xf32>
        %add3A_1720 = arith.addf %scan3A_1604, %get3A_1719 : vector<16xf32>
        %mul3A_1721 = arith.constant 2 : i32
        %mul3A_1722 = arith.muli %scan3A_1588, %mul3A_1721 : i32
        %add3A_1723 = arith.constant 1 : i32
        %add3A_1724 = arith.addi %mul3A_1722, %add3A_1723 : i32
        %add3A_1725 = arith.constant 0 : i32
        %add3A_1726 = arith.addi %add3A_1725, %add3A_1724 : i32
        %get3A_1727 = arith.index_cast %add3A_1726 : i32 to index
        %get3A_1728 = arith.constant 0 : index
        %get3A_1729 = tpu.vector_load %arg9[%get3A_1727, %get3A_1728] {strides = array<i32>} : memref<100x128xf32, #tpu.memory_space<vmem>>, vector<1x16xf32>,
        %get3A_1730 = vector.shape_cast %get3A_1729 : vector<1x16xf32> to vector<16xf32>
        %add3A_1731 = arith.addf %add3A_1615, %get3A_1730 : vector<16xf32>
        %add3A_1732 = arith.constant 0 : i32
        %add3A_1733 = arith.addi %add3A_1732, %add3A_1724 : i32
        %get3A_1734 = arith.index_cast %add3A_1733 : i32 to index
        %get3A_1735 = arith.constant 16 : index
        %get3A_1736 = tpu.vector_load %arg9[%get3A_1734, %get3A_1735] {strides = array<i32>} : memref<100x128xf32, #tpu.memory_space<vmem>>, vector<1x16xf32>,
        %get3A_1737 = vector.shape_cast %get3A_1736 : vector<1x16xf32> to vector<16xf32>
        %add3A_1738 = arith.addf %add3A_1622, %get3A_1737 : vector<16xf32>
        %add3A_1739 = arith.constant 0 : i32
        %add3A_1740 = arith.addi %add3A_1739, %add3A_1724 : i32
        %get3A_1741 = arith.index_cast %add3A_1740 : i32 to index
        %get3A_1742 = arith.constant 32 : index
        %get3A_1743 = tpu.vector_load %arg9[%get3A_1741, %get3A_1742] {strides = array<i32>} : memref<100x128xf32, #tpu.memory_space<vmem>>, vector<1x16xf32>,
        %get3A_1744 = vector.shape_cast %get3A_1743 : vector<1x16xf32> to vector<16xf32>
        %add3A_1745 = arith.addf %add3A_1629, %get3A_1744 : vector<16xf32>
        %add3A_1746 = arith.constant 0 : i32
        %add3A_1747 = arith.addi %add3A_1746, %add3A_1724 : i32
        %get3A_1748 = arith.index_cast %add3A_1747 : i32 to index
        %get3A_1749 = arith.constant 48 : index
        %get3A_1750 = tpu.vector_load %arg9[%get3A_1748, %get3A_1749] {strides = array<i32>} : memref<100x128xf32, #tpu.memory_space<vmem>>, vector<1x16xf32>,
        %get3A_1751 = vector.shape_cast %get3A_1750 : vector<1x16xf32> to vector<16xf32>
        %add3A_1752 = arith.addf %add3A_1636, %get3A_1751 : vector<16xf32>
        %add3A_1753 = arith.constant 0 : i32
        %add3A_1754 = arith.addi %add3A_1753, %add3A_1724 : i32
        %get3A_1755 = arith.index_cast %add3A_1754 : i32 to index
        %get3A_1756 = arith.constant 64 : index
        %get3A_1757 = tpu.vector_load %arg9[%get3A_1755, %get3A_1756] {strides = array<i32>} : memref<100x128xf32, #tpu.memory_space<vmem>>, vector<1x16xf32>,
        %get3A_1758 = vector.shape_cast %get3A_1757 : vector<1x16xf32> to vector<16xf32>
        %add3A_1759 = arith.addf %add3A_1643, %get3A_1758 : vector<16xf32>
        %add3A_1760 = arith.constant 0 : i32
        %add3A_1761 = arith.addi %add3A_1760, %add3A_1724 : i32
        %get3A_1762 = arith.index_cast %add3A_1761 : i32 to index
        %get3A_1763 = arith.constant 80 : index
        %get3A_1764 = tpu.vector_load %arg9[%get3A_1762, %get3A_1763] {strides = array<i32>} : memref<100x128xf32, #tpu.memory_space<vmem>>, vector<1x16xf32>,
        %get3A_1765 = vector.shape_cast %get3A_1764 : vector<1x16xf32> to vector<16xf32>
        %add3A_1766 = arith.addf %add3A_1650, %get3A_1765 : vector<16xf32>
        %add3A_1767 = arith.constant 0 : i32
        %add3A_1768 = arith.addi %add3A_1767, %add3A_1724 : i32
        %get3A_1769 = arith.index_cast %add3A_1768 : i32 to index
        %get3A_1770 = arith.constant 96 : index
        %get3A_1771 = tpu.vector_load %arg9[%get3A_1769, %get3A_1770] {strides = array<i32>} : memref<100x128xf32, #tpu.memory_space<vmem>>, vector<1x16xf32>,
        %get3A_1772 = vector.shape_cast %get3A_1771 : vector<1x16xf32> to vector<16xf32>
        %add3A_1773 = arith.addf %add3A_1657, %get3A_1772 : vector<16xf32>
        %add3A_1774 = arith.constant 0 : i32
        %add3A_1775 = arith.addi %add3A_1774, %add3A_1724 : i32
        %get3A_1776 = arith.index_cast %add3A_1775 : i32 to index
        %get3A_1777 = arith.constant 112 : index
        %get3A_1778 = tpu.vector_load %arg9[%get3A_1776, %get3A_1777] {strides = array<i32>} : memref<100x128xf32, #tpu.memory_space<vmem>>, vector<1x16xf32>,
        %get3A_1779 = vector.shape_cast %get3A_1778 : vector<1x16xf32> to vector<16xf32>
        %add3A_1780 = arith.addf %add3A_1664, %get3A_1779 : vector<16xf32>
        %add3A_1781 = arith.constant 50 : i32
        %add3A_1782 = arith.addi %add3A_1781, %add3A_1724 : i32
        %get3A_1783 = arith.index_cast %add3A_1782 : i32 to index
        %get3A_1784 = arith.constant 0 : index
        %get3A_1785 = tpu.vector_load %arg9[%get3A_1783, %get3A_1784] {strides = array<i32>} : memref<100x128xf32, #tpu.memory_space<vmem>>, vector<1x16xf32>,
        %get3A_1786 = vector.shape_cast %get3A_1785 : vector<1x16xf32> to vector<16xf32>
        %add3A_1787 = arith.addf %add3A_1671, %get3A_1786 : vector<16xf32>
        %add3A_1788 = arith.constant 50 : i32
        %add3A_1789 = arith.addi %add3A_1788, %add3A_1724 : i32
        %get3A_1790 = arith.index_cast %add3A_1789 : i32 to index
        %get3A_1791 = arith.constant 16 : index
        %get3A_1792 = tpu.vector_load %arg9[%get3A_1790, %get3A_1791] {strides = array<i32>} : memref<100x128xf32, #tpu.memory_space<vmem>>, vector<1x16xf32>,
        %get3A_1793 = vector.shape_cast %get3A_1792 : vector<1x16xf32> to vector<16xf32>
        %add3A_1794 = arith.addf %add3A_1678, %get3A_1793 : vector<16xf32>
        %add3A_1795 = arith.constant 50 : i32
        %add3A_1796 = arith.addi %add3A_1795, %add3A_1724 : i32
        %get3A_1797 = arith.index_cast %add3A_1796 : i32 to index
        %get3A_1798 = arith.constant 32 : index
        %get3A_1799 = tpu.vector_load %arg9[%get3A_1797, %get3A_1798] {strides = array<i32>} : memref<100x128xf32, #tpu.memory_space<vmem>>, vector<1x16xf32>,
        %get3A_1800 = vector.shape_cast %get3A_1799 : vector<1x16xf32> to vector<16xf32>
        %add3A_1801 = arith.addf %add3A_1685, %get3A_1800 : vector<16xf32>
        %add3A_1802 = arith.constant 50 : i32
        %add3A_1803 = arith.addi %add3A_1802, %add3A_1724 : i32
        %get3A_1804 = arith.index_cast %add3A_1803 : i32 to index
        %get3A_1805 = arith.constant 48 : index
        %get3A_1806 = tpu.vector_load %arg9[%get3A_1804, %get3A_1805] {strides = array<i32>} : memref<100x128xf32, #tpu.memory_space<vmem>>, vector<1x16xf32>,
        %get3A_1807 = vector.shape_cast %get3A_1806 : vector<1x16xf32> to vector<16xf32>
        %add3A_1808 = arith.addf %add3A_1692, %get3A_1807 : vector<16xf32>
        %add3A_1809 = arith.constant 50 : i32
        %add3A_1810 = arith.addi %add3A_1809, %add3A_1724 : i32
        %get3A_1811 = arith.index_cast %add3A_1810 : i32 to index
        %get3A_1812 = arith.constant 64 : index
        %get3A_1813 = tpu.vector_load %arg9[%get3A_1811, %get3A_1812] {strides = array<i32>} : memref<100x128xf32, #tpu.memory_space<vmem>>, vector<1x16xf32>,
        %get3A_1814 = vector.shape_cast %get3A_1813 : vector<1x16xf32> to vector<16xf32>
        %add3A_1815 = arith.addf %add3A_1699, %get3A_1814 : vector<16xf32>
        %add3A_1816 = arith.constant 50 : i32
        %add3A_1817 = arith.addi %add3A_1816, %add3A_1724 : i32
        %get3A_1818 = arith.index_cast %add3A_1817 : i32 to index
        %get3A_1819 = arith.constant 80 : index
        %get3A_1820 = tpu.vector_load %arg9[%get3A_1818, %get3A_1819] {strides = array<i32>} : memref<100x128xf32, #tpu.memory_space<vmem>>, vector<1x16xf32>,
        %get3A_1821 = vector.shape_cast %get3A_1820 : vector<1x16xf32> to vector<16xf32>
        %add3A_1822 = arith.addf %add3A_1706, %get3A_1821 : vector<16xf32>
        %add3A_1823 = arith.constant 50 : i32
        %add3A_1824 = arith.addi %add3A_1823, %add3A_1724 : i32
        %get3A_1825 = arith.index_cast %add3A_1824 : i32 to index
        %get3A_1826 = arith.constant 96 : index
        %get3A_1827 = tpu.vector_load %arg9[%get3A_1825, %get3A_1826] {strides = array<i32>} : memref<100x128xf32, #tpu.memory_space<vmem>>, vector<1x16xf32>,
        %get3A_1828 = vector.shape_cast %get3A_1827 : vector<1x16xf32> to vector<16xf32>
        %add3A_1829 = arith.addf %add3A_1713, %get3A_1828 : vector<16xf32>
        %add3A_1830 = arith.constant 50 : i32
        %add3A_1831 = arith.addi %add3A_1830, %add3A_1724 : i32
        %get3A_1832 = arith.index_cast %add3A_1831 : i32 to index
        %get3A_1833 = arith.constant 112 : index
        %get3A_1834 = tpu.vector_load %arg9[%get3A_1832, %get3A_1833] {strides = array<i32>} : memref<100x128xf32, #tpu.memory_space<vmem>>, vector<1x16xf32>,
        %get3A_1835 = vector.shape_cast %get3A_1834 : vector<1x16xf32> to vector<16xf32>
        %add3A_1836 = arith.addf %add3A_1720, %get3A_1835 : vector<16xf32>
        scf.yield %add3A_1731, %add3A_1738, %add3A_1745, %add3A_1752, %add3A_1759, %add3A_1766, %add3A_1773, %add3A_1780, %add3A_1787, %add3A_1794, %add3A_1801, %add3A_1808, %add3A_1815, %add3A_1822, %add3A_1829, %add3A_1836 : vector<16xf32>, vector<16xf32>, vector<16xf32>, vector<16xf32>, vector<16xf32>, vector<16xf32>, vector<16xf32>, vector<16xf32>, vector<16xf32>, vector<16xf32>, vector<16xf32>, vector<16xf32>, vector<16xf32>, vector<16xf32>, vector<16xf32>, vector<16xf32>
      }
      %scan3A_1254 = arith.constant 25 : i32
      %get3A_1255 = arith.index_cast %add3A_1216 : i32 to index
      %get3A_1256 = arith.constant 0 : index
      %get3A_1257 = tpu.vector_load %arg5[%get3A_1255, %get3A_1256] {strides = array<i32>} : memref<64x100xi32, #tpu.memory_space<vmem>>, vector<1x16xi32>,
      %get3A_1258 = vector.shape_cast %get3A_1257 : vector<1x16xi32> to vector<16xi32>
      %ne3A_1259 = arith.constant 0 : i32
      %ne3A_1260 = vector.broadcast %ne3A_1259 : i32 to vector<16xi32>
      %ne3A_1261 = arith.cmpi ne, %get3A_1258, %ne3A_1260 : vector<16xi32>
      %select_n3A_1262 = arith.select %ne3A_1261, %broadcast_in_dim3A_3, %broadcast_in_dim3A_5 : vector<16xi1>, vector<16xf32>
      %get3A_1263 = arith.index_cast %add3A_1216 : i32 to index
      %get3A_1264 = arith.constant 16 : index
      %get3A_1265 = tpu.vector_load %arg5[%get3A_1263, %get3A_1264] {strides = array<i32>} : memref<64x100xi32, #tpu.memory_space<vmem>>, vector<1x16xi32>,
      %get3A_1266 = vector.shape_cast %get3A_1265 : vector<1x16xi32> to vector<16xi32>
      %ne3A_1267 = arith.constant 0 : i32
      %ne3A_1268 = vector.broadcast %ne3A_1267 : i32 to vector<16xi32>
      %ne3A_1269 = arith.cmpi ne, %get3A_1266, %ne3A_1268 : vector<16xi32>
      %select_n3A_1270 = arith.select %ne3A_1269, %broadcast_in_dim3A_3, %broadcast_in_dim3A_5 : vector<16xi1>, vector<16xf32>
      %get3A_1271 = arith.index_cast %add3A_1216 : i32 to index
      %get3A_1272 = arith.constant 32 : index
      %get3A_1273 = tpu.vector_load %arg5[%get3A_1271, %get3A_1272] {strides = array<i32>} : memref<64x100xi32, #tpu.memory_space<vmem>>, vector<1x16xi32>,
      %get3A_1274 = vector.shape_cast %get3A_1273 : vector<1x16xi32> to vector<16xi32>
      %ne3A_1275 = arith.constant 0 : i32
      %ne3A_1276 = vector.broadcast %ne3A_1275 : i32 to vector<16xi32>
      %ne3A_1277 = arith.cmpi ne, %get3A_1274, %ne3A_1276 : vector<16xi32>
      %select_n3A_1278 = arith.select %ne3A_1277, %broadcast_in_dim3A_3, %broadcast_in_dim3A_5 : vector<16xi1>, vector<16xf32>
      %get3A_1279 = arith.index_cast %add3A_1216 : i32 to index
      %get3A_1280 = arith.constant 48 : index
      %get3A_1281 = tpu.vector_load %arg5[%get3A_1279, %get3A_1280] {strides = array<i32>} : memref<64x100xi32, #tpu.memory_space<vmem>>, vector<1x16xi32>,
      %get3A_1282 = vector.shape_cast %get3A_1281 : vector<1x16xi32> to vector<16xi32>
      %ne3A_1283 = arith.constant 0 : i32
      %ne3A_1284 = vector.broadcast %ne3A_1283 : i32 to vector<16xi32>
      %ne3A_1285 = arith.cmpi ne, %get3A_1282, %ne3A_1284 : vector<16xi32>
      %select_n3A_1286 = arith.select %ne3A_1285, %broadcast_in_dim3A_3, %broadcast_in_dim3A_5 : vector<16xi1>, vector<16xf32>
      %get3A_1287 = arith.index_cast %add3A_1216 : i32 to index
      %get3A_1288 = arith.constant 64 : index
      %get3A_1289 = tpu.vector_load %arg5[%get3A_1287, %get3A_1288] {strides = array<i32>} : memref<64x100xi32, #tpu.memory_space<vmem>>, vector<1x16xi32>,
      %get3A_1290 = vector.shape_cast %get3A_1289 : vector<1x16xi32> to vector<16xi32>
      %ne3A_1291 = arith.constant 0 : i32
      %ne3A_1292 = vector.broadcast %ne3A_1291 : i32 to vector<16xi32>
      %ne3A_1293 = arith.cmpi ne, %get3A_1290, %ne3A_1292 : vector<16xi32>
      %select_n3A_1294 = arith.select %ne3A_1293, %broadcast_in_dim3A_3, %broadcast_in_dim3A_5 : vector<16xi1>, vector<16xf32>
      %get3A_1295 = arith.index_cast %add3A_1216 : i32 to index
      %get3A_1296 = arith.constant 80 : index
      %get3A_1297 = tpu.vector_load %arg5[%get3A_1295, %get3A_1296] {strides = array<i32>} : memref<64x100xi32, #tpu.memory_space<vmem>>, vector<1x16xi32>,
      %get3A_1298 = vector.shape_cast %get3A_1297 : vector<1x16xi32> to vector<16xi32>
      %ne3A_1299 = arith.constant 0 : i32
      %ne3A_1300 = vector.broadcast %ne3A_1299 : i32 to vector<16xi32>
      %ne3A_1301 = arith.cmpi ne, %get3A_1298, %ne3A_1300 : vector<16xi32>
      %select_n3A_1302 = arith.select %ne3A_1301, %broadcast_in_dim3A_3, %broadcast_in_dim3A_5 : vector<16xi1>, vector<16xf32>
      %get3A_1303 = arith.index_cast %add3A_1216 : i32 to index
      %get3A_1304 = arith.constant 84 : index
      %get3A_1305 = tpu.vector_load %arg5[%get3A_1303, %get3A_1304] {strides = array<i32>} : memref<64x100xi32, #tpu.memory_space<vmem>>, vector<1x16xi32>,
      %get3A_1306 = vector.shape_cast %get3A_1305 : vector<1x16xi32> to vector<16xi32>
      %ne3A_1307 = arith.constant 0 : i32
      %ne3A_1308 = vector.broadcast %ne3A_1307 : i32 to vector<16xi32>
      %ne3A_1309 = arith.cmpi ne, %get3A_1306, %ne3A_1308 : vector<16xi32>
      %select_n3A_1310 = arith.select %ne3A_1309, %broadcast_in_dim3A_3, %broadcast_in_dim3A_5 : vector<16xi1>, vector<16xf32>
      %lt3A_1311 = arith.constant 2 : i32
      %lt3A_1312 = vector.broadcast %lt3A_1311 : i32 to vector<16xi32>
      %lt3A_1313 = arith.cmpi slt, %iota3A, %lt3A_1312 : vector<16xi32>
      %select_n3A_1314 = arith.select %lt3A_1313, %select_n3A_1286, %broadcast_in_dim3A_5 : vector<16xi1>, vector<16xf32>
      %ge3A_1315 = arith.constant 12 : i32
      %ge3A_1316 = vector.broadcast %ge3A_1315 : i32 to vector<16xi32>
      %ge3A_1317 = arith.cmpi sge, %iota3A, %ge3A_1316 : vector<16xi32>
      %select_n3A_1318 = arith.select %ge3A_1317, %select_n3A_1310, %broadcast_in_dim3A_5 : vector<16xi1>, vector<16xf32>
      %add3A_1319 = arith.addf %select_n3A_1262, %select_n3A_1270 : vector<16xf32>
      %add3A_1320 = arith.addf %add3A_1319, %select_n3A_1278 : vector<16xf32>
      %add3A_1321 = arith.addf %add3A_1320, %select_n3A_1314 : vector<16xf32>
      %sub3A_1322 = arith.subf %select_n3A_1286, %select_n3A_1314 : vector<16xf32>
      %add3A_1323 = arith.addf %sub3A_1322, %select_n3A_1294 : vector<16xf32>
      %add3A_1324 = arith.addf %add3A_1323, %select_n3A_1302 : vector<16xf32>
      %add3A_1325 = arith.addf %add3A_1324, %select_n3A_1318 : vector<16xf32>
      %slice3A_1326 = vector.extract_strided_slice %add3A_1321 {offsets = [0], sizes = [1], strides = [1]} : vector<16xf32> to vector<1xf32>
      %squeeze3A_1327 = vector.extract %slice3A_1326[0] : f32 from vector<1xf32>
      %slice3A_1328 = vector.extract_strided_slice %add3A_1321 {offsets = [1], sizes = [1], strides = [1]} : vector<16xf32> to vector<1xf32>
      %squeeze3A_1329 = vector.extract %slice3A_1328[0] : f32 from vector<1xf32>
      %add3A_1330 = arith.addf %squeeze3A_1327, %squeeze3A_1329 : f32
      %slice3A_1331 = vector.extract_strided_slice %add3A_1321 {offsets = [2], sizes = [1], strides = [1]} : vector<16xf32> to vector<1xf32>
      %squeeze3A_1332 = vector.extract %slice3A_1331[0] : f32 from vector<1xf32>
      %add3A_1333 = arith.addf %add3A_1330, %squeeze3A_1332 : f32
      %slice3A_1334 = vector.extract_strided_slice %add3A_1321 {offsets = [3], sizes = [1], strides = [1]} : vector<16xf32> to vector<1xf32>
      %squeeze3A_1335 = vector.extract %slice3A_1334[0] : f32 from vector<1xf32>
      %add3A_1336 = arith.addf %add3A_1333, %squeeze3A_1335 : f32
      %slice3A_1337 = vector.extract_strided_slice %add3A_1321 {offsets = [4], sizes = [1], strides = [1]} : vector<16xf32> to vector<1xf32>
      %squeeze3A_1338 = vector.extract %slice3A_1337[0] : f32 from vector<1xf32>
      %add3A_1339 = arith.addf %add3A_1336, %squeeze3A_1338 : f32
      %slice3A_1340 = vector.extract_strided_slice %add3A_1321 {offsets = [5], sizes = [1], strides = [1]} : vector<16xf32> to vector<1xf32>
      %squeeze3A_1341 = vector.extract %slice3A_1340[0] : f32 from vector<1xf32>
      %add3A_1342 = arith.addf %add3A_1339, %squeeze3A_1341 : f32
      %slice3A_1343 = vector.extract_strided_slice %add3A_1321 {offsets = [6], sizes = [1], strides = [1]} : vector<16xf32> to vector<1xf32>
      %squeeze3A_1344 = vector.extract %slice3A_1343[0] : f32 from vector<1xf32>
      %add3A_1345 = arith.addf %add3A_1342, %squeeze3A_1344 : f32
      %slice3A_1346 = vector.extract_strided_slice %add3A_1321 {offsets = [7], sizes = [1], strides = [1]} : vector<16xf32> to vector<1xf32>
      %squeeze3A_1347 = vector.extract %slice3A_1346[0] : f32 from vector<1xf32>
      %add3A_1348 = arith.addf %add3A_1345, %squeeze3A_1347 : f32
      %slice3A_1349 = vector.extract_strided_slice %add3A_1321 {offsets = [8], sizes = [1], strides = [1]} : vector<16xf32> to vector<1xf32>
      %squeeze3A_1350 = vector.extract %slice3A_1349[0] : f32 from vector<1xf32>
      %add3A_1351 = arith.addf %add3A_1348, %squeeze3A_1350 : f32
      %slice3A_1352 = vector.extract_strided_slice %add3A_1321 {offsets = [9], sizes = [1], strides = [1]} : vector<16xf32> to vector<1xf32>
      %squeeze3A_1353 = vector.extract %slice3A_1352[0] : f32 from vector<1xf32>
      %add3A_1354 = arith.addf %add3A_1351, %squeeze3A_1353 : f32
      %slice3A_1355 = vector.extract_strided_slice %add3A_1321 {offsets = [10], sizes = [1], strides = [1]} : vector<16xf32> to vector<1xf32>
      %squeeze3A_1356 = vector.extract %slice3A_1355[0] : f32 from vector<1xf32>
      %add3A_1357 = arith.addf %add3A_1354, %squeeze3A_1356 : f32
      %slice3A_1358 = vector.extract_strided_slice %add3A_1321 {offsets = [11], sizes = [1], strides = [1]} : vector<16xf32> to vector<1xf32>
      %squeeze3A_1359 = vector.extract %slice3A_1358[0] : f32 from vector<1xf32>
      %add3A_1360 = arith.addf %add3A_1357, %squeeze3A_1359 : f32
      %slice3A_1361 = vector.extract_strided_slice %add3A_1321 {offsets = [12], sizes = [1], strides = [1]} : vector<16xf32> to vector<1xf32>
      %squeeze3A_1362 = vector.extract %slice3A_1361[0] : f32 from vector<1xf32>
      %add3A_1363 = arith.addf %add3A_1360, %squeeze3A_1362 : f32
      %slice3A_1364 = vector.extract_strided_slice %add3A_1321 {offsets = [13], sizes = [1], strides = [1]} : vector<16xf32> to vector<1xf32>
      %squeeze3A_1365 = vector.extract %slice3A_1364[0] : f32 from vector<1xf32>
      %add3A_1366 = arith.addf %add3A_1363, %squeeze3A_1365 : f32
      %slice3A_1367 = vector.extract_strided_slice %add3A_1321 {offsets = [14], sizes = [1], strides = [1]} : vector<16xf32> to vector<1xf32>
      %squeeze3A_1368 = vector.extract %slice3A_1367[0] : f32 from vector<1xf32>
      %add3A_1369 = arith.addf %add3A_1366, %squeeze3A_1368 : f32
      %slice3A_1370 = vector.extract_strided_slice %add3A_1321 {offsets = [15], sizes = [1], strides = [1]} : vector<16xf32> to vector<1xf32>
      %squeeze3A_1371 = vector.extract %slice3A_1370[0] : f32 from vector<1xf32>
      %add3A_1372 = arith.addf %add3A_1369, %squeeze3A_1371 : f32
      %add3A_1373 = vector.broadcast %add3A_1372 : f32 to vector<16xf32>
      %add3A_1374 = arith.addf %broadcast_in_dim3A_5, %add3A_1373 : vector<16xf32>
      %max3A_1375 = arith.maximumf %add3A_1374, %broadcast_in_dim3A_3 : vector<16xf32>
      %div3A_1376 = arith.divf %broadcast_in_dim3A_3, %max3A_1375 : vector<16xf32>
      %slice3A_1377 = vector.extract_strided_slice %add3A_1325 {offsets = [0], sizes = [1], strides = [1]} : vector<16xf32> to vector<1xf32>
      %squeeze3A_1378 = vector.extract %slice3A_1377[0] : f32 from vector<1xf32>
      %slice3A_1379 = vector.extract_strided_slice %add3A_1325 {offsets = [1], sizes = [1], strides = [1]} : vector<16xf32> to vector<1xf32>
      %squeeze3A_1380 = vector.extract %slice3A_1379[0] : f32 from vector<1xf32>
      %add3A_1381 = arith.addf %squeeze3A_1378, %squeeze3A_1380 : f32
      %slice3A_1382 = vector.extract_strided_slice %add3A_1325 {offsets = [2], sizes = [1], strides = [1]} : vector<16xf32> to vector<1xf32>
      %squeeze3A_1383 = vector.extract %slice3A_1382[0] : f32 from vector<1xf32>
      %add3A_1384 = arith.addf %add3A_1381, %squeeze3A_1383 : f32
      %slice3A_1385 = vector.extract_strided_slice %add3A_1325 {offsets = [3], sizes = [1], strides = [1]} : vector<16xf32> to vector<1xf32>
      %squeeze3A_1386 = vector.extract %slice3A_1385[0] : f32 from vector<1xf32>
      %add3A_1387 = arith.addf %add3A_1384, %squeeze3A_1386 : f32
      %slice3A_1388 = vector.extract_strided_slice %add3A_1325 {offsets = [4], sizes = [1], strides = [1]} : vector<16xf32> to vector<1xf32>
      %squeeze3A_1389 = vector.extract %slice3A_1388[0] : f32 from vector<1xf32>
      %add3A_1390 = arith.addf %add3A_1387, %squeeze3A_1389 : f32
      %slice3A_1391 = vector.extract_strided_slice %add3A_1325 {offsets = [5], sizes = [1], strides = [1]} : vector<16xf32> to vector<1xf32>
      %squeeze3A_1392 = vector.extract %slice3A_1391[0] : f32 from vector<1xf32>
      %add3A_1393 = arith.addf %add3A_1390, %squeeze3A_1392 : f32
      %slice3A_1394 = vector.extract_strided_slice %add3A_1325 {offsets = [6], sizes = [1], strides = [1]} : vector<16xf32> to vector<1xf32>
      %squeeze3A_1395 = vector.extract %slice3A_1394[0] : f32 from vector<1xf32>
      %add3A_1396 = arith.addf %add3A_1393, %squeeze3A_1395 : f32
      %slice3A_1397 = vector.extract_strided_slice %add3A_1325 {offsets = [7], sizes = [1], strides = [1]} : vector<16xf32> to vector<1xf32>
      %squeeze3A_1398 = vector.extract %slice3A_1397[0] : f32 from vector<1xf32>
      %add3A_1399 = arith.addf %add3A_1396, %squeeze3A_1398 : f32
      %slice3A_1400 = vector.extract_strided_slice %add3A_1325 {offsets = [8], sizes = [1], strides = [1]} : vector<16xf32> to vector<1xf32>
      %squeeze3A_1401 = vector.extract %slice3A_1400[0] : f32 from vector<1xf32>
      %add3A_1402 = arith.addf %add3A_1399, %squeeze3A_1401 : f32
      %slice3A_1403 = vector.extract_strided_slice %add3A_1325 {offsets = [9], sizes = [1], strides = [1]} : vector<16xf32> to vector<1xf32>
      %squeeze3A_1404 = vector.extract %slice3A_1403[0] : f32 from vector<1xf32>
      %add3A_1405 = arith.addf %add3A_1402, %squeeze3A_1404 : f32
      %slice3A_1406 = vector.extract_strided_slice %add3A_1325 {offsets = [10], sizes = [1], strides = [1]} : vector<16xf32> to vector<1xf32>
      %squeeze3A_1407 = vector.extract %slice3A_1406[0] : f32 from vector<1xf32>
      %add3A_1408 = arith.addf %add3A_1405, %squeeze3A_1407 : f32
      %slice3A_1409 = vector.extract_strided_slice %add3A_1325 {offsets = [11], sizes = [1], strides = [1]} : vector<16xf32> to vector<1xf32>
      %squeeze3A_1410 = vector.extract %slice3A_1409[0] : f32 from vector<1xf32>
      %add3A_1411 = arith.addf %add3A_1408, %squeeze3A_1410 : f32
      %slice3A_1412 = vector.extract_strided_slice %add3A_1325 {offsets = [12], sizes = [1], strides = [1]} : vector<16xf32> to vector<1xf32>
      %squeeze3A_1413 = vector.extract %slice3A_1412[0] : f32 from vector<1xf32>
      %add3A_1414 = arith.addf %add3A_1411, %squeeze3A_1413 : f32
      %slice3A_1415 = vector.extract_strided_slice %add3A_1325 {offsets = [13], sizes = [1], strides = [1]} : vector<16xf32> to vector<1xf32>
      %squeeze3A_1416 = vector.extract %slice3A_1415[0] : f32 from vector<1xf32>
      %add3A_1417 = arith.addf %add3A_1414, %squeeze3A_1416 : f32
      %slice3A_1418 = vector.extract_strided_slice %add3A_1325 {offsets = [14], sizes = [1], strides = [1]} : vector<16xf32> to vector<1xf32>
      %squeeze3A_1419 = vector.extract %slice3A_1418[0] : f32 from vector<1xf32>
      %add3A_1420 = arith.addf %add3A_1417, %squeeze3A_1419 : f32
      %slice3A_1421 = vector.extract_strided_slice %add3A_1325 {offsets = [15], sizes = [1], strides = [1]} : vector<16xf32> to vector<1xf32>
      %squeeze3A_1422 = vector.extract %slice3A_1421[0] : f32 from vector<1xf32>
      %add3A_1423 = arith.addf %add3A_1420, %squeeze3A_1422 : f32
      %add3A_1424 = vector.broadcast %add3A_1423 : f32 to vector<16xf32>
      %add3A_1425 = arith.addf %broadcast_in_dim3A_5, %add3A_1424 : vector<16xf32>
      %max3A_1426 = arith.maximumf %add3A_1425, %broadcast_in_dim3A_3 : vector<16xf32>
      %div3A_1427 = arith.divf %broadcast_in_dim3A_3, %max3A_1426 : vector<16xf32>
      %mul3A_1428 = arith.mulf %scan3A_1253#0, %div3A_1376 : vector<16xf32>
      %mul3A_1429 = arith.constant 2 : i32
      %mul3A_1430 = arith.muli %add3A_1216, %mul3A_1429 : i32
      %add3A_1431 = arith.constant 0 : i32
      %add3A_1432 = arith.addi %mul3A_1430, %add3A_1431 : i32
      %swap3A_1433 = arith.index_cast %add3A_1432 : i32 to index
      %swap3A_1434 = arith.constant 0 : index
      %swap3A_1435 = tpu.vector_load %arg10[%swap3A_1433, %swap3A_1434] {strides = array<i32>} : memref<128x128xf32, #tpu.memory_space<vmem>>, vector<1x16xf32>,
      %swap3A_1436 = vector.shape_cast %swap3A_1435 : vector<1x16xf32> to vector<16xf32>
      %swap3A_1437 = vector.shape_cast %mul3A_1428 : vector<16xf32> to vector<1x16xf32>
      tpu.vector_store %arg10[%swap3A_1433, %swap3A_1434], %swap3A_1437 {strides = array<i32>} : memref<128x128xf32, #tpu.memory_space<vmem>>, vector<1x16xf32>,
      %mul3A_1438 = arith.mulf %scan3A_1253#1, %div3A_1376 : vector<16xf32>
      %mul3A_1439 = arith.constant 2 : i32
      %mul3A_1440 = arith.muli %add3A_1216, %mul3A_1439 : i32
      %add3A_1441 = arith.constant 0 : i32
      %add3A_1442 = arith.addi %mul3A_1440, %add3A_1441 : i32
      %swap3A_1443 = arith.index_cast %add3A_1442 : i32 to index
      %swap3A_1444 = arith.constant 16 : index
      %swap3A_1445 = tpu.vector_load %arg10[%swap3A_1443, %swap3A_1444] {strides = array<i32>} : memref<128x128xf32, #tpu.memory_space<vmem>>, vector<1x16xf32>,
      %swap3A_1446 = vector.shape_cast %swap3A_1445 : vector<1x16xf32> to vector<16xf32>
      %swap3A_1447 = vector.shape_cast %mul3A_1438 : vector<16xf32> to vector<1x16xf32>
      tpu.vector_store %arg10[%swap3A_1443, %swap3A_1444], %swap3A_1447 {strides = array<i32>} : memref<128x128xf32, #tpu.memory_space<vmem>>, vector<1x16xf32>,
      %mul3A_1448 = arith.mulf %scan3A_1253#2, %div3A_1376 : vector<16xf32>
      %mul3A_1449 = arith.constant 2 : i32
      %mul3A_1450 = arith.muli %add3A_1216, %mul3A_1449 : i32
      %add3A_1451 = arith.constant 0 : i32
      %add3A_1452 = arith.addi %mul3A_1450, %add3A_1451 : i32
      %swap3A_1453 = arith.index_cast %add3A_1452 : i32 to index
      %swap3A_1454 = arith.constant 32 : index
      %swap3A_1455 = tpu.vector_load %arg10[%swap3A_1453, %swap3A_1454] {strides = array<i32>} : memref<128x128xf32, #tpu.memory_space<vmem>>, vector<1x16xf32>,
      %swap3A_1456 = vector.shape_cast %swap3A_1455 : vector<1x16xf32> to vector<16xf32>
      %swap3A_1457 = vector.shape_cast %mul3A_1448 : vector<16xf32> to vector<1x16xf32>
      tpu.vector_store %arg10[%swap3A_1453, %swap3A_1454], %swap3A_1457 {strides = array<i32>} : memref<128x128xf32, #tpu.memory_space<vmem>>, vector<1x16xf32>,
      %mul3A_1458 = arith.mulf %scan3A_1253#3, %div3A_1376 : vector<16xf32>
      %mul3A_1459 = arith.constant 2 : i32
      %mul3A_1460 = arith.muli %add3A_1216, %mul3A_1459 : i32
      %add3A_1461 = arith.constant 0 : i32
      %add3A_1462 = arith.addi %mul3A_1460, %add3A_1461 : i32
      %swap3A_1463 = arith.index_cast %add3A_1462 : i32 to index
      %swap3A_1464 = arith.constant 48 : index
      %swap3A_1465 = tpu.vector_load %arg10[%swap3A_1463, %swap3A_1464] {strides = array<i32>} : memref<128x128xf32, #tpu.memory_space<vmem>>, vector<1x16xf32>,
      %swap3A_1466 = vector.shape_cast %swap3A_1465 : vector<1x16xf32> to vector<16xf32>
      %swap3A_1467 = vector.shape_cast %mul3A_1458 : vector<16xf32> to vector<1x16xf32>
      tpu.vector_store %arg10[%swap3A_1463, %swap3A_1464], %swap3A_1467 {strides = array<i32>} : memref<128x128xf32, #tpu.memory_space<vmem>>, vector<1x16xf32>,
      %mul3A_1468 = arith.mulf %scan3A_1253#4, %div3A_1376 : vector<16xf32>
      %mul3A_1469 = arith.constant 2 : i32
      %mul3A_1470 = arith.muli %add3A_1216, %mul3A_1469 : i32
      %add3A_1471 = arith.constant 0 : i32
      %add3A_1472 = arith.addi %mul3A_1470, %add3A_1471 : i32
      %swap3A_1473 = arith.index_cast %add3A_1472 : i32 to index
      %swap3A_1474 = arith.constant 64 : index
      %swap3A_1475 = tpu.vector_load %arg10[%swap3A_1473, %swap3A_1474] {strides = array<i32>} : memref<128x128xf32, #tpu.memory_space<vmem>>, vector<1x16xf32>,
      %swap3A_1476 = vector.shape_cast %swap3A_1475 : vector<1x16xf32> to vector<16xf32>
      %swap3A_1477 = vector.shape_cast %mul3A_1468 : vector<16xf32> to vector<1x16xf32>
      tpu.vector_store %arg10[%swap3A_1473, %swap3A_1474], %swap3A_1477 {strides = array<i32>} : memref<128x128xf32, #tpu.memory_space<vmem>>, vector<1x16xf32>,
      %mul3A_1478 = arith.mulf %scan3A_1253#5, %div3A_1376 : vector<16xf32>
      %mul3A_1479 = arith.constant 2 : i32
      %mul3A_1480 = arith.muli %add3A_1216, %mul3A_1479 : i32
      %add3A_1481 = arith.constant 0 : i32
      %add3A_1482 = arith.addi %mul3A_1480, %add3A_1481 : i32
      %swap3A_1483 = arith.index_cast %add3A_1482 : i32 to index
      %swap3A_1484 = arith.constant 80 : index
      %swap3A_1485 = tpu.vector_load %arg10[%swap3A_1483, %swap3A_1484] {strides = array<i32>} : memref<128x128xf32, #tpu.memory_space<vmem>>, vector<1x16xf32>,
      %swap3A_1486 = vector.shape_cast %swap3A_1485 : vector<1x16xf32> to vector<16xf32>
      %swap3A_1487 = vector.shape_cast %mul3A_1478 : vector<16xf32> to vector<1x16xf32>
      tpu.vector_store %arg10[%swap3A_1483, %swap3A_1484], %swap3A_1487 {strides = array<i32>} : memref<128x128xf32, #tpu.memory_space<vmem>>, vector<1x16xf32>,
      %mul3A_1488 = arith.mulf %scan3A_1253#6, %div3A_1376 : vector<16xf32>
      %mul3A_1489 = arith.constant 2 : i32
      %mul3A_1490 = arith.muli %add3A_1216, %mul3A_1489 : i32
      %add3A_1491 = arith.constant 0 : i32
      %add3A_1492 = arith.addi %mul3A_1490, %add3A_1491 : i32
      %swap3A_1493 = arith.index_cast %add3A_1492 : i32 to index
      %swap3A_1494 = arith.constant 96 : index
      %swap3A_1495 = tpu.vector_load %arg10[%swap3A_1493, %swap3A_1494] {strides = array<i32>} : memref<128x128xf32, #tpu.memory_space<vmem>>, vector<1x16xf32>,
      %swap3A_1496 = vector.shape_cast %swap3A_1495 : vector<1x16xf32> to vector<16xf32>
      %swap3A_1497 = vector.shape_cast %mul3A_1488 : vector<16xf32> to vector<1x16xf32>
      tpu.vector_store %arg10[%swap3A_1493, %swap3A_1494], %swap3A_1497 {strides = array<i32>} : memref<128x128xf32, #tpu.memory_space<vmem>>, vector<1x16xf32>,
      %mul3A_1498 = arith.mulf %scan3A_1253#7, %div3A_1376 : vector<16xf32>
      %mul3A_1499 = arith.constant 2 : i32
      %mul3A_1500 = arith.muli %add3A_1216, %mul3A_1499 : i32
      %add3A_1501 = arith.constant 0 : i32
      %add3A_1502 = arith.addi %mul3A_1500, %add3A_1501 : i32
      %swap3A_1503 = arith.index_cast %add3A_1502 : i32 to index
      %swap3A_1504 = arith.constant 112 : index
      %swap3A_1505 = tpu.vector_load %arg10[%swap3A_1503, %swap3A_1504] {strides = array<i32>} : memref<128x128xf32, #tpu.memory_space<vmem>>, vector<1x16xf32>,
      %swap3A_1506 = vector.shape_cast %swap3A_1505 : vector<1x16xf32> to vector<16xf32>
      %swap3A_1507 = vector.shape_cast %mul3A_1498 : vector<16xf32> to vector<1x16xf32>
      tpu.vector_store %arg10[%swap3A_1503, %swap3A_1504], %swap3A_1507 {strides = array<i32>} : memref<128x128xf32, #tpu.memory_space<vmem>>, vector<1x16xf32>,
      %mul3A_1508 = arith.mulf %scan3A_1253#8, %div3A_1427 : vector<16xf32>
      %mul3A_1509 = arith.constant 2 : i32
      %mul3A_1510 = arith.muli %add3A_1216, %mul3A_1509 : i32
      %add3A_1511 = arith.constant 1 : i32
      %add3A_1512 = arith.addi %mul3A_1510, %add3A_1511 : i32
      %swap3A_1513 = arith.index_cast %add3A_1512 : i32 to index
      %swap3A_1514 = arith.constant 0 : index
      %swap3A_1515 = tpu.vector_load %arg10[%swap3A_1513, %swap3A_1514] {strides = array<i32>} : memref<128x128xf32, #tpu.memory_space<vmem>>, vector<1x16xf32>,
      %swap3A_1516 = vector.shape_cast %swap3A_1515 : vector<1x16xf32> to vector<16xf32>
      %swap3A_1517 = vector.shape_cast %mul3A_1508 : vector<16xf32> to vector<1x16xf32>
      tpu.vector_store %arg10[%swap3A_1513, %swap3A_1514], %swap3A_1517 {strides = array<i32>} : memref<128x128xf32, #tpu.memory_space<vmem>>, vector<1x16xf32>,
      %mul3A_1518 = arith.mulf %scan3A_1253#9, %div3A_1427 : vector<16xf32>
      %mul3A_1519 = arith.constant 2 : i32
      %mul3A_1520 = arith.muli %add3A_1216, %mul3A_1519 : i32
      %add3A_1521 = arith.constant 1 : i32
      %add3A_1522 = arith.addi %mul3A_1520, %add3A_1521 : i32
      %swap3A_1523 = arith.index_cast %add3A_1522 : i32 to index
      %swap3A_1524 = arith.constant 16 : index
      %swap3A_1525 = tpu.vector_load %arg10[%swap3A_1523, %swap3A_1524] {strides = array<i32>} : memref<128x128xf32, #tpu.memory_space<vmem>>, vector<1x16xf32>,
      %swap3A_1526 = vector.shape_cast %swap3A_1525 : vector<1x16xf32> to vector<16xf32>
      %swap3A_1527 = vector.shape_cast %mul3A_1518 : vector<16xf32> to vector<1x16xf32>
      tpu.vector_store %arg10[%swap3A_1523, %swap3A_1524], %swap3A_1527 {strides = array<i32>} : memref<128x128xf32, #tpu.memory_space<vmem>>, vector<1x16xf32>,
      %mul3A_1528 = arith.mulf %scan3A_1253#10, %div3A_1427 : vector<16xf32>
      %mul3A_1529 = arith.constant 2 : i32
      %mul3A_1530 = arith.muli %add3A_1216, %mul3A_1529 : i32
      %add3A_1531 = arith.constant 1 : i32
      %add3A_1532 = arith.addi %mul3A_1530, %add3A_1531 : i32
      %swap3A_1533 = arith.index_cast %add3A_1532 : i32 to index
      %swap3A_1534 = arith.constant 32 : index
      %swap3A_1535 = tpu.vector_load %arg10[%swap3A_1533, %swap3A_1534] {strides = array<i32>} : memref<128x128xf32, #tpu.memory_space<vmem>>, vector<1x16xf32>,
      %swap3A_1536 = vector.shape_cast %swap3A_1535 : vector<1x16xf32> to vector<16xf32>
      %swap3A_1537 = vector.shape_cast %mul3A_1528 : vector<16xf32> to vector<1x16xf32>
      tpu.vector_store %arg10[%swap3A_1533, %swap3A_1534], %swap3A_1537 {strides = array<i32>} : memref<128x128xf32, #tpu.memory_space<vmem>>, vector<1x16xf32>,
      %mul3A_1538 = arith.mulf %scan3A_1253#11, %div3A_1427 : vector<16xf32>
      %mul3A_1539 = arith.constant 2 : i32
      %mul3A_1540 = arith.muli %add3A_1216, %mul3A_1539 : i32
      %add3A_1541 = arith.constant 1 : i32
      %add3A_1542 = arith.addi %mul3A_1540, %add3A_1541 : i32
      %swap3A_1543 = arith.index_cast %add3A_1542 : i32 to index
      %swap3A_1544 = arith.constant 48 : index
      %swap3A_1545 = tpu.vector_load %arg10[%swap3A_1543, %swap3A_1544] {strides = array<i32>} : memref<128x128xf32, #tpu.memory_space<vmem>>, vector<1x16xf32>,
      %swap3A_1546 = vector.shape_cast %swap3A_1545 : vector<1x16xf32> to vector<16xf32>
      %swap3A_1547 = vector.shape_cast %mul3A_1538 : vector<16xf32> to vector<1x16xf32>
      tpu.vector_store %arg10[%swap3A_1543, %swap3A_1544], %swap3A_1547 {strides = array<i32>} : memref<128x128xf32, #tpu.memory_space<vmem>>, vector<1x16xf32>,
      %mul3A_1548 = arith.mulf %scan3A_1253#12, %div3A_1427 : vector<16xf32>
      %mul3A_1549 = arith.constant 2 : i32
      %mul3A_1550 = arith.muli %add3A_1216, %mul3A_1549 : i32
      %add3A_1551 = arith.constant 1 : i32
      %add3A_1552 = arith.addi %mul3A_1550, %add3A_1551 : i32
      %swap3A_1553 = arith.index_cast %add3A_1552 : i32 to index
      %swap3A_1554 = arith.constant 64 : index
      %swap3A_1555 = tpu.vector_load %arg10[%swap3A_1553, %swap3A_1554] {strides = array<i32>} : memref<128x128xf32, #tpu.memory_space<vmem>>, vector<1x16xf32>,
      %swap3A_1556 = vector.shape_cast %swap3A_1555 : vector<1x16xf32> to vector<16xf32>
      %swap3A_1557 = vector.shape_cast %mul3A_1548 : vector<16xf32> to vector<1x16xf32>
      tpu.vector_store %arg10[%swap3A_1553, %swap3A_1554], %swap3A_1557 {strides = array<i32>} : memref<128x128xf32, #tpu.memory_space<vmem>>, vector<1x16xf32>,
      %mul3A_1558 = arith.mulf %scan3A_1253#13, %div3A_1427 : vector<16xf32>
      %mul3A_1559 = arith.constant 2 : i32
      %mul3A_1560 = arith.muli %add3A_1216, %mul3A_1559 : i32
      %add3A_1561 = arith.constant 1 : i32
      %add3A_1562 = arith.addi %mul3A_1560, %add3A_1561 : i32
      %swap3A_1563 = arith.index_cast %add3A_1562 : i32 to index
      %swap3A_1564 = arith.constant 80 : index
      %swap3A_1565 = tpu.vector_load %arg10[%swap3A_1563, %swap3A_1564] {strides = array<i32>} : memref<128x128xf32, #tpu.memory_space<vmem>>, vector<1x16xf32>,
      %swap3A_1566 = vector.shape_cast %swap3A_1565 : vector<1x16xf32> to vector<16xf32>
      %swap3A_1567 = vector.shape_cast %mul3A_1558 : vector<16xf32> to vector<1x16xf32>
      tpu.vector_store %arg10[%swap3A_1563, %swap3A_1564], %swap3A_1567 {strides = array<i32>} : memref<128x128xf32, #tpu.memory_space<vmem>>, vector<1x16xf32>,
      %mul3A_1568 = arith.mulf %scan3A_1253#14, %div3A_1427 : vector<16xf32>
      %mul3A_1569 = arith.constant 2 : i32
      %mul3A_1570 = arith.muli %add3A_1216, %mul3A_1569 : i32
      %add3A_1571 = arith.constant 1 : i32
      %add3A_1572 = arith.addi %mul3A_1570, %add3A_1571 : i32
      %swap3A_1573 = arith.index_cast %add3A_1572 : i32 to index
      %swap3A_1574 = arith.constant 96 : index
      %swap3A_1575 = tpu.vector_load %arg10[%swap3A_1573, %swap3A_1574] {strides = array<i32>} : memref<128x128xf32, #tpu.memory_space<vmem>>, vector<1x16xf32>,
      %swap3A_1576 = vector.shape_cast %swap3A_1575 : vector<1x16xf32> to vector<16xf32>
      %swap3A_1577 = vector.shape_cast %mul3A_1568 : vector<16xf32> to vector<1x16xf32>
      tpu.vector_store %arg10[%swap3A_1573, %swap3A_1574], %swap3A_1577 {strides = array<i32>} : memref<128x128xf32, #tpu.memory_space<vmem>>, vector<1x16xf32>,
      %mul3A_1578 = arith.mulf %scan3A_1253#15, %div3A_1427 : vector<16xf32>
      %mul3A_1579 = arith.constant 2 : i32
      %mul3A_1580 = arith.muli %add3A_1216, %mul3A_1579 : i32
      %add3A_1581 = arith.constant 1 : i32
      %add3A_1582 = arith.addi %mul3A_1580, %add3A_1581 : i32
      %swap3A_1583 = arith.index_cast %add3A_1582 : i32 to index
      %swap3A_1584 = arith.constant 112 : index
      %swap3A_1585 = tpu.vector_load %arg10[%swap3A_1583, %swap3A_1584] {strides = array<i32>} : memref<128x128xf32, #tpu.memory_space<vmem>>, vector<1x16xf32>,
      %swap3A_1586 = vector.shape_cast %swap3A_1585 : vector<1x16xf32> to vector<16xf32>
      %swap3A_1587 = vector.shape_cast %mul3A_1578 : vector<16xf32> to vector<1x16xf32>
      tpu.vector_store %arg10[%swap3A_1583, %swap3A_1584], %swap3A_1587 {strides = array<i32>} : memref<128x128xf32, #tpu.memory_space<vmem>>, vector<1x16xf32>,
    }
    %scan3A_30 = arith.constant 16 : i32
    "tpu.region"() ({
      %run_scoped3A = tpu.sem_alloc : memref<!tpu.dma_semaphore, #tpu.memory_space<semaphore_mem>>
      %dma_start3A_31 = arith.constant 0 : i32
      %dma_start3A_32 = tpu.memref_slice %arg4[%mul3A_2, %dma_start3A_31] : memref<4096x128xf32, #tpu.memory_space<hbm>> -> memref<128x128xf32, #tpu.memory_space<hbm>>
      %dma_start3A_33 = arith.constant 0 : i32
      %dma_start3A_34 = tpu.memref_slice %arg4[%mul3A_2, %dma_start3A_33] : memref<4096x128xf32, #tpu.memory_space<hbm>> -> memref<128x128xf32, #tpu.memory_space<hbm>>
      tpu.enqueue_dma source(%arg10 : memref<128x128xf32, #tpu.memory_space<vmem>>) target(%dma_start3A_34 : memref<128x128xf32, #tpu.memory_space<hbm>>) target_semaphore(%run_scoped3A : memref<!tpu.dma_semaphore, #tpu.memory_space<semaphore_mem>>)
      %dma_wait3A = arith.constant 0 : i32
      %dma_wait3A_35 = tpu.memref_slice %arg4[%mul3A_2, %dma_wait3A] : memref<4096x128xf32, #tpu.memory_space<hbm>> -> memref<128x128xf32, #tpu.memory_space<hbm>>
      %dma_wait3A_36 = arith.constant 0 : i32
      %dma_wait3A_37 = tpu.memref_slice %arg4[%mul3A_2, %dma_wait3A_36] : memref<4096x128xf32, #tpu.memory_space<hbm>> -> memref<128x128xf32, #tpu.memory_space<hbm>>
      tpu.wait_dma2 semaphore(%run_scoped3A : memref<!tpu.dma_semaphore, #tpu.memory_space<semaphore_mem>>) src(%arg10 : memref<128x128xf32, #tpu.memory_space<vmem>>) dst(%dma_wait3A_37 : memref<128x128xf32, #tpu.memory_space<hbm>>)
      tpu.yield
    }) : () -> ()
    return
  }
}

module attributes {stable_mosaic.version = 14 : i64} {
  func.func @_tc_body(%arg0: i32, %arg1: memref<512x128xf32, #tpu.memory_space<vmem>>, %arg2: memref<128x1000xf32, #tpu.memory_space<vmem>>, %arg3: memref<1x1000xf32, #tpu.memory_space<vmem>>, %arg4: memref<512x1000xf32, #tpu.memory_space<vmem>>) attributes {dimension_semantics = [#tpu.dimension_semantics<arbitrary>], iteration_bounds = array<i64: 8>, scalar_prefetch = 0 : i64, scratch_operands = 0 : i64, tpu.core_type = #tpu.core_type<tc>, window_params = [{transform_indices = @transform_0, window_bounds = array<i64: 512, 128>}, {pipeline_mode = #tpu.pipeline_mode<synchronous>, transform_indices = @transform_1, window_bounds = array<i64: 128, 1000>}, {pipeline_mode = #tpu.pipeline_mode<synchronous>, transform_indices = @transform_2, window_bounds = array<i64: 1, 1000>}, {transform_indices = @transform_3, window_bounds = array<i64: 512, 1000>}]} {
    %get3A = arith.constant 0 : index
    %get3A_0 = arith.constant 0 : index
    %get3A_1 = vector.load %arg1[%get3A, %get3A_0] : memref<512x128xf32, #tpu.memory_space<vmem>>, vector<512x128xf32>
    %get3A_2 = arith.constant 0 : index
    %get3A_3 = arith.constant 0 : index
    %get3A_4 = vector.load %arg2[%get3A_2, %get3A_3] : memref<128x1000xf32, #tpu.memory_space<vmem>>, vector<128x1000xf32>
    %dot_general3A = arith.constant dense<0.000000e+00> : vector<512x1000xf32>
    %dot_general3A_5 = tpu.matmul %get3A_1, %get3A_4, %dot_general3A {dimension_numbers = #tpu.dot_dimension_numbers<[1], [0], [0], [1], [0, 0, 1, 1], [], []>, transpose_lhs_hint = false} : vector<512x128xf32>, vector<128x1000xf32>, vector<512x1000xf32> -> vector<512x1000xf32>
    %get3A_6 = arith.constant 0 : index
    %get3A_7 = arith.constant 0 : index
    %get3A_8 = vector.load %arg3[%get3A_6, %get3A_7] : memref<1x1000xf32, #tpu.memory_space<vmem>>, vector<1x1000xf32>
    %add3A = vector.broadcast %get3A_8 : vector<1x1000xf32> to vector<512x1000xf32>
    %add3A_9 = arith.addf %dot_general3A_5, %add3A : vector<512x1000xf32>
    %swap3A = arith.constant 0 : index
    %swap3A_10 = arith.constant 0 : index
    %swap3A_11 = vector.load %arg4[%swap3A, %swap3A_10] : memref<512x1000xf32, #tpu.memory_space<vmem>>, vector<512x1000xf32>
    tpu.vector_store %arg4[%swap3A, %swap3A_10], %add3A_9 {strides = array<i32>} : memref<512x1000xf32, #tpu.memory_space<vmem>>, vector<512x1000xf32>,
    return
  }
  func.func @transform_0(%arg0: i32) -> (i32, i32) {
    %c0_i32 = arith.constant 0 : i32
    %c0_i32_0 = arith.constant 0 : i32
    return %arg0, %c0_i32 : i32, i32
  }
  func.func @transform_1(%arg0: i32) -> (i32, i32) {
    %c0_i32 = arith.constant 0 : i32
    %c0_i32_0 = arith.constant 0 : i32
    %c0_i32_1 = arith.constant 0 : i32
    return %c0_i32, %c0_i32_0 : i32, i32
  }
  func.func @transform_2(%arg0: i32) -> (i32, i32) {
    %c0_i32 = arith.constant 0 : i32
    %c0_i32_0 = arith.constant 0 : i32
    %c0_i32_1 = arith.constant 0 : i32
    return %c0_i32, %c0_i32_0 : i32, i32
  }
  func.func @transform_3(%arg0: i32) -> (i32, i32) {
    %c0_i32 = arith.constant 0 : i32
    %c0_i32_0 = arith.constant 0 : i32
    return %arg0, %c0_i32 : i32, i32
  }
}

</mosaic_0001>

<sc_bundles>
// kernel: kernel.4.cloned.1.call-start
scs
__scs_entry_jumppad:
0x0: {  	(pc) =	sbr.rel $0x88, $3  }
0x1: {  	(tag) =	ssettag $0x0;
	lr =	simm.s32 $0x1  }
0x2: {  	[smem:$0x3F9D] =	sst lr;
	_ =	strace $0xD0000000  }
0x3: {  	_ = 	snop  }
0x4: {  	_ = 	snop  }
0x5: {  	_ = 	snop  }
0x6: {  	_ = 	snop  }
0x7: {  	_ = 	snop  }
__scs_overlays_trampoline_lowered:
0x8: {  	[smem:$0x3FAC] =	sst s0  }
0x9: {  	[smem:$0x3FAD] =	sst s1  }
0xa: {  	[smem:$0x3FAE] =	sst s2  }
0xb: {  	[smem:$0x3FAF] =	sst s3  }
0xc: {  	[smem:$0x3FB0] =	sst s4  }
0xd: {  	[smem:$0x3FB1] =	sst s5  }
0xe: {  	[smem:$0x3FB2] =	sst s6  }
0xf: {  	[smem:$0x3FB3] =	sst s7  }
0x10: {  	[smem:$0x3FB4] =	sst s8  }
0x11: {  	[smem:$0x3FB5] =	sst s9;
	s0 =	simm.s32 @!p0 $0x0  }
0x12: {  	s1 =	sld [smem:$0x3F9B];
	s0 =	simm.s32 @p0 $0x1  }
0x13: {  	[smem:$0x3FB6] =	sst s0;
	s0 =	simm.s32 @!p1 $0x0  }
0x14: {  	s2 =	sld [smem:$0x3F9A];
	s0 =	simm.s32 @p1 $0x1  }
0x15: {  	[smem:$0x3FB7] =	sst s0;
	s0 =	simm.s32 @!p2 $0x0  }
0x16: {  	s3 =	sld [smem:$0x3FDB];
	s0 =	simm.s32 @p2 $0x1  }
0x17: {  	s4 =	simm.s32 $0x1BF5;
	[smem:$0x3FB9] =	sst s0  }
0x18: {  	s0 =	sld [smem:$0x3F9C];
	_ =	swait.ge [sflag:s4], $0x0  }
0x19: {  	s7 =	sld [smem:$0x3F9D]  }
0x1a: {  	s8 =	sadd.s32 $0xFFFFE003, lr  }
0x1b: {  	s9 =	sadd.s32 $0xFFFFFEF7, lr;
	s5 =	simm.s32 $0xFFFFFFFF;
	p2 =	slt.u32 s8, $0xFFFFF086  }
0x1c: {  	p1 =	slt.u32 s9, $0xF7A;
	s5 =	simm.s32 @!p2 $0x0  }
0x1d: {  	s5 =	simm.s32 @p1 $0x1;
	p0 =	seq.s32 s7, s2  }
0x1e: {  	s7 =	smul.u32 @!p0 $0xF7A, s2;
	p2 =	seq.s32 @!p0 s5, $0x0  }
0x1f: {  	s9 =	smul.u32 $0xF7A, s1;
	s8 =	simm.s32 @!p0 $0x1BF5;
	p2 =	por !p2, p0  }
0x20: {  	[sflag:s8] =	ssyncset.s32 @!p0 $0xFFFFF086;
	s6 =	sadd.s32 @!p0 s3, s7;
	s7 =	simm.s32 @!p0 $0x108  }
0x21: {  	s3 =	sadd.s32 s3, s9;
	s6 =	sadd.s32 @!p0 $0x88, s6;
	s7 =	simm.s32 @p2 $0x1082  }
0x22: {  	[simem:s7], [sflag:s8] =	dma.local @!p0 [hbm:s6], $0xF7A  }
0x23: {  	s9 =	sor.u32 $0xD0000000, s2;
	s6 =	simm.s32 $0x108;
	_ =	swait.ge @!p0 [sflag:s8], $0x0  }
0x24: {  	s3 =	sadd.s32 $0x88, s3;
	s6 =	simm.s32 @!p1 $0x1082;
	[sflag:s4] =	ssyncset.s32 $0xFFFFF086  }
0x25: {  	[simem:s6], [sflag:s4] =	dma.local [hbm:s3], $0xF7A  }
0x26: {  	[smem:$0x3F9D] =	sst s1;
	(tag) =	ssettag s2;
	_ =	strace s9  }
0x27: {  	s1 =	sld [smem:$0x3FAD]  }
0x28: {  	s2 =	sld [smem:$0x3FAE]  }
0x29: {  	s4 =	sld [smem:$0x3FB0]  }
0x2a: {  	p0 =	seq.s32 s5, $0x0;
	s5 =	sld [smem:$0x3FB1]  }
0x2b: {  	s6 =	sld [smem:$0x3FB2]  }
0x2c: {  	s7 =	sld [smem:$0x3FB3]  }
0x2d: {  	s3 =	simm.s32 $0x108;
	s8 =	sld [smem:$0x3FB4]  }
0x2e: {  	s3 =	simm.s32 @!p0 $0x1082;
	s9 =	sld [smem:$0x3FB5]  }
0x2f: {  	lr =	sadd.s32 s0, s3;
	s0 =	sld [smem:$0x3FAC]  }
0x30: {  	s3 =	sld [smem:$0x3FAF]  }
0x31: {  	[smem:$0x3FB8] =	sst s10  }
0x32: {  	s10 =	sld [smem:$0x3FB6];
	_ =	sdelay $0x3  }
0x33: {  	p0 =	seq.s32 s10, $0x1;
	s10 =	sld [smem:$0x3FB8];
	_ =	sdelay $0x3  }
0x34: {  	[smem:$0x3FB8] =	sst s10  }
0x35: {  	s10 =	sld [smem:$0x3FB7];
	_ =	sdelay $0x3  }
0x36: {  	p1 =	seq.s32 s10, $0x1;
	s10 =	sld [smem:$0x3FB8];
	_ =	sdelay $0x3  }
0x37: {  	[smem:$0x3FB8] =	sst s10  }
0x38: {  	s10 =	sld [smem:$0x3FB9]  }
0x39: {  	_ = 	snop;
	(pc) =	sbr.ind lr, $3  }
0x3a: {  	_ = 	snop  }
0x3b: {  	_ = 	snop  }
0x3c: {  	p2 =	seq.s32 s10, $0x1;
	s10 =	sld [smem:$0x3FB8]  }
0x3d: {  	_ =	shalt  }
0x3e: {  	_ =	shalt  }
0x3f: {  	_ =	shalt  }
0x40: {  	_ =	shalt  }
0x41: {  	_ =	shalt  }
0x42: {  	_ =	shalt  }
0x43: {  	_ =	shalt  }
0x44: {  	_ =	shalt  }
0x45: {  	_ =	shalt  }
0x46: {  	_ =	shalt  }
0x47: {  	_ =	shalt  }
0x48: {  	_ =	shalt  }
0x49: {  	_ =	shalt  }
0x4a: {  	_ =	shalt  }
0x4b: {  	_ =	shalt  }
0x4c: {  	_ =	shalt  }
0x4d: {  	_ =	shalt  }
0x4e: {  	_ =	shalt  }
0x4f: {  	_ =	shalt  }
0x50: {  	_ =	shalt  }
0x51: {  	_ =	shalt  }
0x52: {  	_ =	shalt  }
0x53: {  	_ =	shalt  }
0x54: {  	_ =	shalt  }
0x55: {  	_ =	shalt  }
0x56: {  	_ =	shalt  }
0x57: {  	_ =	shalt  }
0x58: {  	_ =	shalt  }
0x59: {  	_ =	shalt  }
0x5a: {  	_ =	shalt  }
0x5b: {  	_ =	shalt  }
0x5c: {  	_ =	shalt  }
0x5d: {  	_ =	shalt  }
0x5e: {  	_ =	shalt  }
0x5f: {  	_ =	shalt  }
0x60: {  	_ =	shalt  }
0x61: {  	_ =	shalt  }
0x62: {  	_ =	shalt  }
0x63: {  	_ =	shalt  }
0x64: {  	_ =	shalt  }
0x65: {  	_ =	shalt  }
0x66: {  	_ =	shalt  }
0x67: {  	_ =	shalt  }
0x68: {  	_ =	shalt  }
0x69: {  	_ =	shalt  }
0x6a: {  	_ =	shalt  }
0x6b: {  	_ =	shalt  }
0x6c: {  	_ =	shalt  }
0x6d: {  	_ =	shalt  }
0x6e: {  	_ =	shalt  }
0x6f: {  	_ =	shalt  }
0x70: {  	_ =	shalt  }
0x71: {  	_ =	shalt  }
0x72: {  	_ =	shalt  }
0x73: {  	_ =	shalt  }
0x74: {  	_ =	shalt  }
0x75: {  	_ =	shalt  }
0x76: {  	_ =	shalt  }
0x77: {  	_ =	shalt  }
0x78: {  	_ =	shalt  }
0x79: {  	_ =	shalt  }
0x7a: {  	_ =	shalt  }
0x7b: {  	_ =	shalt  }
0x7c: {  	_ =	shalt  }
0x7d: {  	_ =	shalt  }
0x7e: {  	_ =	shalt  }
0x7f: {  	_ =	shalt  }
0x80: {  	_ =	shalt  }
0x81: {  	_ =	shalt  }
0x82: {  	_ =	shalt  }
0x83: {  	_ =	shalt  }
0x84: {  	_ =	shalt  }
0x85: {  	_ =	shalt  }
0x86: {  	_ =	shalt  }
0x87: {  	_ =	shalt  }
.Lfunc_end0:
.L_simem_size_0:
called_computation_lowered:
.L_overlay_start_0:
0x88: {  	s2 =	sld [smem:$0x3FD9]  }
0x89: {  	s3 =	sld [smem:$0x3FFE];
	_ =	sdelay $0x1  }
0x8a: {  	s1 =	srdreg.scid  }
0x8b: {  	s0 =	sand.u32 $0x1, s1  }
0x8c: {  	s17 =	sshll.u32 s0, $0xA;
	s2 =	sadd.s32 s3, s2  }
0x8d: {  	s2 =	sadd.s32 s2, s17  }
0x8e: {  	[smem:$0x3FC4] =	sst s2  }
0x8f: {  	_ = 	snop  }
0x90: {  	s2 =	sld [smem:$0x3FC8]  }
0x91: {  	s18 =	sld [smem:$0x3FD0];
	(tm) =	ssettm $0x1  }
0x92: {  	s4 =	sld [smem:$0x3FFB];
	_ =	sdelay $0x3  }
0x93: {  	_ =	strace s4  }
0x94: {  	s4 =	sld [smem:$0x3FFC];
	_ =	sdelay $0x3  }
0x95: {  	_ =	strace s4  }
0x96: {  	s4 =	sld [smem:$0x3FFD];
	_ =	sdelay $0x3  }
0x97: {  	_ =	strace s4  }
0x98: {  	_ =	strace $0x8FFFFFFF  }
0x99: {  	s19 =	sld [smem:$0x3FDB];
	_ =	sdelay $0x1  }
0x9a: {  	s5 =	simm.s32 $_scs_section_size  }
0x9b: {  	s6 =	simm.s32 $_size__tile_overlayer_lowered;
	s7 =	simm.s32 $_tile_overlayer_lowered  }
0x9c: {  	s22 =	simm.s32 $0x1BFF;
	s21 =	sshll.u32 s7, $0x1;
	s4 =	sadd.s32 s5, s19  }
0x9d: {  	s8 =	simm.s32 $0x0;
	s20 =	sshll.u32 s6, $0x1;
	s6 =	sadd.s32 s21, s4  }
0x9e: {  	[timem:s8], [sflag:s22] =	dma.local [hbm:s6], s20  }
0x9f: {  	_ =	swait.ge [sflag:s22], s20  }
0xa0: {  	s5 =	ssub.s32 $0x0, s20;
	[sflag:s22] =	ssyncset.done $0x0  }
0xa1: {  	[sflag:s22] =	ssyncadd.s32 s5;
	_ =	sdelay $0x1  }
0xa2: {  	s23 =	simm.s32 $0x1B8B  }
0xa3: {  	_ =	swait.ge [sflag:s23], $0x1  }
0xa4: {  	[sflag:s23] =	ssyncset.done $0x0  }
0xa5: {  	s25 =	simm.s32 $0x1B8E;
	s24 =	sld [smem:$0x3FFE];
	[sflag:s23] =	ssyncadd.s32 $0xFFFFFFFF  }
0xa6: {  	s26 =	simm.s32 $execute0_lowered;
	[smem:$0x3FD2] =	sst s25  }
0xa7: {  	s6 =	sshll.u32 s26, $0x1;
	_ =	strace $0x80000046;
	[dreg:$0x1] =	wrdreg $0xFFFFFFFF  }
0xa8: {  	s28 =	simm.s32 $_size_execute0_lowered;
	s4 =	sadd.s32 s4, s6;
	[dreg:$0x0] =	wrdreg $0x0  }
0xa9: {  	s6 =	sshll.u32 s28, $0x1;
	[dreg:$0x2] =	wrdreg s4  }
0xaa: {  	[dreg:$0x3] =	wrdreg s6  }
0xab: {  	[dreg:$0x4] =	wrdreg $0xC0  }
0xac: {  	_ =	task [dreg:s8], $0x5FFFF  }
0xad: {  	[dreg:$0x1] =	wrdreg $0xFFFFFFFF  }
0xae: {  	[dreg:$0x0] =	wrdreg $0x60  }
0xaf: {  	[dreg:$0x2] =	wrdreg s24  }
0xb0: {  	[dreg:$0x3] =	wrdreg s2  }
0xb1: {  	[dreg:$0x4] =	wrdreg s18  }
0xb2: {  	[dreg:$0x5] =	wrdreg $0x9  }
0xb3: {  	_ =	task.clear_ibuf [dreg:s8], $0x6FFFF;
	_ =	strace $0x90000046  }
0xb4: {  	s29 =	simm.s32 $0x9;
	_ =	strace $0x80000048  }
0xb5: {  	_ =	swait.ge [sflag:s29], $0x1  }
0xb6: {  	[sflag:s29] =	ssyncadd.s32 $0xFFFFFFFF  }
0xb7: {  	_ =	strace $0x90000048  }
0xb8: {  	_ =	sfence  }
0xb9: {  	s30 =	sld [smem:$0x0];
	_ =	sdelay $0x2  }
0xba: {  	s31 =	sshll.u32 s1, $0xD;
	s1 =	sshrl.u32 s1, $0x2  }
0xbb: {  	s3 =	sand.u32 $0x4000, s31;
	s1 =	sadd.s32 s1, s30  }
0xbc: {  	s0 =	sor.u32 s3, s0;
	s1 =	sshll.u32 s1, $0x11  }
0xbd: {  	s0 =	sor.u32 s1, s0  }
0xbe: {  	s0 =	sadd.s32 $0x8F2B, s0  }
0xbf: {  	[sflag:s0] =	ssyncadd.remote.s32 $0x1  }
0xc0: {  	_ =	sfence.sel $0xFFFF  }
0xc1: {  	[dreg:$0x0] =	wrdreg $0xFFFFFFFF;
	(pc) =	sbr.abs _section_cstart, $3  }
0xc2: {  	[dreg:$0x1] =	wrdreg $0xFFFFFFFF  }
0xc3: {  	_ =	task.clear_ibuf [dreg:s8], $0x2FFFF;
	_ =	strace $0x9FFFFFFF  }
0xc4: {  	(tm) =	ssettm $0x7FFFFFFF  }
0xc5: {  	_ =	shalt  }
tec
execute0_lowered:
.L_overlay_start_1:
0x0: {  	(tag) =	ssettag $0x1  }
0x1: {  	s4 =	rddreg [dreg:$0x0]  }
0x2: {  	s2 =	rddreg [dreg:$0x1]  }
0x3: {  	s5 =	rddreg [dreg:$0x2]  }
0x4: {  	s6 =	srdreg.scid;
	s0 =	stileid.u32  }
0x5: {  	s3 =	simm.s32 $0x0;
	s14 =	simm.s32 $0x1;
	s15 =	simm.s32 $0xBC00  }
0x6: {  	s16 =	simm.s32 $0xF000;
	s6 =	sand.u32 $0x1, s6;
	s7 =	sshll.u32 s0, $0x1  }
0x7: {  	s17 =	simm.s32 $0x0;
	[smem:$0x7FF] =	sst s3;
	s7 =	sor.u32 s6, s7  }
0x8: {  	_ =	strace $0x80000047;
	s6 =	ssub.s32 $0x2, s6;
	s8 =	sshll.u32 s7, $0xA  }
0x9: {  	s31 =	sshrl.u32 s6, $0x1;
	s7 =	sshll.u32 s7, $0xB;
	s4 =	sadd.s32 s8, s4  }
0xa: {  	s6 =	ssub.s32 s6, s31;
	s5 =	sadd.s32 s5, s7;
	s7 =	simm.s32 $0x2  }
0xb: {  	v0 =	vimm.f32 $1.000000000e+00;
	vm0 =	vmmov $0x3;
	vm1 =	vmmov $0xfff;
	s8 =	simm.s32 $0x64;
	s4 =	sadd.s32 $0xA00, s4;
	s6 =	smax.u32 s6, $0x1  }
.LBB2_1:
0xc: {  	[tilespmem:s3], [sflag:$0x2] =	stream.linear.gather [hbm4b:s4+s3], $0x2000, $0x38;
	[tilespmem:$0x13000] =	vst v63  }
0xd: {  	_ =	swait.ge [sflag:s7], $0x2000  }
0xe: {  	[sflag:s7] =	ssyncset.done $0x0  }
0xf: {  	s0 =	simm.s32 $0x2000;
	[sflag:s7] =	ssyncadd.s32 $0xFFFFE000  }
0x10: {  	[tilespmem:s0], [sflag:$0x1] =	stream.indirect.gather [hbm4b:s2+s8], $0x80, s3, s8, $0xb8;
	[tilespmem:$0x13000] =	vst v63  }
0x11: {  	s29 =	simm.s32 $0x80;
	s1 =	simm.s32 $0x5400  }
0x12: {  	[tilespmem:s1], [sflag:$0x1] =	stream.indirect.gather [hbm4b:s2+s8], $0x80, s29, s8, $0xb8;
	[tilespmem:$0x13000] =	vst v63  }
0x13: {  	s30 =	simm.s32 $0x100;
	s31 =	simm.s32 $0x8800;
	s18 =	simm.s32 $0x0  }
0x14: {  	[tilespmem:s31], [sflag:$0x1] =	stream.indirect.gather [hbm4b:s2+s8], $0x80, s30, s8, $0xb8;
	[tilespmem:$0x13000] =	vst v63  }
.LBB2_2:
0x15: {  	_ =	swait.ge [sflag:s14], $0x3200;
	s19 =	sshllo.u32 s18, $0x2  }
0x16: {  	[sflag:s14] =	ssyncset.done $0x0;
	s20 =	sshll.u32 s19, $0x7  }
0x17: {  	s23 =	simm.s32 $0x80;
	[sflag:s14] =	ssyncadd.s32 $0xFFFFCE00;
	s20 =	sand.u32 $0x3FFFFF80, s20  }
0x18: {  	[tilespmem:s15], [sflag:$0x1] =	stream.indirect.gather [hbm4b:s2+s8], $0x80, s20, s8, $0xb8;
	[tilespmem:$0x13000] =	vst v63  }
0x19: {  	v8 =	vld [tilespmem:s23+$0x2000]  }
0x1a: {  	v9 =	vld [tilespmem:s23+$0x2010]  }
0x1b: {  	v10 =	vld [tilespmem:s23+$0x2020]  }
0x1c: {  	v11 =	vld [tilespmem:s23+$0x2030]  }
0x1d: {  	v12 =	vld [tilespmem:s23+$0x2040]  }
0x1e: {  	v16 =	vld [tilespmem:s23+$0x2050]  }
0x1f: {  	v20 =	vld [tilespmem:s23+$0x2060]  }
0x20: {  	v21 =	vld [tilespmem:s23+$0x2070]  }
0x21: {  	v7 =	vld [tilespmem:s23+$0x3900]  }
0x22: {  	v6 =	vld [tilespmem:s23+$0x3910]  }
0x23: {  	v4 =	vld [tilespmem:s23+$0x3920]  }
0x24: {  	v3 =	vld [tilespmem:s23+$0x3930]  }
0x25: {  	v1 =	vld [tilespmem:s23+$0x1F80]  }
0x26: {  	v2 =	vld [tilespmem:s23+$0x1F90]  }
0x27: {  	v13 =	vld [tilespmem:s23+$0x1FA0]  }
0x28: {  	v14 =	vld [tilespmem:s23+$0x1FB0]  }
0x29: {  	v17 =	vld [tilespmem:s23+$0x1FC0]  }
0x2a: {  	v19 =	vld [tilespmem:s23+$0x1FD0]  }
0x2b: {  	v5 =	vimm.f32 $0.0e+00;
	v22 =	vld [tilespmem:s23+$0x1FE0]  }
0x2c: {  	v24 =	vld [tilespmem:s23+$0x1FF0];
	v15 =	vadd.f32 v1, v5;
	v23 =	vadd.f32 v2, v5  }
0x2d: {  	v26 =	vld [tilespmem:s23+$0x3880];
	v13 =	vadd.f32 v13, v5;
	v25 =	vadd.f32 v14, v5  }
0x2e: {  	v27 =	vld [tilespmem:s23+$0x3890];
	v18 =	vadd.f32 v8, v15;
	v14 =	vadd.f32 v9, v23  }
0x2f: {  	v28 =	vld [tilespmem:s23+$0x38A0];
	v15 =	vadd.f32 v10, v13;
	v13 =	vadd.f32 v11, v25  }
0x30: {  	v29 =	vld [tilespmem:s23+$0x38B0];
	v8 =	vadd.f32 v17, v5;
	v9 =	vadd.f32 v19, v5  }
0x31: {  	v1 =	vld [tilespmem:s23+$0x3940];
	v10 =	vadd.f32 v22, v5;
	v11 =	vadd.f32 v24, v5  }
0x32: {  	v2 =	vld [tilespmem:s23+$0x3950];
	v19 =	vadd.f32 v12, v8;
	v17 =	vadd.f32 v16, v9  }
0x33: {  	v23 =	vld [tilespmem:s23+$0x38C0];
	v22 =	vimm.f32 $0.0e+00;
	v16 =	vadd.f32 v20, v10;
	v10 =	vadd.f32 v21, v11  }
0x34: {  	v24 =	vld [tilespmem:s23+$0x38D0];
	v21 =	vimm.f32 $0.0e+00;
	v20 =	vimm.f32 $0.0e+00;
	v11 =	vimm.f32 $0.0e+00  }
0x35: {  	s22 =	sshll.u32 s18, $0x2;
	s21 =	simm.s32 $0x600;
	v25 =	vld [tilespmem:s23+$0x38E0];
	v12 =	vimm.f32 $0.0e+00;
	v9 =	vimm.f32 $0.0e+00;
	v8 =	vimm.f32 $0.0e+00  }
.LBB2_3:
0x36: {  	p0 =	sne.s32 s21, $0x6200;
	v5 =	vadd.f32 v26, v5;
	v21 =	vadd.f32 v27, v21;
	v26 =	vld [tilespmem:s23+$0x38F0]  }
0x37: {  	v22 =	vadd.f32 v28, v22;
	v20 =	vadd.f32 v29, v20;
	v27 =	vld [tilespmem:s23+$0x3960]  }
0x38: {  	v5 =	vadd.f32 v7, v5;
	v21 =	vadd.f32 v6, v21;
	v6 =	vld [tilespmem:s23+$0x3970];
	s23 =	sshra.s32 s21, $0x2  }
0x39: {  	v22 =	vadd.f32 v4, v22;
	v28 =	vld [tilespmem:s23+$0x2000];
	v20 =	vadd.f32 v3, v20  }
0x3a: {  	v3 =	vadd.f32 v23, v11;
	v4 =	vadd.f32 v24, v12;
	v29 =	vld [tilespmem:s23+$0x2010]  }
0x3b: {  	v7 =	vadd.f32 v25, v9;
	v23 =	vld [tilespmem:s23+$0x2020];
	v8 =	vadd.f32 v26, v8  }
0x3c: {  	v11 =	vadd.f32 v1, v3;
	v12 =	vadd.f32 v2, v4;
	v24 =	vld [tilespmem:s23+$0x2030]  }
0x3d: {  	v9 =	vadd.f32 v27, v7;
	v25 =	vld [tilespmem:s23+$0x2040];
	v8 =	vadd.f32 v6, v8  }
0x3e: {  	v30 =	vld [tilespmem:s23+$0x2050]  }
0x3f: {  	v31 =	vld [tilespmem:s23+$0x2060]  }
0x40: {  	v32 =	vld [tilespmem:s23+$0x2070]  }
0x41: {  	v7 =	vld [tilespmem:s23+$0x3900]  }
0x42: {  	v6 =	vld [tilespmem:s23+$0x3910]  }
0x43: {  	v4 =	vld [tilespmem:s23+$0x3920]  }
0x44: {  	v3 =	vld [tilespmem:s23+$0x3930]  }
0x45: {  	v1 =	vld [tilespmem:s23+$0x3940]  }
0x46: {  	v2 =	vld [tilespmem:s23+$0x3950]  }
0x47: {  	v26 =	vld [tilespmem:s23+$0x1F80]  }
0x48: {  	v27 =	vld [tilespmem:s23+$0x1F90]  }
0x49: {  	v33 =	vld [tilespmem:s23+$0x1FA0]  }
0x4a: {  	v34 =	vld [tilespmem:s23+$0x1FB0]  }
0x4b: {  	v35 =	vld [tilespmem:s23+$0x1FC0]  }
0x4c: {  	v36 =	vld [tilespmem:s23+$0x1FD0]  }
0x4d: {  	v37 =	vld [tilespmem:s23+$0x1FE0]  }
0x4e: {  	v18 =	vadd.f32 v26, v18;
	v14 =	vadd.f32 v27, v14;
	v38 =	vld [tilespmem:s23+$0x1FF0]  }
0x4f: {  	v15 =	vadd.f32 v33, v15;
	v13 =	vadd.f32 v34, v13;
	v26 =	vld [tilespmem:s23+$0x3880]  }
0x50: {  	v18 =	vadd.f32 v28, v18;
	v14 =	vadd.f32 v29, v14;
	v27 =	vld [tilespmem:s23+$0x3890]  }
.Ltmp0:
0x51: {  	v15 =	vadd.f32 v23, v15;
	v28 =	vld [tilespmem:s23+$0x38A0];
	v13 =	vadd.f32 v24, v13;
	(pc) =	sbr.rel @p0 .LBB2_3-.Ltmp0, $4  }
0x52: {  	v19 =	vadd.f32 v35, v19;
	v17 =	vadd.f32 v36, v17;
	v29 =	vld [tilespmem:s23+$0x38B0]  }
0x53: {  	v16 =	vadd.f32 v37, v16;
	v10 =	vadd.f32 v38, v10;
	v23 =	vld [tilespmem:s23+$0x38C0]  }
0x54: {  	v19 =	vadd.f32 v25, v19;
	v17 =	vadd.f32 v30, v17;
	v24 =	vld [tilespmem:s23+$0x38D0]  }
0x55: {  	s21 =	sadd.s32 $0x400, s21;
	v16 =	vadd.f32 v31, v16;
	v25 =	vld [tilespmem:s23+$0x38E0];
	v10 =	vadd.f32 v32, v10  }
0x56: {  	s21 =	sshll.u32 s18, $0x9  }
0x57: {  	s21 =	sand.u32 $0x3FFFFE00, s21  }
0x58: {  	v30 =	vld [tilespmem:s21+$0x0]  }
0x59: {  	v31 =	vld [tilespmem:s21+$0x10];
	_ =	sdelay $0x1  }
0x5a: {  	v32 =	vld [tilespmem:s21+$0x20]  }
0x5b: {  	v33 =	vld [tilespmem:s21+$0x30];
	_ =	sdelay $0x1  }
0x5c: {  	vm2 =	veq.s32 v30, $0x0;
	vm3 =	veq.s32 v31, $0x0  }
0x5d: {  	v30 =	vsel vm2, $0x0, v0;
	v31 =	vsel vm3, $0x0, v0  }
0x5e: {  	vm2 =	veq.s32 v32, $0x0;
	v30 =	vadd.f32 v31, v30  }
0x5f: {  	v31 =	vsel vm2, $0x0, v0;
	vm2 =	veq.s32 v33, $0x0  }
0x60: {  	v56 =	vsel vm2, $0x0, v0;
	v30 =	vadd.f32 v31, v30  }
0x61: {  	v31 =	vnsel vm0, $0x0, v56  }
0x62: {  	v30 =	vadd.f32 v31, v30;
	_ =	sdelay $0x1  }
0x63: {  	(v2sf) =	vpush v30, $0x0  }
0x64: {  	(v2sf) =	vpush v30, $0x1  }
0x65: {  	(v2sf) =	vpush v30, $0x2  }
0x66: {  	v57 =	vld [tilespmem:s21+$0x40];
	(v2sf) =	vpush v30, $0x3  }
0x67: {  	(v2sf) =	vpush v30, $0x4  }
0x68: {  	v34 =	vld [tilespmem:s21+$0x50];
	(v2sf) =	vpush v30, $0x5  }
0x69: {  	v35 =	vld [tilespmem:s21+$0x54];
	(v2sf) =	vpush v30, $0x6  }
0x6a: {  	(v2sf) =	vpush v30, $0x7  }
0x6b: {  	vm2 =	veq.s32 v57, $0x0;
	v31 =	vsub.f32 v56, v31;
	(v2sf) =	vpush v30, $0x8  }
0x6c: {  	v58 =	vsel vm2, $0x0, v0;
	(v2sf) =	vpush v30, $0x9  }
0x6d: {  	vm2 =	veq.s32 v34, $0x0;
	v31 =	vadd.f32 v31, v58;
	(v2sf) =	vpush v30, $0xA  }
0x6e: {  	v59 =	vsel vm2, $0x0, v0;
	vm2 =	veq.s32 v35, $0x0;
	(v2sf) =	vpush v30, $0xB  }
0x6f: {  	v60 =	vsel vm2, $0x0, v0;
	v31 =	vadd.f32 v31, v59;
	(v2sf) =	vpush v30, $0xC  }
0x70: {  	v61 =	vsel vm1, $0x0, v60;
	(v2sf) =	vpush v30, $0xD  }
0x71: {  	v31 =	vadd.f32 v61, v31;
	(v2sf) =	vpush v30, $0xE  }
0x72: {  	s24 =	spop (v2sf);
	(v2sf) =	vpush v30, $0xF  }
0x73: {  	s25 =	spop (v2sf);
	(v2sf) =	vpush v31, $0x0  }
0x74: {  	s26 =	spop (v2sf);
	(v2sf) =	vpush v31, $0x1  }
0x75: {  	s28 =	spop (v2sf)  }
0x76: {  	(v2sf) =	vpush v31, $0x2;
	s29 =	spop (v2sf)  }
0x77: {  	s30 =	spop (v2sf)  }
0x78: {  	(v2sf) =	vpush v31, $0x3;
	s31 =	spop (v2sf)  }
0x79: {  	s0 =	spop (v2sf)  }
0x7a: {  	(v2sf) =	vpush v31, $0x4;
	s1 =	spop (v2sf)  }
0x7b: {  	s24 =	sadd.f32 s25, s24;
	s9 =	spop (v2sf)  }
0x7c: {  	(v2sf) =	vpush v31, $0x5;
	s25 =	spop (v2sf)  }
0x7d: {  	s24 =	sadd.f32 s24, s26;
	s10 =	spop (v2sf)  }
0x7e: {  	(v2sf) =	vpush v31, $0x6;
	s26 =	spop (v2sf)  }
0x7f: {  	s24 =	sadd.f32 s24, s28;
	s11 =	spop (v2sf)  }
0x80: {  	(v2sf) =	vpush v31, $0x7;
	s28 =	spop (v2sf)  }
0x81: {  	s24 =	sadd.f32 s24, s29;
	s12 =	spop (v2sf)  }
0x82: {  	(v2sf) =	vpush v31, $0x8;
	s29 =	spop (v2sf)  }
0x83: {  	s24 =	sadd.f32 s24, s30;
	s13 =	spop (v2sf)  }
0x84: {  	(v2sf) =	vpush v31, $0x9;
	s29 =	sadd.f32 s13, s29  }
0x85: {  	s24 =	sadd.f32 s24, s31;
	s13 =	spop (v2sf)  }
0x86: {  	(v2sf) =	vpush v31, $0xA;
	s29 =	sadd.f32 s29, s13  }
0x87: {  	s0 =	sadd.f32 s24, s0;
	s31 =	spop (v2sf)  }
0x88: {  	(v2sf) =	vpush v31, $0xB;
	s24 =	sadd.f32 s29, s31  }
0x89: {  	s0 =	sadd.f32 s0, s1;
	s13 =	spop (v2sf)  }
0x8a: {  	(v2sf) =	vpush v31, $0xC;
	s1 =	sadd.f32 s24, s13  }
0x8b: {  	s0 =	sadd.f32 s0, s9;
	s29 =	spop (v2sf)  }
0x8c: {  	(v2sf) =	vpush v31, $0xD;
	s1 =	sadd.f32 s1, s29  }
0x8d: {  	s0 =	sadd.f32 s0, s25;
	s30 =	spop (v2sf)  }
0x8e: {  	(v2sf) =	vpush v31, $0xE;
	s1 =	sadd.f32 s1, s30  }
0x8f: {  	s0 =	sadd.f32 s0, s10;
	s31 =	spop (v2sf)  }
0x90: {  	(v2sf) =	vpush v31, $0xF;
	s1 =	sadd.f32 s1, s31  }
0x91: {  	s0 =	sadd.f32 s0, s26;
	s10 =	spop (v2sf)  }
0x92: {  	s1 =	sadd.f32 s1, s10  }
0x93: {  	s0 =	sadd.f32 s0, s11;
	s11 =	spop (v2sf)  }
0x94: {  	s1 =	sadd.f32 s1, s11  }
0x95: {  	s13 =	spop (v2sf)  }
0x96: {  	s1 =	sadd.f32 s1, s13  }
0x97: {  	s0 =	sadd.f32 s0, s28;
	s24 =	spop (v2sf)  }
0x98: {  	s1 =	sadd.f32 s1, s24  }
0x99: {  	s0 =	sadd.f32 s0, s12;
	s25 =	spop (v2sf)  }
0x9a: {  	s26 =	sadd.f32 s1, s25  }
0x9b: {  	v30 =	vmov s0;
	s28 =	spop (v2sf)  }
0x9c: {  	v30 =	vmax.f32 v30, $1.000000000e+00;
	s0 =	sadd.f32 s26, s28  }
0x9d: {  	v30 =	vbroadcast v30, $0x0;
	s29 =	spop (v2sf)  }
0x9e: {  	s0 =	sadd.f32 s0, s29  }
0x9f: {  	(erf) = vrcp.f32 v30;
	s30 =	spop (v2sf)  }
0xa0: {  	s0 =	sadd.f32 s0, s30;
	_ =	sdelay $0x1  }
0xa1: {  	v30 =	vmov s0  }
0xa2: {  	v30 =	vmax.f32 v30, $1.000000000e+00  }
0xa3: {  	v30 =	vbroadcast v30, $0x0;
	_ =	sdelay $0x2  }
0xa4: {  	(erf) = vrcp.f32 v30  }
0xa5: {  	v30 =	vpop (erf)  }
0xa6: {  	v62 =	vld [tilespmem:s23+$0x3960];
	s31 =	sshll.u32 s18, $0xA;
	v18 =	vmul.f32 v30, v18  }
0xa7: {  	v63 =	vld [tilespmem:s23+$0x3970];
	s0 =	sand.u32 $0x3FFFFC00, s31;
	v15 =	vmul.f32 v30, v15  }
0xa8: {  	v5 =	vadd.f32 v26, v5;
	v31 =	vld [tilespmem:s23+$0x38F0];
	v14 =	vmul.f32 v30, v14;
	[tilespmem:s0+$0xF000] =	vst v18  }
0xa9: {  	v13 =	vmul.f32 v30, v13;
	[tilespmem:s0+$0xF020] =	vst v15;
	v15 =	vadd.f32 v27, v21  }
0xaa: {  	v5 =	vadd.f32 v7, v5;
	v7 =	vmul.f32 v30, v16;
	[tilespmem:s0+$0xF010] =	vst v14  }
0xab: {  	v10 =	vmul.f32 v30, v10;
	[tilespmem:s0+$0xF030] =	vst v13  }
0xac: {  	v14 =	vmul.f32 v30, v19;
	v13 =	vmul.f32 v30, v17;
	v17 =	vadd.f32 v28, v22;
	[tilespmem:s0+$0xF060] =	vst v7  }
0xad: {  	v11 =	vadd.f32 v23, v11;
	[tilespmem:s0+$0xF070] =	vst v10;
	v6 =	vadd.f32 v6, v15;
	v15 =	vpop (erf)  }
0xae: {  	v7 =	vadd.f32 v24, v12;
	[tilespmem:s0+$0xF040] =	vst v14;
	v4 =	vadd.f32 v4, v17;
	v5 =	vmul.f32 v15, v5  }
0xaf: {  	v1 =	vadd.f32 v1, v11;
	v14 =	vadd.f32 v29, v20;
	[tilespmem:s0+$0xF050] =	vst v13;
	v6 =	vmul.f32 v15, v6  }
0xb0: {  	v9 =	vadd.f32 v25, v9;
	v2 =	vadd.f32 v2, v7;
	v4 =	vmul.f32 v15, v4;
	[tilespmem:s0+$0xF080] =	vst v5  }
0xb1: {  	v3 =	vadd.f32 v3, v14;
	v1 =	vmul.f32 v15, v1;
	v5 =	vadd.f32 v31, v8;
	[tilespmem:s0+$0xF090] =	vst v6  }
0xb2: {  	v2 =	vmul.f32 v15, v2;
	v6 =	vadd.f32 v62, v9;
	[tilespmem:s0+$0xF0A0] =	vst v4  }
0xb3: {  	v3 =	vmul.f32 v15, v3;
	[tilespmem:s0+$0xF0C0] =	vst v1;
	v4 =	vadd.f32 v63, v5  }
0xb4: {  	[tilespmem:s0+$0xF0D0] =	vst v2;
	v1 =	vmul.f32 v15, v6  }
0xb5: {  	[tilespmem:s0+$0xF0B0] =	vst v3;
	v2 =	vmul.f32 v15, v4  }
0xb6: {  	[tilespmem:s0+$0xF0E0] =	vst v1  }
0xb7: {  	[tilespmem:s0+$0xF0F0] =	vst v2  }
0xb8: {  	p0 =	seq.s32 s18, $0xF;
	_ =	swait.ge [sflag:s14], $0x3200  }
0xb9: {  	s9 =	simm.s32 @!p0 $0x2000;
	s23 =	simm.s32 $0x80;
	[sflag:s14] =	ssyncset.done $0x0  }
0xba: {  	s1 =	simm.s32 @!p0 $0x64;
	s0 =	sadd.s32 @!p0 $0x200, s21;
	[sflag:s14] =	ssyncadd.s32 $0xFFFFCE00  }
0xbb: {  	[tilespmem:s9], [sflag:$0x1] =	stream.indirect.gather @!p0 [hbm4b:s2+s1], $0x80, s0, s1, $0xb8;
	[tilespmem:$0x13000] =	vst v63  }
0xbc: {  	v8 =	vld [tilespmem:s23+$0x5400]  }
0xbd: {  	v9 =	vld [tilespmem:s23+$0x5410]  }
0xbe: {  	v10 =	vld [tilespmem:s23+$0x5420]  }
0xbf: {  	v11 =	vld [tilespmem:s23+$0x5430]  }
0xc0: {  	v12 =	vld [tilespmem:s23+$0x5440]  }
0xc1: {  	v16 =	vld [tilespmem:s23+$0x5450]  }
0xc2: {  	v20 =	vld [tilespmem:s23+$0x5460]  }
0xc3: {  	v21 =	vld [tilespmem:s23+$0x5470]  }
0xc4: {  	v7 =	vld [tilespmem:s23+$0x6D00]  }
0xc5: {  	v6 =	vld [tilespmem:s23+$0x6D10]  }
0xc6: {  	v4 =	vld [tilespmem:s23+$0x6D20]  }
0xc7: {  	v3 =	vld [tilespmem:s23+$0x6D30]  }
0xc8: {  	v1 =	vld [tilespmem:s23+$0x5380]  }
0xc9: {  	v2 =	vld [tilespmem:s23+$0x5390]  }
0xca: {  	v13 =	vld [tilespmem:s23+$0x53A0]  }
0xcb: {  	v14 =	vld [tilespmem:s23+$0x53B0]  }
0xcc: {  	v17 =	vld [tilespmem:s23+$0x53C0]  }
0xcd: {  	v19 =	vld [tilespmem:s23+$0x53D0]  }
0xce: {  	v5 =	vimm.f32 $0.0e+00;
	v22 =	vld [tilespmem:s23+$0x53E0]  }
0xcf: {  	v24 =	vld [tilespmem:s23+$0x53F0];
	v15 =	vadd.f32 v1, v5;
	v23 =	vadd.f32 v2, v5  }
0xd0: {  	v26 =	vld [tilespmem:s23+$0x6C80];
	v13 =	vadd.f32 v13, v5;
	v25 =	vadd.f32 v14, v5  }
0xd1: {  	v27 =	vld [tilespmem:s23+$0x6C90];
	v18 =	vadd.f32 v8, v15;
	v14 =	vadd.f32 v9, v23  }
0xd2: {  	v28 =	vld [tilespmem:s23+$0x6CA0];
	v15 =	vadd.f32 v10, v13;
	v13 =	vadd.f32 v11, v25  }
0xd3: {  	v29 =	vld [tilespmem:s23+$0x6CB0];
	v8 =	vadd.f32 v17, v5;
	v9 =	vadd.f32 v19, v5  }
0xd4: {  	v1 =	vld [tilespmem:s23+$0x6D40];
	v10 =	vadd.f32 v22, v5;
	v11 =	vadd.f32 v24, v5  }
0xd5: {  	v2 =	vld [tilespmem:s23+$0x6D50];
	v19 =	vadd.f32 v12, v8;
	v17 =	vadd.f32 v16, v9  }
0xd6: {  	v23 =	vld [tilespmem:s23+$0x6CC0];
	v22 =	vimm.f32 $0.0e+00;
	v16 =	vadd.f32 v20, v10;
	v10 =	vadd.f32 v21, v11  }
0xd7: {  	v24 =	vld [tilespmem:s23+$0x6CD0];
	v21 =	vimm.f32 $0.0e+00;
	v20 =	vimm.f32 $0.0e+00;
	v12 =	vimm.f32 $0.0e+00  }
0xd8: {  	s24 =	simm.s32 $0x600;
	v25 =	vld [tilespmem:s23+$0x6CE0];
	v11 =	vimm.f32 $0.0e+00;
	v9 =	vimm.f32 $0.0e+00;
	v8 =	vimm.f32 $0.0e+00  }
.LBB2_5:
0xd9: {  	p1 =	sne.s32 s24, $0x6200;
	v5 =	vadd.f32 v26, v5;
	v21 =	vadd.f32 v27, v21;
	v26 =	vld [tilespmem:s23+$0x6CF0]  }
0xda: {  	v22 =	vadd.f32 v28, v22;
	v20 =	vadd.f32 v29, v20;
	v27 =	vld [tilespmem:s23+$0x6D60]  }
0xdb: {  	v5 =	vadd.f32 v7, v5;
	v21 =	vadd.f32 v6, v21;
	v6 =	vld [tilespmem:s23+$0x6D70];
	s23 =	sshra.s32 s24, $0x2  }
0xdc: {  	v22 =	vadd.f32 v4, v22;
	v28 =	vld [tilespmem:s23+$0x5400];
	v20 =	vadd.f32 v3, v20  }
0xdd: {  	v3 =	vadd.f32 v23, v12;
	v4 =	vadd.f32 v24, v11;
	v29 =	vld [tilespmem:s23+$0x5410]  }
0xde: {  	v7 =	vadd.f32 v25, v9;
	v23 =	vld [tilespmem:s23+$0x5420];
	v8 =	vadd.f32 v26, v8  }
0xdf: {  	v12 =	vadd.f32 v1, v3;
	v11 =	vadd.f32 v2, v4;
	v24 =	vld [tilespmem:s23+$0x5430]  }
0xe0: {  	v9 =	vadd.f32 v27, v7;
	v25 =	vld [tilespmem:s23+$0x5440];
	v8 =	vadd.f32 v6, v8  }
0xe1: {  	v30 =	vld [tilespmem:s23+$0x5450]  }
0xe2: {  	v31 =	vld [tilespmem:s23+$0x5460]  }
0xe3: {  	v32 =	vld [tilespmem:s23+$0x5470]  }
0xe4: {  	v7 =	vld [tilespmem:s23+$0x6D00]  }
0xe5: {  	v6 =	vld [tilespmem:s23+$0x6D10]  }
0xe6: {  	v4 =	vld [tilespmem:s23+$0x6D20]  }
0xe7: {  	v3 =	vld [tilespmem:s23+$0x6D30]  }
0xe8: {  	v1 =	vld [tilespmem:s23+$0x6D40]  }
0xe9: {  	v2 =	vld [tilespmem:s23+$0x6D50]  }
0xea: {  	v26 =	vld [tilespmem:s23+$0x5380]  }
0xeb: {  	v27 =	vld [tilespmem:s23+$0x5390]  }
0xec: {  	v33 =	vld [tilespmem:s23+$0x53A0]  }
0xed: {  	v34 =	vld [tilespmem:s23+$0x53B0]  }
0xee: {  	v35 =	vld [tilespmem:s23+$0x53C0]  }
0xef: {  	v36 =	vld [tilespmem:s23+$0x53D0]  }
0xf0: {  	v37 =	vld [tilespmem:s23+$0x53E0]  }
0xf1: {  	v18 =	vadd.f32 v26, v18;
	v14 =	vadd.f32 v27, v14;
	v38 =	vld [tilespmem:s23+$0x53F0]  }
0xf2: {  	v15 =	vadd.f32 v33, v15;
	v13 =	vadd.f32 v34, v13;
	v26 =	vld [tilespmem:s23+$0x6C80]  }
0xf3: {  	v18 =	vadd.f32 v28, v18;
	v14 =	vadd.f32 v29, v14;
	v27 =	vld [tilespmem:s23+$0x6C90]  }
.Ltmp1:
0xf4: {  	v15 =	vadd.f32 v23, v15;
	v28 =	vld [tilespmem:s23+$0x6CA0];
	v13 =	vadd.f32 v24, v13;
	(pc) =	sbr.rel @p1 .LBB2_5-.Ltmp1, $4  }
0xf5: {  	v19 =	vadd.f32 v35, v19;
	v17 =	vadd.f32 v36, v17;
	v29 =	vld [tilespmem:s23+$0x6CB0]  }
0xf6: {  	v16 =	vadd.f32 v37, v16;
	v10 =	vadd.f32 v38, v10;
	v23 =	vld [tilespmem:s23+$0x6CC0]  }
0xf7: {  	v19 =	vadd.f32 v25, v19;
	v17 =	vadd.f32 v30, v17;
	v24 =	vld [tilespmem:s23+$0x6CD0]  }
0xf8: {  	s24 =	sadd.s32 $0x400, s24;
	v16 =	vadd.f32 v31, v16;
	v25 =	vld [tilespmem:s23+$0x6CE0];
	v10 =	vadd.f32 v32, v10  }
0xf9: {  	s24 =	sor.u32 $0x1, s22  }
0xfa: {  	s0 =	sshll.u32 s24, $0x7  }
0xfb: {  	s0 =	sand.u32 $0x3FFFFF80, s0  }
0xfc: {  	v30 =	vld [tilespmem:s0+$0x0]  }
0xfd: {  	v31 =	vld [tilespmem:s0+$0x10];
	_ =	sdelay $0x1  }
0xfe: {  	v32 =	vld [tilespmem:s0+$0x20]  }
0xff: {  	v33 =	vld [tilespmem:s0+$0x30];
	_ =	sdelay $0x1  }
0x100: {  	vm2 =	veq.s32 v30, $0x0;
	vm3 =	veq.s32 v31, $0x0  }
0x101: {  	v30 =	vsel vm2, $0x0, v0;
	v31 =	vsel vm3, $0x0, v0  }
0x102: {  	vm2 =	veq.s32 v32, $0x0;
	v30 =	vadd.f32 v31, v30  }
0x103: {  	v31 =	vsel vm2, $0x0, v0;
	vm2 =	veq.s32 v33, $0x0  }
0x104: {  	v56 =	vsel vm2, $0x0, v0;
	v30 =	vadd.f32 v31, v30  }
0x105: {  	v31 =	vnsel vm0, $0x0, v56  }
0x106: {  	v30 =	vadd.f32 v31, v30;
	_ =	sdelay $0x1  }
0x107: {  	(v2sf) =	vpush v30, $0x0  }
0x108: {  	(v2sf) =	vpush v30, $0x1  }
0x109: {  	(v2sf) =	vpush v30, $0x2  }
0x10a: {  	v57 =	vld [tilespmem:s0+$0x40];
	(v2sf) =	vpush v30, $0x3  }
0x10b: {  	(v2sf) =	vpush v30, $0x4  }
0x10c: {  	v34 =	vld [tilespmem:s0+$0x50];
	(v2sf) =	vpush v30, $0x5  }
0x10d: {  	v35 =	vld [tilespmem:s0+$0x54];
	(v2sf) =	vpush v30, $0x6  }
0x10e: {  	(v2sf) =	vpush v30, $0x7  }
0x10f: {  	vm2 =	veq.s32 v57, $0x0;
	v31 =	vsub.f32 v56, v31;
	(v2sf) =	vpush v30, $0x8  }
0x110: {  	v58 =	vsel vm2, $0x0, v0;
	(v2sf) =	vpush v30, $0x9  }
0x111: {  	vm2 =	veq.s32 v34, $0x0;
	v31 =	vadd.f32 v31, v58;
	(v2sf) =	vpush v30, $0xA  }
0x112: {  	v59 =	vsel vm2, $0x0, v0;
	vm2 =	veq.s32 v35, $0x0;
	(v2sf) =	vpush v30, $0xB  }
0x113: {  	v60 =	vsel vm2, $0x0, v0;
	v31 =	vadd.f32 v31, v59;
	(v2sf) =	vpush v30, $0xC  }
0x114: {  	v61 =	vsel vm1, $0x0, v60;
	(v2sf) =	vpush v30, $0xD  }
0x115: {  	v31 =	vadd.f32 v61, v31;
	(v2sf) =	vpush v30, $0xE  }
0x116: {  	s13 =	spop (v2sf);
	(v2sf) =	vpush v30, $0xF  }
0x117: {  	s1 =	spop (v2sf);
	(v2sf) =	vpush v31, $0x0  }
0x118: {  	s9 =	spop (v2sf);
	(v2sf) =	vpush v31, $0x1  }
0x119: {  	s10 =	spop (v2sf)  }
0x11a: {  	(v2sf) =	vpush v31, $0x2;
	s11 =	spop (v2sf)  }
0x11b: {  	s12 =	spop (v2sf)  }
0x11c: {  	(v2sf) =	vpush v31, $0x3;
	s25 =	spop (v2sf)  }
0x11d: {  	s26 =	spop (v2sf)  }
0x11e: {  	(v2sf) =	vpush v31, $0x4;
	s28 =	spop (v2sf)  }
0x11f: {  	s0 =	sadd.f32 s1, s13;
	s29 =	spop (v2sf)  }
0x120: {  	(v2sf) =	vpush v31, $0x5;
	s1 =	spop (v2sf)  }
0x121: {  	s0 =	sadd.f32 s0, s9;
	s30 =	spop (v2sf)  }
0x122: {  	(v2sf) =	vpush v31, $0x6;
	s9 =	spop (v2sf)  }
0x123: {  	s0 =	sadd.f32 s0, s10;
	s31 =	spop (v2sf)  }
0x124: {  	(v2sf) =	vpush v31, $0x7;
	s10 =	spop (v2sf)  }
0x125: {  	s0 =	sadd.f32 s0, s11;
	s13 =	spop (v2sf)  }
0x126: {  	(v2sf) =	vpush v31, $0x8;
	s11 =	spop (v2sf)  }
0x127: {  	s0 =	sadd.f32 s0, s12;
	s12 =	spop (v2sf)  }
0x128: {  	(v2sf) =	vpush v31, $0x9;
	s11 =	sadd.f32 s12, s11  }
0x129: {  	s0 =	sadd.f32 s0, s25;
	s25 =	spop (v2sf)  }
0x12a: {  	(v2sf) =	vpush v31, $0xA;
	s11 =	sadd.f32 s11, s25  }
0x12b: {  	s0 =	sadd.f32 s0, s26;
	s26 =	spop (v2sf)  }
0x12c: {  	(v2sf) =	vpush v31, $0xB;
	s11 =	sadd.f32 s11, s26  }
0x12d: {  	s0 =	sadd.f32 s0, s28;
	s25 =	spop (v2sf)  }
0x12e: {  	(v2sf) =	vpush v31, $0xC;
	s11 =	sadd.f32 s11, s25  }
0x12f: {  	s0 =	sadd.f32 s0, s29;
	s26 =	spop (v2sf)  }
0x130: {  	(v2sf) =	vpush v31, $0xD;
	s11 =	sadd.f32 s11, s26  }
0x131: {  	s0 =	sadd.f32 s0, s1;
	s28 =	spop (v2sf)  }
0x132: {  	(v2sf) =	vpush v31, $0xE;
	s1 =	sadd.f32 s11, s28  }
0x133: {  	s0 =	sadd.f32 s0, s30;
	s29 =	spop (v2sf)  }
0x134: {  	(v2sf) =	vpush v31, $0xF;
	s1 =	sadd.f32 s1, s29  }
0x135: {  	s0 =	sadd.f32 s0, s9;
	s30 =	spop (v2sf)  }
0x136: {  	s1 =	sadd.f32 s1, s30  }
0x137: {  	s0 =	sadd.f32 s0, s31;
	s11 =	spop (v2sf)  }
0x138: {  	s1 =	sadd.f32 s1, s11  }
0x139: {  	s0 =	sadd.f32 s0, s10;
	s12 =	spop (v2sf)  }
0x13a: {  	s1 =	sadd.f32 s1, s12  }
0x13b: {  	s0 =	sadd.f32 s0, s13;
	s13 =	spop (v2sf)  }
0x13c: {  	s1 =	sadd.f32 s1, s13  }
0x13d: {  	s25 =	spop (v2sf)  }
0x13e: {  	s26 =	sadd.f32 s1, s25  }
0x13f: {  	v30 =	vmov s0;
	s28 =	spop (v2sf)  }
0x140: {  	v30 =	vmax.f32 v30, $1.000000000e+00;
	s0 =	sadd.f32 s26, s28  }
0x141: {  	v30 =	vbroadcast v30, $0x0;
	s29 =	spop (v2sf)  }
0x142: {  	s0 =	sadd.f32 s0, s29  }
0x143: {  	(erf) = vrcp.f32 v30;
	s30 =	spop (v2sf)  }
0x144: {  	s0 =	sadd.f32 s0, s30;
	_ =	sdelay $0x1  }
0x145: {  	v30 =	vmov s0  }
0x146: {  	v30 =	vmax.f32 v30, $1.000000000e+00  }
0x147: {  	v30 =	vbroadcast v30, $0x0;
	_ =	sdelay $0x2  }
0x148: {  	(erf) = vrcp.f32 v30  }
0x149: {  	v30 =	vpop (erf)  }
0x14a: {  	v62 =	vld [tilespmem:s23+$0x6D60];
	s31 =	sshll.u32 s24, $0x8;
	v18 =	vmul.f32 v30, v18  }
0x14b: {  	v63 =	vld [tilespmem:s23+$0x6D70];
	s0 =	sand.u32 $0x3FFFFF00, s31;
	v15 =	vmul.f32 v30, v15  }
0x14c: {  	v5 =	vadd.f32 v26, v5;
	v31 =	vld [tilespmem:s23+$0x6CF0];
	v14 =	vmul.f32 v30, v14;
	[tilespmem:s0+$0xF000] =	vst v18  }
0x14d: {  	v13 =	vmul.f32 v30, v13;
	[tilespmem:s0+$0xF020] =	vst v15;
	v15 =	vadd.f32 v27, v21  }
0x14e: {  	v5 =	vadd.f32 v7, v5;
	v7 =	vmul.f32 v30, v16;
	[tilespmem:s0+$0xF010] =	vst v14  }
0x14f: {  	v10 =	vmul.f32 v30, v10;
	[tilespmem:s0+$0xF030] =	vst v13  }
0x150: {  	v14 =	vmul.f32 v30, v19;
	v13 =	vmul.f32 v30, v17;
	v17 =	vadd.f32 v28, v22;
	[tilespmem:s0+$0xF060] =	vst v7  }
0x151: {  	v12 =	vadd.f32 v23, v12;
	[tilespmem:s0+$0xF070] =	vst v10;
	v6 =	vadd.f32 v6, v15;
	v15 =	vpop (erf)  }
0x152: {  	v7 =	vadd.f32 v24, v11;
	[tilespmem:s0+$0xF040] =	vst v14;
	v4 =	vadd.f32 v4, v17;
	v5 =	vmul.f32 v15, v5  }
0x153: {  	v1 =	vadd.f32 v1, v12;
	v14 =	vadd.f32 v29, v20;
	[tilespmem:s0+$0xF050] =	vst v13;
	v6 =	vmul.f32 v15, v6  }
0x154: {  	v9 =	vadd.f32 v25, v9;
	v2 =	vadd.f32 v2, v7;
	v4 =	vmul.f32 v15, v4;
	[tilespmem:s0+$0xF080] =	vst v5  }
0x155: {  	v3 =	vadd.f32 v3, v14;
	v1 =	vmul.f32 v15, v1;
	v5 =	vadd.f32 v31, v8;
	[tilespmem:s0+$0xF090] =	vst v6  }
0x156: {  	v2 =	vmul.f32 v15, v2;
	v6 =	vadd.f32 v62, v9;
	[tilespmem:s0+$0xF0A0] =	vst v4  }
0x157: {  	v3 =	vmul.f32 v15, v3;
	[tilespmem:s0+$0xF0C0] =	vst v1;
	v4 =	vadd.f32 v63, v5  }
0x158: {  	[tilespmem:s0+$0xF0D0] =	vst v2;
	v1 =	vmul.f32 v15, v6  }
0x159: {  	[tilespmem:s0+$0xF0B0] =	vst v3;
	v2 =	vmul.f32 v15, v4  }
0x15a: {  	[tilespmem:s0+$0xF0E0] =	vst v1  }
0x15b: {  	[tilespmem:s0+$0xF0F0] =	vst v2  }
0x15c: {  	_ =	swait.ge [sflag:s14], $0x3200  }
0x15d: {  	s23 =	simm.s32 $0x80;
	s9 =	simm.s32 @!p0 $0x5400;
	[sflag:s14] =	ssyncset.done $0x0  }
0x15e: {  	s1 =	simm.s32 @!p0 $0x64;
	s0 =	sadd.s32 @!p0 $0x280, s21;
	[sflag:s14] =	ssyncadd.s32 $0xFFFFCE00  }
0x15f: {  	[tilespmem:s9], [sflag:$0x1] =	stream.indirect.gather @!p0 [hbm4b:s2+s1], $0x80, s0, s1, $0xb8;
	[tilespmem:$0x13000] =	vst v63  }
0x160: {  	v8 =	vld [tilespmem:s23+$0x8800]  }
0x161: {  	v9 =	vld [tilespmem:s23+$0x8810]  }
0x162: {  	v10 =	vld [tilespmem:s23+$0x8820]  }
0x163: {  	v11 =	vld [tilespmem:s23+$0x8830]  }
0x164: {  	v12 =	vld [tilespmem:s23+$0x8840]  }
0x165: {  	v16 =	vld [tilespmem:s23+$0x8850]  }
0x166: {  	v20 =	vld [tilespmem:s23+$0x8860]  }
0x167: {  	v21 =	vld [tilespmem:s23+$0x8870]  }
0x168: {  	v7 =	vld [tilespmem:s23+$0xA100]  }
0x169: {  	v6 =	vld [tilespmem:s23+$0xA110]  }
0x16a: {  	v4 =	vld [tilespmem:s23+$0xA120]  }
0x16b: {  	v3 =	vld [tilespmem:s23+$0xA130]  }
0x16c: {  	v1 =	vld [tilespmem:s23+$0x8780]  }
0x16d: {  	v2 =	vld [tilespmem:s23+$0x8790]  }
0x16e: {  	v13 =	vld [tilespmem:s23+$0x87A0]  }
0x16f: {  	v14 =	vld [tilespmem:s23+$0x87B0]  }
0x170: {  	v17 =	vld [tilespmem:s23+$0x87C0]  }
0x171: {  	v19 =	vld [tilespmem:s23+$0x87D0]  }
0x172: {  	v5 =	vimm.f32 $0.0e+00;
	v22 =	vld [tilespmem:s23+$0x87E0]  }
0x173: {  	v24 =	vld [tilespmem:s23+$0x87F0];
	v15 =	vadd.f32 v1, v5;
	v23 =	vadd.f32 v2, v5  }
0x174: {  	v26 =	vld [tilespmem:s23+$0xA080];
	v13 =	vadd.f32 v13, v5;
	v25 =	vadd.f32 v14, v5  }
0x175: {  	v27 =	vld [tilespmem:s23+$0xA090];
	v18 =	vadd.f32 v8, v15;
	v14 =	vadd.f32 v9, v23  }
0x176: {  	v28 =	vld [tilespmem:s23+$0xA0A0];
	v15 =	vadd.f32 v10, v13;
	v13 =	vadd.f32 v11, v25  }
0x177: {  	v29 =	vld [tilespmem:s23+$0xA0B0];
	v8 =	vadd.f32 v17, v5;
	v9 =	vadd.f32 v19, v5  }
0x178: {  	v1 =	vld [tilespmem:s23+$0xA140];
	v10 =	vadd.f32 v22, v5;
	v11 =	vadd.f32 v24, v5  }
0x179: {  	v2 =	vld [tilespmem:s23+$0xA150];
	v19 =	vadd.f32 v12, v8;
	v17 =	vadd.f32 v16, v9  }
0x17a: {  	v23 =	vld [tilespmem:s23+$0xA0C0];
	v22 =	vimm.f32 $0.0e+00;
	v16 =	vadd.f32 v20, v10;
	v10 =	vadd.f32 v21, v11  }
0x17b: {  	v24 =	vld [tilespmem:s23+$0xA0D0];
	v21 =	vimm.f32 $0.0e+00;
	v20 =	vimm.f32 $0.0e+00;
	v12 =	vimm.f32 $0.0e+00  }
0x17c: {  	s24 =	simm.s32 $0x600;
	v25 =	vld [tilespmem:s23+$0xA0E0];
	v11 =	vimm.f32 $0.0e+00;
	v9 =	vimm.f32 $0.0e+00;
	v8 =	vimm.f32 $0.0e+00  }
.LBB2_7:
0x17d: {  	p1 =	sne.s32 s24, $0x6200;
	v5 =	vadd.f32 v26, v5;
	v21 =	vadd.f32 v27, v21;
	v26 =	vld [tilespmem:s23+$0xA0F0]  }
0x17e: {  	v22 =	vadd.f32 v28, v22;
	v20 =	vadd.f32 v29, v20;
	v27 =	vld [tilespmem:s23+$0xA160]  }
0x17f: {  	v5 =	vadd.f32 v7, v5;
	v21 =	vadd.f32 v6, v21;
	v6 =	vld [tilespmem:s23+$0xA170];
	s23 =	sshra.s32 s24, $0x2  }
0x180: {  	v22 =	vadd.f32 v4, v22;
	v28 =	vld [tilespmem:s23+$0x8800];
	v20 =	vadd.f32 v3, v20  }
0x181: {  	v3 =	vadd.f32 v23, v12;
	v4 =	vadd.f32 v24, v11;
	v29 =	vld [tilespmem:s23+$0x8810]  }
0x182: {  	v7 =	vadd.f32 v25, v9;
	v23 =	vld [tilespmem:s23+$0x8820];
	v8 =	vadd.f32 v26, v8  }
0x183: {  	v12 =	vadd.f32 v1, v3;
	v11 =	vadd.f32 v2, v4;
	v24 =	vld [tilespmem:s23+$0x8830]  }
0x184: {  	v9 =	vadd.f32 v27, v7;
	v25 =	vld [tilespmem:s23+$0x8840];
	v8 =	vadd.f32 v6, v8  }
0x185: {  	v30 =	vld [tilespmem:s23+$0x8850]  }
0x186: {  	v31 =	vld [tilespmem:s23+$0x8860]  }
0x187: {  	v32 =	vld [tilespmem:s23+$0x8870]  }
0x188: {  	v7 =	vld [tilespmem:s23+$0xA100]  }
0x189: {  	v6 =	vld [tilespmem:s23+$0xA110]  }
0x18a: {  	v4 =	vld [tilespmem:s23+$0xA120]  }
0x18b: {  	v3 =	vld [tilespmem:s23+$0xA130]  }
0x18c: {  	v1 =	vld [tilespmem:s23+$0xA140]  }
0x18d: {  	v2 =	vld [tilespmem:s23+$0xA150]  }
0x18e: {  	v26 =	vld [tilespmem:s23+$0x8780]  }
0x18f: {  	v27 =	vld [tilespmem:s23+$0x8790]  }
0x190: {  	v33 =	vld [tilespmem:s23+$0x87A0]  }
0x191: {  	v34 =	vld [tilespmem:s23+$0x87B0]  }
0x192: {  	v35 =	vld [tilespmem:s23+$0x87C0]  }
0x193: {  	v36 =	vld [tilespmem:s23+$0x87D0]  }
0x194: {  	v37 =	vld [tilespmem:s23+$0x87E0]  }
0x195: {  	v18 =	vadd.f32 v26, v18;
	v14 =	vadd.f32 v27, v14;
	v38 =	vld [tilespmem:s23+$0x87F0]  }
0x196: {  	v15 =	vadd.f32 v33, v15;
	v13 =	vadd.f32 v34, v13;
	v26 =	vld [tilespmem:s23+$0xA080]  }
0x197: {  	v18 =	vadd.f32 v28, v18;
	v14 =	vadd.f32 v29, v14;
	v27 =	vld [tilespmem:s23+$0xA090]  }
.Ltmp2:
0x198: {  	v15 =	vadd.f32 v23, v15;
	v28 =	vld [tilespmem:s23+$0xA0A0];
	v13 =	vadd.f32 v24, v13;
	(pc) =	sbr.rel @p1 .LBB2_7-.Ltmp2, $4  }
0x199: {  	v19 =	vadd.f32 v35, v19;
	v17 =	vadd.f32 v36, v17;
	v29 =	vld [tilespmem:s23+$0xA0B0]  }
0x19a: {  	v16 =	vadd.f32 v37, v16;
	v10 =	vadd.f32 v38, v10;
	v23 =	vld [tilespmem:s23+$0xA0C0]  }
0x19b: {  	v19 =	vadd.f32 v25, v19;
	v17 =	vadd.f32 v30, v17;
	v24 =	vld [tilespmem:s23+$0xA0D0]  }
0x19c: {  	s24 =	sadd.s32 $0x400, s24;
	v16 =	vadd.f32 v31, v16;
	v25 =	vld [tilespmem:s23+$0xA0E0];
	v10 =	vadd.f32 v32, v10  }
0x19d: {  	s22 =	sor.u32 $0x2, s22  }
0x19e: {  	s0 =	sshll.u32 s22, $0x7  }
0x19f: {  	s0 =	sand.u32 $0x3FFFFF80, s0  }
0x1a0: {  	v30 =	vld [tilespmem:s0+$0x0]  }
0x1a1: {  	v31 =	vld [tilespmem:s0+$0x10];
	_ =	sdelay $0x1  }
0x1a2: {  	v32 =	vld [tilespmem:s0+$0x20]  }
0x1a3: {  	v33 =	vld [tilespmem:s0+$0x30];
	_ =	sdelay $0x1  }
0x1a4: {  	vm2 =	veq.s32 v30, $0x0;
	vm3 =	veq.s32 v31, $0x0  }
0x1a5: {  	v30 =	vsel vm2, $0x0, v0;
	v31 =	vsel vm3, $0x0, v0  }
0x1a6: {  	vm2 =	veq.s32 v32, $0x0;
	v30 =	vadd.f32 v31, v30  }
0x1a7: {  	v31 =	vsel vm2, $0x0, v0;
	vm2 =	veq.s32 v33, $0x0  }
0x1a8: {  	v56 =	vsel vm2, $0x0, v0;
	v30 =	vadd.f32 v31, v30  }
0x1a9: {  	v31 =	vnsel vm0, $0x0, v56  }
0x1aa: {  	v30 =	vadd.f32 v31, v30;
	_ =	sdelay $0x1  }
0x1ab: {  	(v2sf) =	vpush v30, $0x0  }
0x1ac: {  	(v2sf) =	vpush v30, $0x1  }
0x1ad: {  	(v2sf) =	vpush v30, $0x2  }
0x1ae: {  	v57 =	vld [tilespmem:s0+$0x40];
	(v2sf) =	vpush v30, $0x3  }
0x1af: {  	(v2sf) =	vpush v30, $0x4  }
0x1b0: {  	v34 =	vld [tilespmem:s0+$0x50];
	(v2sf) =	vpush v30, $0x5  }
0x1b1: {  	v35 =	vld [tilespmem:s0+$0x54];
	(v2sf) =	vpush v30, $0x6  }
0x1b2: {  	(v2sf) =	vpush v30, $0x7  }
0x1b3: {  	vm2 =	veq.s32 v57, $0x0;
	v31 =	vsub.f32 v56, v31;
	(v2sf) =	vpush v30, $0x8  }
0x1b4: {  	v58 =	vsel vm2, $0x0, v0;
	(v2sf) =	vpush v30, $0x9  }
0x1b5: {  	vm2 =	veq.s32 v34, $0x0;
	v31 =	vadd.f32 v31, v58;
	(v2sf) =	vpush v30, $0xA  }
0x1b6: {  	v59 =	vsel vm2, $0x0, v0;
	vm2 =	veq.s32 v35, $0x0;
	(v2sf) =	vpush v30, $0xB  }
0x1b7: {  	v60 =	vsel vm2, $0x0, v0;
	v31 =	vadd.f32 v31, v59;
	(v2sf) =	vpush v30, $0xC  }
0x1b8: {  	v61 =	vsel vm1, $0x0, v60;
	(v2sf) =	vpush v30, $0xD  }
0x1b9: {  	v31 =	vadd.f32 v61, v31;
	(v2sf) =	vpush v30, $0xE  }
0x1ba: {  	s30 =	spop (v2sf);
	(v2sf) =	vpush v30, $0xF  }
0x1bb: {  	s1 =	spop (v2sf);
	(v2sf) =	vpush v31, $0x0  }
0x1bc: {  	s9 =	spop (v2sf);
	(v2sf) =	vpush v31, $0x1  }
0x1bd: {  	s10 =	spop (v2sf)  }
0x1be: {  	(v2sf) =	vpush v31, $0x2;
	s11 =	spop (v2sf)  }
0x1bf: {  	s12 =	spop (v2sf)  }
0x1c0: {  	(v2sf) =	vpush v31, $0x3;
	s13 =	spop (v2sf)  }
0x1c1: {  	s24 =	spop (v2sf)  }
0x1c2: {  	(v2sf) =	vpush v31, $0x4;
	s25 =	spop (v2sf)  }
0x1c3: {  	s0 =	sadd.f32 s1, s30;
	s26 =	spop (v2sf)  }
0x1c4: {  	(v2sf) =	vpush v31, $0x5;
	s1 =	spop (v2sf)  }
0x1c5: {  	s0 =	sadd.f32 s0, s9;
	s28 =	spop (v2sf)  }
0x1c6: {  	(v2sf) =	vpush v31, $0x6;
	s9 =	spop (v2sf)  }
0x1c7: {  	s0 =	sadd.f32 s0, s10;
	s29 =	spop (v2sf)  }
0x1c8: {  	(v2sf) =	vpush v31, $0x7;
	s10 =	spop (v2sf)  }
0x1c9: {  	s0 =	sadd.f32 s0, s11;
	s30 =	spop (v2sf)  }
0x1ca: {  	(v2sf) =	vpush v31, $0x8;
	s11 =	spop (v2sf)  }
0x1cb: {  	s0 =	sadd.f32 s0, s12;
	s31 =	spop (v2sf)  }
0x1cc: {  	(v2sf) =	vpush v31, $0x9;
	s11 =	sadd.f32 s31, s11  }
0x1cd: {  	s0 =	sadd.f32 s0, s13;
	s31 =	spop (v2sf)  }
0x1ce: {  	(v2sf) =	vpush v31, $0xA;
	s11 =	sadd.f32 s11, s31  }
0x1cf: {  	s0 =	sadd.f32 s0, s24;
	s13 =	spop (v2sf)  }
0x1d0: {  	(v2sf) =	vpush v31, $0xB;
	s11 =	sadd.f32 s11, s13  }
0x1d1: {  	s0 =	sadd.f32 s0, s25;
	s24 =	spop (v2sf)  }
0x1d2: {  	(v2sf) =	vpush v31, $0xC;
	s11 =	sadd.f32 s11, s24  }
0x1d3: {  	s0 =	sadd.f32 s0, s26;
	s25 =	spop (v2sf)  }
0x1d4: {  	(v2sf) =	vpush v31, $0xD;
	s11 =	sadd.f32 s11, s25  }
0x1d5: {  	s0 =	sadd.f32 s0, s1;
	s26 =	spop (v2sf)  }
0x1d6: {  	(v2sf) =	vpush v31, $0xE;
	s1 =	sadd.f32 s11, s26  }
0x1d7: {  	s31 =	spop (v2sf)  }
0x1d8: {  	(v2sf) =	vpush v31, $0xF;
	s1 =	sadd.f32 s1, s31  }
0x1d9: {  	s0 =	sadd.f32 s0, s28;
	s11 =	spop (v2sf)  }
0x1da: {  	s1 =	sadd.f32 s1, s11  }
0x1db: {  	s0 =	sadd.f32 s0, s9;
	s12 =	spop (v2sf)  }
0x1dc: {  	s1 =	sadd.f32 s1, s12  }
0x1dd: {  	s0 =	sadd.f32 s0, s29;
	s13 =	spop (v2sf)  }
0x1de: {  	s1 =	sadd.f32 s1, s13  }
0x1df: {  	s0 =	sadd.f32 s0, s10;
	s24 =	spop (v2sf)  }
0x1e0: {  	s1 =	sadd.f32 s1, s24  }
0x1e1: {  	s0 =	sadd.f32 s0, s30;
	s25 =	spop (v2sf)  }
0x1e2: {  	s26 =	sadd.f32 s1, s25  }
0x1e3: {  	v30 =	vmov s0;
	s28 =	spop (v2sf)  }
0x1e4: {  	v30 =	vmax.f32 v30, $1.000000000e+00;
	s0 =	sadd.f32 s26, s28  }
0x1e5: {  	v30 =	vbroadcast v30, $0x0;
	s29 =	spop (v2sf)  }
0x1e6: {  	s0 =	sadd.f32 s0, s29  }
0x1e7: {  	(erf) = vrcp.f32 v30;
	s30 =	spop (v2sf)  }
0x1e8: {  	s0 =	sadd.f32 s0, s30;
	_ =	sdelay $0x1  }
0x1e9: {  	v30 =	vmov s0  }
0x1ea: {  	v30 =	vmax.f32 v30, $1.000000000e+00  }
0x1eb: {  	v30 =	vbroadcast v30, $0x0;
	_ =	sdelay $0x2  }
0x1ec: {  	(erf) = vrcp.f32 v30  }
0x1ed: {  	v30 =	vpop (erf)  }
0x1ee: {  	v62 =	vld [tilespmem:s23+$0xA160];
	s31 =	sshll.u32 s22, $0x8;
	v18 =	vmul.f32 v30, v18  }
0x1ef: {  	v63 =	vld [tilespmem:s23+$0xA170];
	s0 =	sand.u32 $0x3FFFFF00, s31;
	v15 =	vmul.f32 v30, v15  }
0x1f0: {  	v5 =	vadd.f32 v26, v5;
	v31 =	vld [tilespmem:s23+$0xA0F0];
	v14 =	vmul.f32 v30, v14;
	[tilespmem:s0+$0xF000] =	vst v18  }
0x1f1: {  	v13 =	vmul.f32 v30, v13;
	[tilespmem:s0+$0xF020] =	vst v15;
	v15 =	vadd.f32 v27, v21  }
0x1f2: {  	v5 =	vadd.f32 v7, v5;
	v7 =	vmul.f32 v30, v16;
	[tilespmem:s0+$0xF010] =	vst v14  }
0x1f3: {  	v10 =	vmul.f32 v30, v10;
	[tilespmem:s0+$0xF030] =	vst v13  }
0x1f4: {  	v14 =	vmul.f32 v30, v19;
	v13 =	vmul.f32 v30, v17;
	v17 =	vadd.f32 v28, v22;
	[tilespmem:s0+$0xF060] =	vst v7  }
0x1f5: {  	v12 =	vadd.f32 v23, v12;
	[tilespmem:s0+$0xF070] =	vst v10;
	v6 =	vadd.f32 v6, v15;
	v15 =	vpop (erf)  }
0x1f6: {  	v7 =	vadd.f32 v24, v11;
	[tilespmem:s0+$0xF040] =	vst v14;
	v4 =	vadd.f32 v4, v17;
	v5 =	vmul.f32 v15, v5  }
0x1f7: {  	v1 =	vadd.f32 v1, v12;
	v14 =	vadd.f32 v29, v20;
	[tilespmem:s0+$0xF050] =	vst v13;
	v6 =	vmul.f32 v15, v6  }
0x1f8: {  	v9 =	vadd.f32 v25, v9;
	v2 =	vadd.f32 v2, v7;
	v4 =	vmul.f32 v15, v4;
	[tilespmem:s0+$0xF080] =	vst v5  }
0x1f9: {  	v3 =	vadd.f32 v3, v14;
	v1 =	vmul.f32 v15, v1;
	v5 =	vadd.f32 v31, v8;
	[tilespmem:s0+$0xF090] =	vst v6  }
0x1fa: {  	v2 =	vmul.f32 v15, v2;
	v6 =	vadd.f32 v62, v9;
	[tilespmem:s0+$0xF0A0] =	vst v4  }
0x1fb: {  	v3 =	vmul.f32 v15, v3;
	[tilespmem:s0+$0xF0C0] =	vst v1;
	v4 =	vadd.f32 v63, v5  }
0x1fc: {  	[tilespmem:s0+$0xF0D0] =	vst v2;
	v1 =	vmul.f32 v15, v6  }
0x1fd: {  	[tilespmem:s0+$0xF0B0] =	vst v3;
	v2 =	vmul.f32 v15, v4  }
0x1fe: {  	[tilespmem:s0+$0xF0E0] =	vst v1  }
0x1ff: {  	[tilespmem:s0+$0xF0F0] =	vst v2  }
0x200: {  	_ =	swait.ge [sflag:s14], $0x3200  }
0x201: {  	s9 =	simm.s32 @!p0 $0x8800;
	s1 =	simm.s32 @!p0 $0x64;
	[sflag:s14] =	ssyncset.done $0x0  }
0x202: {  	s0 =	sadd.s32 @!p0 $0x300, s21;
	s21 =	simm.s32 $0x80;
	[sflag:s14] =	ssyncadd.s32 $0xFFFFCE00  }
0x203: {  	[tilespmem:s9], [sflag:$0x1] =	stream.indirect.gather @!p0 [hbm4b:s2+s1], $0x80, s0, s1, $0xb8;
	[tilespmem:$0x13000] =	vst v63  }
0x204: {  	v8 =	vld [tilespmem:s21+$0xBC00]  }
0x205: {  	v9 =	vld [tilespmem:s21+$0xBC10]  }
0x206: {  	v10 =	vld [tilespmem:s21+$0xBC20]  }
0x207: {  	v11 =	vld [tilespmem:s21+$0xBC30]  }
0x208: {  	v12 =	vld [tilespmem:s21+$0xBC40]  }
0x209: {  	v16 =	vld [tilespmem:s21+$0xBC50]  }
0x20a: {  	v20 =	vld [tilespmem:s21+$0xBC60]  }
0x20b: {  	v21 =	vld [tilespmem:s21+$0xBC70]  }
0x20c: {  	v7 =	vld [tilespmem:s21+$0xD500]  }
0x20d: {  	v6 =	vld [tilespmem:s21+$0xD510]  }
0x20e: {  	v4 =	vld [tilespmem:s21+$0xD520]  }
0x20f: {  	v3 =	vld [tilespmem:s21+$0xD530]  }
0x210: {  	v1 =	vld [tilespmem:s21+$0xBB80]  }
0x211: {  	v2 =	vld [tilespmem:s21+$0xBB90]  }
0x212: {  	v13 =	vld [tilespmem:s21+$0xBBA0]  }
0x213: {  	v14 =	vld [tilespmem:s21+$0xBBB0]  }
0x214: {  	v17 =	vld [tilespmem:s21+$0xBBC0]  }
0x215: {  	v19 =	vld [tilespmem:s21+$0xBBD0]  }
0x216: {  	v5 =	vimm.f32 $0.0e+00;
	v22 =	vld [tilespmem:s21+$0xBBE0]  }
0x217: {  	v24 =	vld [tilespmem:s21+$0xBBF0];
	v15 =	vadd.f32 v1, v5;
	v23 =	vadd.f32 v2, v5  }
0x218: {  	v26 =	vld [tilespmem:s21+$0xD480];
	v13 =	vadd.f32 v13, v5;
	v25 =	vadd.f32 v14, v5  }
0x219: {  	v27 =	vld [tilespmem:s21+$0xD490];
	v18 =	vadd.f32 v8, v15;
	v14 =	vadd.f32 v9, v23  }
0x21a: {  	v28 =	vld [tilespmem:s21+$0xD4A0];
	v15 =	vadd.f32 v10, v13;
	v13 =	vadd.f32 v11, v25  }
0x21b: {  	v29 =	vld [tilespmem:s21+$0xD4B0];
	v8 =	vadd.f32 v17, v5;
	v9 =	vadd.f32 v19, v5  }
0x21c: {  	v1 =	vld [tilespmem:s21+$0xD540];
	v10 =	vadd.f32 v22, v5;
	v11 =	vadd.f32 v24, v5  }
0x21d: {  	v2 =	vld [tilespmem:s21+$0xD550];
	v19 =	vadd.f32 v12, v8;
	v17 =	vadd.f32 v16, v9  }
0x21e: {  	v23 =	vld [tilespmem:s21+$0xD4C0];
	v22 =	vimm.f32 $0.0e+00;
	v16 =	vadd.f32 v20, v10;
	v10 =	vadd.f32 v21, v11  }
0x21f: {  	v24 =	vld [tilespmem:s21+$0xD4D0];
	v21 =	vimm.f32 $0.0e+00;
	v20 =	vimm.f32 $0.0e+00;
	v12 =	vimm.f32 $0.0e+00  }
0x220: {  	s22 =	simm.s32 $0x600;
	v25 =	vld [tilespmem:s21+$0xD4E0];
	v11 =	vimm.f32 $0.0e+00;
	v9 =	vimm.f32 $0.0e+00;
	v8 =	vimm.f32 $0.0e+00  }
.LBB2_9:
0x221: {  	p0 =	sne.s32 s22, $0x6200;
	v5 =	vadd.f32 v26, v5;
	v21 =	vadd.f32 v27, v21;
	v26 =	vld [tilespmem:s21+$0xD4F0]  }
0x222: {  	v22 =	vadd.f32 v28, v22;
	v20 =	vadd.f32 v29, v20;
	v27 =	vld [tilespmem:s21+$0xD560]  }
0x223: {  	v5 =	vadd.f32 v7, v5;
	v21 =	vadd.f32 v6, v21;
	v6 =	vld [tilespmem:s21+$0xD570];
	s21 =	sshra.s32 s22, $0x2  }
0x224: {  	v22 =	vadd.f32 v4, v22;
	v28 =	vld [tilespmem:s21+$0xBC00];
	v20 =	vadd.f32 v3, v20  }
0x225: {  	v3 =	vadd.f32 v23, v12;
	v4 =	vadd.f32 v24, v11;
	v29 =	vld [tilespmem:s21+$0xBC10]  }
0x226: {  	v7 =	vadd.f32 v25, v9;
	v23 =	vld [tilespmem:s21+$0xBC20];
	v8 =	vadd.f32 v26, v8  }
0x227: {  	v12 =	vadd.f32 v1, v3;
	v11 =	vadd.f32 v2, v4;
	v24 =	vld [tilespmem:s21+$0xBC30]  }
0x228: {  	v9 =	vadd.f32 v27, v7;
	v25 =	vld [tilespmem:s21+$0xBC40];
	v8 =	vadd.f32 v6, v8  }
0x229: {  	v30 =	vld [tilespmem:s21+$0xBC50]  }
0x22a: {  	v31 =	vld [tilespmem:s21+$0xBC60]  }
0x22b: {  	v32 =	vld [tilespmem:s21+$0xBC70]  }
0x22c: {  	v7 =	vld [tilespmem:s21+$0xD500]  }
0x22d: {  	v6 =	vld [tilespmem:s21+$0xD510]  }
0x22e: {  	v4 =	vld [tilespmem:s21+$0xD520]  }
0x22f: {  	v3 =	vld [tilespmem:s21+$0xD530]  }
0x230: {  	v1 =	vld [tilespmem:s21+$0xD540]  }
0x231: {  	v2 =	vld [tilespmem:s21+$0xD550]  }
0x232: {  	v26 =	vld [tilespmem:s21+$0xBB80]  }
0x233: {  	v27 =	vld [tilespmem:s21+$0xBB90]  }
0x234: {  	v33 =	vld [tilespmem:s21+$0xBBA0]  }
0x235: {  	v34 =	vld [tilespmem:s21+$0xBBB0]  }
0x236: {  	v35 =	vld [tilespmem:s21+$0xBBC0]  }
0x237: {  	v36 =	vld [tilespmem:s21+$0xBBD0]  }
0x238: {  	v37 =	vld [tilespmem:s21+$0xBBE0]  }
0x239: {  	v18 =	vadd.f32 v26, v18;
	v14 =	vadd.f32 v27, v14;
	v38 =	vld [tilespmem:s21+$0xBBF0]  }
0x23a: {  	v15 =	vadd.f32 v33, v15;
	v13 =	vadd.f32 v34, v13;
	v26 =	vld [tilespmem:s21+$0xD480]  }
0x23b: {  	v18 =	vadd.f32 v28, v18;
	v14 =	vadd.f32 v29, v14;
	v27 =	vld [tilespmem:s21+$0xD490]  }
.Ltmp3:
0x23c: {  	v15 =	vadd.f32 v23, v15;
	v28 =	vld [tilespmem:s21+$0xD4A0];
	v13 =	vadd.f32 v24, v13;
	(pc) =	sbr.rel @p0 .LBB2_9-.Ltmp3, $4  }
0x23d: {  	v19 =	vadd.f32 v35, v19;
	v17 =	vadd.f32 v36, v17;
	v29 =	vld [tilespmem:s21+$0xD4B0]  }
0x23e: {  	v16 =	vadd.f32 v37, v16;
	v10 =	vadd.f32 v38, v10;
	v23 =	vld [tilespmem:s21+$0xD4C0]  }
0x23f: {  	v19 =	vadd.f32 v25, v19;
	v17 =	vadd.f32 v30, v17;
	v24 =	vld [tilespmem:s21+$0xD4D0]  }
0x240: {  	s22 =	sadd.s32 $0x400, s22;
	v16 =	vadd.f32 v31, v16;
	v25 =	vld [tilespmem:s21+$0xD4E0];
	v10 =	vadd.f32 v32, v10  }
0x241: {  	v30 =	vld [tilespmem:s20+$0x0]  }
0x242: {  	v31 =	vld [tilespmem:s20+$0x10];
	_ =	sdelay $0x1  }
0x243: {  	v32 =	vld [tilespmem:s20+$0x20]  }
0x244: {  	v33 =	vld [tilespmem:s20+$0x30];
	_ =	sdelay $0x1  }
0x245: {  	vm2 =	veq.s32 v30, $0x0;
	vm3 =	veq.s32 v31, $0x0  }
0x246: {  	v30 =	vsel vm2, $0x0, v0;
	v31 =	vsel vm3, $0x0, v0  }
0x247: {  	vm2 =	veq.s32 v32, $0x0;
	v30 =	vadd.f32 v31, v30  }
0x248: {  	v39 =	vsel vm2, $0x0, v0;
	vm2 =	veq.s32 v33, $0x0  }
0x249: {  	v40 =	vsel vm2, $0x0, v0;
	v30 =	vadd.f32 v39, v30  }
0x24a: {  	v41 =	vnsel vm0, $0x0, v40  }
0x24b: {  	v30 =	vadd.f32 v41, v30;
	_ =	sdelay $0x1  }
0x24c: {  	(v2sf) =	vpush v30, $0x0  }
0x24d: {  	(v2sf) =	vpush v30, $0x1  }
0x24e: {  	(v2sf) =	vpush v30, $0x2  }
0x24f: {  	v42 =	vld [tilespmem:s20+$0x40];
	(v2sf) =	vpush v30, $0x3  }
0x250: {  	(v2sf) =	vpush v30, $0x4  }
0x251: {  	v34 =	vld [tilespmem:s20+$0x50];
	(v2sf) =	vpush v30, $0x5  }
0x252: {  	v35 =	vld [tilespmem:s20+$0x54];
	(v2sf) =	vpush v30, $0x6  }
0x253: {  	(v2sf) =	vpush v30, $0x7  }
0x254: {  	vm2 =	veq.s32 v42, $0x0;
	v31 =	vsub.f32 v40, v41;
	(v2sf) =	vpush v30, $0x8  }
0x255: {  	v43 =	vsel vm2, $0x0, v0;
	(v2sf) =	vpush v30, $0x9  }
0x256: {  	vm2 =	veq.s32 v34, $0x0;
	v31 =	vadd.f32 v31, v43;
	(v2sf) =	vpush v30, $0xA  }
0x257: {  	v44 =	vsel vm2, $0x0, v0;
	vm2 =	veq.s32 v35, $0x0;
	(v2sf) =	vpush v30, $0xB  }
0x258: {  	v45 =	vsel vm2, $0x0, v0;
	v31 =	vadd.f32 v31, v44;
	(v2sf) =	vpush v30, $0xC  }
0x259: {  	v46 =	vsel vm1, $0x0, v45;
	(v2sf) =	vpush v30, $0xD  }
0x25a: {  	v31 =	vadd.f32 v46, v31;
	(v2sf) =	vpush v30, $0xE  }
0x25b: {  	s0 =	spop (v2sf);
	(v2sf) =	vpush v30, $0xF  }
0x25c: {  	s1 =	spop (v2sf);
	(v2sf) =	vpush v31, $0x0  }
0x25d: {  	s9 =	spop (v2sf);
	(v2sf) =	vpush v31, $0x1  }
0x25e: {  	s10 =	spop (v2sf)  }
0x25f: {  	(v2sf) =	vpush v31, $0x2;
	s11 =	spop (v2sf)  }
0x260: {  	s12 =	spop (v2sf)  }
0x261: {  	(v2sf) =	vpush v31, $0x3;
	s13 =	spop (v2sf)  }
0x262: {  	s29 =	spop (v2sf)  }
0x263: {  	(v2sf) =	vpush v31, $0x4;
	s22 =	spop (v2sf)  }
0x264: {  	s0 =	sadd.f32 s1, s0;
	s23 =	spop (v2sf)  }
0x265: {  	(v2sf) =	vpush v31, $0x5;
	s1 =	spop (v2sf)  }
0x266: {  	s0 =	sadd.f32 s0, s9;
	s24 =	spop (v2sf)  }
0x267: {  	(v2sf) =	vpush v31, $0x6;
	s9 =	spop (v2sf)  }
0x268: {  	s0 =	sadd.f32 s0, s10;
	s25 =	spop (v2sf)  }
0x269: {  	(v2sf) =	vpush v31, $0x7;
	s10 =	spop (v2sf)  }
0x26a: {  	s0 =	sadd.f32 s0, s11;
	s26 =	spop (v2sf)  }
0x26b: {  	(v2sf) =	vpush v31, $0x8;
	s30 =	spop (v2sf)  }
0x26c: {  	s0 =	sadd.f32 s0, s12;
	s31 =	spop (v2sf)  }
0x26d: {  	(v2sf) =	vpush v31, $0x9;
	s11 =	sadd.f32 s31, s30  }
0x26e: {  	s0 =	sadd.f32 s0, s13;
	s28 =	spop (v2sf)  }
0x26f: {  	(v2sf) =	vpush v31, $0xA;
	s11 =	sadd.f32 s11, s28  }
0x270: {  	s0 =	sadd.f32 s0, s29;
	s29 =	spop (v2sf)  }
0x271: {  	(v2sf) =	vpush v31, $0xB;
	s11 =	sadd.f32 s11, s29  }
0x272: {  	s0 =	sadd.f32 s0, s22;
	s30 =	spop (v2sf)  }
0x273: {  	(v2sf) =	vpush v31, $0xC;
	s11 =	sadd.f32 s11, s30  }
0x274: {  	s0 =	sadd.f32 s0, s23;
	s31 =	spop (v2sf)  }
0x275: {  	(v2sf) =	vpush v31, $0xD;
	s11 =	sadd.f32 s11, s31  }
0x276: {  	s0 =	sadd.f32 s0, s1;
	s12 =	spop (v2sf)  }
0x277: {  	(v2sf) =	vpush v31, $0xE;
	s1 =	sadd.f32 s11, s12  }
0x278: {  	s0 =	sadd.f32 s0, s24;
	s13 =	spop (v2sf)  }
0x279: {  	(v2sf) =	vpush v31, $0xF;
	s1 =	sadd.f32 s1, s13  }
0x27a: {  	s0 =	sadd.f32 s0, s9;
	s20 =	spop (v2sf)  }
0x27b: {  	s1 =	sadd.f32 s1, s20  }
0x27c: {  	s0 =	sadd.f32 s0, s25;
	s22 =	spop (v2sf)  }
0x27d: {  	s1 =	sadd.f32 s1, s22  }
0x27e: {  	s0 =	sadd.f32 s0, s10;
	s23 =	spop (v2sf)  }
0x27f: {  	s1 =	sadd.f32 s1, s23  }
0x280: {  	s0 =	sadd.f32 s0, s26;
	s24 =	spop (v2sf)  }
0x281: {  	s1 =	sadd.f32 s1, s24  }
0x282: {  	s25 =	spop (v2sf)  }
0x283: {  	v47 =	vmov s0;
	s26 =	sadd.f32 s1, s25  }
0x284: {  	v30 =	vmax.f32 v47, $1.000000000e+00;
	s28 =	spop (v2sf)  }
0x285: {  	v30 =	vbroadcast v30, $0x0;
	s0 =	sadd.f32 s26, s28  }
0x286: {  	s29 =	spop (v2sf)  }
0x287: {  	(erf) = vrcp.f32 v30;
	s0 =	sadd.f32 s0, s29  }
0x288: {  	s30 =	spop (v2sf)  }
0x289: {  	s0 =	sadd.f32 s0, s30;
	_ =	sdelay $0x1  }
0x28a: {  	v48 =	vmov s0  }
0x28b: {  	v30 =	vmax.f32 v48, $1.000000000e+00  }
0x28c: {  	v30 =	vbroadcast v30, $0x0;
	_ =	sdelay $0x1  }
0x28d: {  	(erf) = vrcp.f32 v30  }
0x28e: {  	v49 =	vpop (erf)  }
0x28f: {  	v50 =	vld [tilespmem:s21+$0xD4F0];
	s31 =	sshll.u32 s19, $0x8;
	v18 =	vmul.f32 v49, v18  }
0x290: {  	v51 =	vld [tilespmem:s21+$0xD560];
	v14 =	vmul.f32 v49, v14;
	s0 =	sand.u32 $0x3FFFFF00, s31  }
0x291: {  	v52 =	vld [tilespmem:s21+$0xD570];
	v15 =	vmul.f32 v49, v15;
	[tilespmem:s0+$0xF000] =	vst v18  }
0x292: {  	v13 =	vmul.f32 v49, v13;
	[tilespmem:s0+$0xF010] =	vst v14  }
0x293: {  	v5 =	vadd.f32 v26, v5;
	v53 =	vmul.f32 v49, v19;
	[tilespmem:s0+$0xF020] =	vst v15  }
0x294: {  	v54 =	vadd.f32 v27, v21;
	v55 =	vmul.f32 v49, v17;
	[tilespmem:s0+$0xF030] =	vst v13  }
0x295: {  	v56 =	vadd.f32 v28, v22;
	v5 =	vadd.f32 v7, v5;
	v57 =	vmul.f32 v49, v16;
	[tilespmem:s0+$0xF040] =	vst v53  }
0x296: {  	v58 =	vadd.f32 v29, v20;
	v6 =	vadd.f32 v6, v54;
	v10 =	vmul.f32 v49, v10;
	[tilespmem:s0+$0xF050] =	vst v55;
	v59 =	vpop (erf)  }
0x297: {  	v4 =	vadd.f32 v4, v56;
	v12 =	vadd.f32 v23, v12;
	[tilespmem:s0+$0xF060] =	vst v57;
	v5 =	vmul.f32 v59, v5  }
0x298: {  	v3 =	vadd.f32 v3, v58;
	v60 =	vadd.f32 v24, v11;
	[tilespmem:s0+$0xF070] =	vst v10;
	v6 =	vmul.f32 v59, v6  }
0x299: {  	v9 =	vadd.f32 v25, v9;
	v1 =	vadd.f32 v1, v12;
	v4 =	vmul.f32 v59, v4;
	[tilespmem:s0+$0xF080] =	vst v5  }
0x29a: {  	s18 =	sadd.s32 $0x1, s18;
	v61 =	vadd.f32 v50, v8;
	v2 =	vadd.f32 v2, v60;
	v3 =	vmul.f32 v59, v3;
	[tilespmem:s0+$0xF090] =	vst v6  }
0x29b: {  	p0 =	sne.s32 s18, $0x10;
	v62 =	vadd.f32 v51, v9;
	v1 =	vmul.f32 v59, v1;
	[tilespmem:s0+$0xF0A0] =	vst v4  }
.Ltmp4:
0x29c: {  	v63 =	vadd.f32 v52, v61;
	v2 =	vmul.f32 v59, v2;
	[tilespmem:s0+$0xF0B0] =	vst v3;
	(pc) =	sbr.rel @p0 .LBB2_2-.Ltmp4, $4  }
0x29d: {  	[tilespmem:s0+$0xF0C0] =	vst v1;
	v1 =	vmul.f32 v59, v62  }
0x29e: {  	[tilespmem:s0+$0xF0D0] =	vst v2;
	v2 =	vmul.f32 v59, v63  }
0x29f: {  	[tilespmem:s0+$0xF0E0] =	vst v1  }
0x2a0: {  	[tilespmem:s0+$0xF0F0] =	vst v2  }
0x2a1: {  	s17 =	sadd.s32 $0x1, s17  }
0x2a2: {  	p0 =	sne.s32 s17, s6  }
.Ltmp5:
0x2a3: {  	_ = 	snop;
	(pc) =	sbr.rel @p0 .LBB2_1-.Ltmp5, $4  }
0x2a4: {  	[hbm4b:s5+s3] =	stream.linear.scatter [tilespmem:s16], [sflag:$0x2], $0x4000, $0x38;
	[tilespmem:$0x13000] =	vst v63  }
0x2a5: {  	_ =	swait.ge [sflag:s7], $0x4000  }
0x2a6: {  	[sflag:s7] =	ssyncset.done $0x0  }
0x2a7: {  	[sflag:s7] =	ssyncadd.s32 $0xFFFFC000  }
0x2a8: {  	_ =	sfence.sel $0x180000  }
0x2a9: {  	[bflag:$0x0] =	sbarrier.arrive $0xFFFF  }
0x2aa: {  	_ =	strace $0x90000047  }
0x2ab: {  	s0 =	stileid.u32;
	[bflag:$0x2] =	sbarrier.arrive $0xFFFF  }
0x2ac: {  	p0 =	sne.s32 s0, $0x0;
	s0 =	rddreg [dreg:$0x3]  }
0x2ad: {  	s0 =	sadd.s32 @!p0 $0x100000, s0  }
0x2ae: {  	[sflag:s0] =	ssyncadd.tile.s32 @!p0 $0x1;
	_ =	shalt  }
.Lfunc_end2:
_tile_overlayer_lowered:
.L_overlay_start_2:
0x2af: {  	(tag) =	ssettag $0x2  }
0x2b0: {  	s0 =	rddreg [dreg:$0x0];
	s2 =	stileid.u32  }
0x2b1: {  	s1 =	rddreg [dreg:$0x1];
	p0 =	sne.s32 s2, $0x0  }
0x2b2: {  	s3 =	rddreg [dreg:$0x2];
	[bflag:$0x3] =	sbarrier.arrive $0xFFFF;
	s2 =	simm.s32 @!p0 $0x1C02  }
0x2b3: {  	[timem:s3], [sflag:s2] =	dma.local @!p0 [hbm:s0], s1  }
0x2b4: {  	s0 =	simm.s32 @!p0 $0x2  }
0x2b5: {  	_ =	swait.ge @!p0 [sflag:s0], s1  }
0x2b6: {  	s1 =	ssub.s32 @!p0 $0x0, s1;
	[sflag:s0] =	ssyncset.done @!p0 $0x0  }
0x2b7: {  	[sflag:s0] =	ssyncadd.s32 @!p0 s1  }
0x2b8: {  	[bflag:$0x3] =	sbarrier.arrive $0xFFFF  }
0x2b9: {  	_ =	shalt  }

</sc_bundles>
